<compile_context>
chip_gen: v7x
topology: tpu7x:2x2x1
jax: 0.10.2.dev20260603
libtpu: 0.0.44.dev20260713+nightly
codegen_flags: <defaults>
</compile_context>

<pallas_src>
import functools

import jax
import jax.numpy as jnp
from jax import lax
from jax.experimental import pallas as pl
from jax.experimental.pallas import tpu as pltpu
from jax.experimental.pallas import tpu_sc as plsc

VOCAB = 400000
EMB_DIM = 100
HIDDEN = 128
NUM_CLASSES = 4
BATCH = 4096
SEQLEN = 200

DP = 128
NC = 2
NS = 16
NW = NC * NS
CP = 128
CPW = (BATCH * SEQLEN) // (NW * CP)
RPW = BATCH // NW
LANES = 16
NBLK = DP // 32
OUT_OFFS = (0, 16, 32, 48, 64, 80, 84)


def _pool_body(x_hbm, tab_hbm, pooled_hbm, idx_v, buf0, buf1, buf2, buf3,
               acc, out_v, sem0, sem1, sem2, sem3):
    cid = lax.axis_index("c")
    sid = lax.axis_index("s")
    wid = sid * NC + cid
    cbase = wid * CPW

    bufs = (buf0, buf1, buf2, buf3)
    sems = (sem0, sem1, sem2, sem3)

    pltpu.sync_copy(x_hbm.at[pl.ds(cbase, CPW)], idx_v)

    zvec = jnp.zeros((LANES,), jnp.float32)
    himask = jnp.full((LANES,), -65536, jnp.int32)

    def fire(c, k):
        pltpu.async_copy(tab_hbm.at[idx_v.at[c]], bufs[k], sems[k])

    def wait_all(c, k):
        pltpu.make_async_copy(tab_hbm.at[idx_v.at[c]], bufs[k],
                              sems[k]).wait()

    evens = lax.iota(jnp.int32, LANES) * 2
    odds = evens + 1

    def store_row(i, acc8):
        for b in range(NBLK):
            base = 32 * b
            plsc.store_scatter(acc, [evens + base], acc8[2 * b])
            plsc.store_scatter(acc, [odds + base], acc8[2 * b + 1])
        for off in OUT_OFFS:
            out_v[i, pl.ds(off, LANES)] = acc[pl.ds(off, LANES)]

    def accumulate(buf, c, carry_in):
        p = lax.rem(200 - lax.rem(128 * c, 200), 200)

        @pl.loop(0, CP // 2, init_carry=carry_in)
        def carry_out(g, carry):
            vs = list(carry[:-1])
            rc = carry[-1]
            is_b = (2 * g) == p

            @pl.when(jnp.logical_and(is_b, rc >= 0))
            def _():
                store_row(rc, vs)

            vs = [jnp.where(is_b, 0.0, v) for v in vs]
            rc = rc + is_b.astype(jnp.int32)
            for rr in range(2):
                r = g * 2 + rr
                for b in range(NBLK):
                    w = plsc.bitcast(buf[r, pl.ds(b * 32, 32)], jnp.int32)
                    lo = plsc.bitcast(w << 16, jnp.float32)
                    hi = plsc.bitcast(w & himask, jnp.float32)
                    vs[2 * b] = vs[2 * b] + lo
                    vs[2 * b + 1] = vs[2 * b + 1] + hi
            return (*vs, rc)

        return carry_out

    for k in range(4):
        fire(k, k)

    def do_chunk(c, k, carry):
        wait_all(c, k)
        carry = accumulate(bufs[k], c, carry)
        fire(jnp.minimum(c + 4, CPW - 4 + k), k)
        return carry

    zero8 = (zvec,) * (2 * NBLK)
    init = (*zero8, jnp.int32(-1))

    @pl.loop(0, CPW // 4, init_carry=init)
    def final(q, carry):
        for k in range(4):
            carry = do_chunk(4 * q + k, k, carry)
        return carry

    store_row(RPW - 1, list(final[:-1]))

    for k in range(4):
        wait_all(CPW - 4 + k, k)

    pltpu.sync_copy(out_v, pooled_hbm.at[pl.ds(wid * RPW, RPW)])


@functools.partial(
    pl.kernel,
    out_type=jax.ShapeDtypeStruct((BATCH, EMB_DIM), jnp.float32),
    mesh=plsc.VectorSubcoreMesh(core_axis_name="c", subcore_axis_name="s"),
    compiler_params=pltpu.CompilerParams(use_tc_tiling_on_sc=False,
                                         needs_layout_passes=False),
    scratch_types=[
        pltpu.VMEM((CPW, CP), jnp.int32),
        pltpu.VMEM((CP, DP), jnp.bfloat16),
        pltpu.VMEM((CP, DP), jnp.bfloat16),
        pltpu.VMEM((CP, DP), jnp.bfloat16),
        pltpu.VMEM((CP, DP), jnp.bfloat16),
        pltpu.VMEM((DP,), jnp.float32),
        pltpu.VMEM((RPW, EMB_DIM), jnp.float32),
        pltpu.SemaphoreType.DMA,
        pltpu.SemaphoreType.DMA,
        pltpu.SemaphoreType.DMA,
        pltpu.SemaphoreType.DMA,
    ],
)
def _pool(x_hbm, tab_hbm, pooled_hbm, *rest):
    _pool_body(x_hbm, tab_hbm, pooled_hbm, *rest)


def _mlp_body(p_ref, w1_ref, b1_ref, w2_ref, b2_ref, o_ref):
    h = jnp.dot(p_ref[...], w1_ref[...], preferred_element_type=jnp.float32)
    h = h * (1.0 / SEQLEN) + b1_ref[...]
    h = jnp.maximum(h, 0.0)
    o_ref[...] = (
        jnp.dot(h, w2_ref[...], preferred_element_type=jnp.float32)
        + b2_ref[...]
    )


_mlp = pl.pallas_call(
    _mlp_body,
    out_shape=jax.ShapeDtypeStruct((BATCH, NUM_CLASSES), jnp.float32),
)

@jax.jit
def kernel(x, emb_table, W1, b1, W2, b2):
    tabp = jnp.pad(emb_table, ((0, 0), (0, DP - EMB_DIM))).astype(jnp.bfloat16)
    xp = x.reshape(-1, CP)
    pooled = _pool(xp, tabp)
    return _mlp(pooled, W1, b1.reshape(1, HIDDEN), W2,
                b2.reshape(1, NUM_CLASSES))

# --- scband reference (transcript-rebuilt; emitter-appended) ---
"""Pipeline reference for scband-text-classifier-10075993277165 (READ-ONLY COPY).

The authoritative reference and input builder live on the scoring server;
editing this copy changes nothing except your own understanding.
"""

import jax, jax.numpy as jnp
import numpy as np

VOCAB = 400000
EMB_DIM = 100
HIDDEN = 128
NUM_CLASSES = 4
BATCH = 4096
SEQLEN = 200


def setup_inputs(seed: int = 0) -> dict:
    key = jax.random.key(seed)
    k_idx, k_emb, k_w1, k_b1, k_w2, k_b2 = jax.random.split(key, 6)
    x = jax.random.randint(k_idx, (BATCH, SEQLEN), 0, VOCAB, dtype=jnp.int64 if jax.config.jax_enable_x64 else jnp.int32).astype(jnp.int32)
    emb_table = jax.random.normal(k_emb, (VOCAB, EMB_DIM), dtype=jnp.float32) * 0.02
    # fc1: Linear(100 -> 128), torch stores weight [out,in]; we keep [in,out] for x @ W
    W1 = jax.random.normal(k_w1, (EMB_DIM, HIDDEN), dtype=jnp.float32) * (1.0 / np.sqrt(EMB_DIM))
    b1 = jax.random.normal(k_b1, (HIDDEN,), dtype=jnp.float32) * 0.01
    W2 = jax.random.normal(k_w2, (HIDDEN, NUM_CLASSES), dtype=jnp.float32) * (1.0 / np.sqrt(HIDDEN))
    b2 = jax.random.normal(k_b2, (NUM_CLASSES,), dtype=jnp.float32) * 0.01
    return {"x": x, "emb_table": emb_table, "W1": W1, "b1": b1, "W2": W2, "b2": b2}


def reference(x, emb_table, W1, b1, W2, b2):
    # x: int[B, L] token ids
    h = jnp.take(emb_table, x, axis=0)          # embedding lookup -> [B, L, 100]
    h = jnp.mean(h, axis=1)                      # mean over sequence -> [B, 100]
    h = jnp.dot(h, W1) + b1                      # fc1 -> [B, 128]
    h = jax.nn.relu(h)
    out = jnp.dot(h, W2) + b2                    # fc2 -> [B, num_classes]
    return out

if __name__ == "__main__":
    import jax
    _d = setup_inputs()
    print(jax.jit(kernel)(*tuple(_d.values())))

</pallas_src>

<mosaic_0001>
#map = affine_map<(d0, d1) -> (0, 0)>
module attributes {stable_mosaic.version = 14 : i64} {
  func.func @_pool(%arg0: i32, %arg1: i32, %arg2: memref<6400x128xi32, #tpu.memory_space<hbm>>, %arg3: memref<400000x128xbf16, #tpu.memory_space<hbm>>, %arg4: memref<4096x100xf32, #tpu.memory_space<hbm>>, %arg5: memref<200x128xi32, #tpu.memory_space<vmem>>, %arg6: memref<128x128xbf16, #tpu.memory_space<vmem>>, %arg7: memref<128x128xbf16, #tpu.memory_space<vmem>>, %arg8: memref<128x128xbf16, #tpu.memory_space<vmem>>, %arg9: memref<128x128xbf16, #tpu.memory_space<vmem>>, %arg10: memref<128xf32, #tpu.memory_space<vmem>>, %arg11: memref<128x100xf32, #tpu.memory_space<vmem>>, %arg12: memref<!tpu.dma_semaphore, #tpu.memory_space<semaphore_mem>>, %arg13: memref<!tpu.dma_semaphore, #tpu.memory_space<semaphore_mem>>, %arg14: memref<!tpu.dma_semaphore, #tpu.memory_space<semaphore_mem>>, %arg15: memref<!tpu.dma_semaphore, #tpu.memory_space<semaphore_mem>>) attributes {dimension_semantics = [#tpu.dimension_semantics<core_parallel>, #tpu.dimension_semantics<subcore_parallel>], iteration_bounds = array<i64: 2, 16>, scalar_prefetch = 0 : i64, scratch_operands = 11 : i64, tpu.core_type = #tpu.core_type<sc_vector_subcore>, window_params = [{transform_indices = #map}, {transform_indices = #map}, {transform_indices = #map}]} {
    %mul3A = arith.constant 2 : i32
    %mul3A_0 = arith.muli %arg1, %mul3A : i32
    %add3A = arith.addi %mul3A_0, %arg0 : i32
    %mul3A_1 = arith.constant 200 : i32
    %mul3A_2 = arith.muli %add3A, %mul3A_1 : i32
    "tpu.region"() ({
      %run_scoped3A = tpu.sem_alloc : memref<!tpu.dma_semaphore, #tpu.memory_space<semaphore_mem>>
      %dma_start3A_138 = arith.constant 0 : i32
      %dma_start3A_139 = tpu.memref_slice %arg2[%mul3A_2, %dma_start3A_138] : memref<6400x128xi32, #tpu.memory_space<hbm>> -> memref<200x128xi32, #tpu.memory_space<hbm>>
      %dma_start3A_140 = arith.constant 0 : i32
      %dma_start3A_141 = tpu.memref_slice %arg2[%mul3A_2, %dma_start3A_140] : memref<6400x128xi32, #tpu.memory_space<hbm>> -> memref<200x128xi32, #tpu.memory_space<hbm>>
      tpu.enqueue_dma source(%dma_start3A_141 : memref<200x128xi32, #tpu.memory_space<hbm>>) target(%arg5 : memref<200x128xi32, #tpu.memory_space<vmem>>) target_semaphore(%run_scoped3A : memref<!tpu.dma_semaphore, #tpu.memory_space<semaphore_mem>>)
      %dma_wait3A_142 = arith.constant 0 : i32
      %dma_wait3A_143 = tpu.memref_slice %arg2[%mul3A_2, %dma_wait3A_142] : memref<6400x128xi32, #tpu.memory_space<hbm>> -> memref<200x128xi32, #tpu.memory_space<hbm>>
      %dma_wait3A_144 = arith.constant 0 : i32
      %dma_wait3A_145 = tpu.memref_slice %arg2[%mul3A_2, %dma_wait3A_144] : memref<6400x128xi32, #tpu.memory_space<hbm>> -> memref<200x128xi32, #tpu.memory_space<hbm>>
      tpu.wait_dma2 semaphore(%run_scoped3A : memref<!tpu.dma_semaphore, #tpu.memory_space<semaphore_mem>>) src(%dma_wait3A_145 : memref<200x128xi32, #tpu.memory_space<hbm>>) dst(%arg5 : memref<200x128xi32, #tpu.memory_space<vmem>>)
      tpu.yield
    }) : () -> ()
    %broadcast_in_dim3A = arith.constant 0.000000e+00 : f32
    %broadcast_in_dim3A_3 = vector.broadcast %broadcast_in_dim3A : f32 to vector<16xf32>
    %broadcast_in_dim3A_4 = arith.constant -65536 : i32
    %broadcast_in_dim3A_5 = vector.broadcast %broadcast_in_dim3A_4 : i32 to vector<16xi32>
    %iota3A = tpu.iota {dimensions = array<i32: 0>} : vector<16xi32>
    %mul3A_6 = arith.constant 2 : i32
    %mul3A_7 = vector.broadcast %mul3A_6 : i32 to vector<16xi32>
    %mul3A_8 = arith.muli %iota3A, %mul3A_7 : vector<16xi32>
    %add3A_9 = arith.constant 1 : i32
    %add3A_10 = vector.broadcast %add3A_9 : i32 to vector<16xi32>
    %add3A_11 = arith.addi %mul3A_8, %add3A_10 : vector<16xi32>
    %dma_start3A = arith.constant 0 : i32
    %dma_start3A_12 = arith.constant 0 : i32
    %dma_start3A_13 = tpu.memref_slice %arg5[%dma_start3A, %dma_start3A_12] : memref<200x128xi32, #tpu.memory_space<vmem>> -> memref<1x128xi32, #tpu.memory_space<vmem>>
    %dma_start3A_14 = tpu.memref_squeeze %dma_start3A_13 : memref<1x128xi32, #tpu.memory_space<vmem>> -> memref<128xi32, #tpu.memory_space<vmem>>
    %dma_start3A_15 = arith.constant 0 : i32
    %dma_start3A_16 = arith.constant 0 : i32
    %dma_start3A_17 = tpu.memref_slice %arg3[%dma_start3A_15, %dma_start3A_16] : memref<400000x128xbf16, #tpu.memory_space<hbm>> -> memref<400000x128xbf16, #tpu.memory_space<hbm>>
    tpu.enqueue_indirect_dma source(%dma_start3A_17 : memref<400000x128xbf16, #tpu.memory_space<hbm>>) target(%arg6 : memref<128x128xbf16, #tpu.memory_space<vmem>>) offsets(%dma_start3A_14 : memref<128xi32, #tpu.memory_space<vmem>>) semaphore(%arg12 : memref<!tpu.dma_semaphore, #tpu.memory_space<semaphore_mem>>)
    %dma_start3A_18 = arith.constant 1 : i32
    %dma_start3A_19 = arith.constant 0 : i32
    %dma_start3A_20 = tpu.memref_slice %arg5[%dma_start3A_18, %dma_start3A_19] : memref<200x128xi32, #tpu.memory_space<vmem>> -> memref<1x128xi32, #tpu.memory_space<vmem>>
    %dma_start3A_21 = tpu.memref_squeeze %dma_start3A_20 : memref<1x128xi32, #tpu.memory_space<vmem>> -> memref<128xi32, #tpu.memory_space<vmem>>
    %dma_start3A_22 = arith.constant 0 : i32
    %dma_start3A_23 = arith.constant 0 : i32
    %dma_start3A_24 = tpu.memref_slice %arg3[%dma_start3A_22, %dma_start3A_23] : memref<400000x128xbf16, #tpu.memory_space<hbm>> -> memref<400000x128xbf16, #tpu.memory_space<hbm>>
    tpu.enqueue_indirect_dma source(%dma_start3A_24 : memref<400000x128xbf16, #tpu.memory_space<hbm>>) target(%arg7 : memref<128x128xbf16, #tpu.memory_space<vmem>>) offsets(%dma_start3A_21 : memref<128xi32, #tpu.memory_space<vmem>>) semaphore(%arg13 : memref<!tpu.dma_semaphore, #tpu.memory_space<semaphore_mem>>)
    %dma_start3A_25 = arith.constant 2 : i32
    %dma_start3A_26 = arith.constant 0 : i32
    %dma_start3A_27 = tpu.memref_slice %arg5[%dma_start3A_25, %dma_start3A_26] : memref<200x128xi32, #tpu.memory_space<vmem>> -> memref<1x128xi32, #tpu.memory_space<vmem>>
    %dma_start3A_28 = tpu.memref_squeeze %dma_start3A_27 : memref<1x128xi32, #tpu.memory_space<vmem>> -> memref<128xi32, #tpu.memory_space<vmem>>
    %dma_start3A_29 = arith.constant 0 : i32
    %dma_start3A_30 = arith.constant 0 : i32
    %dma_start3A_31 = tpu.memref_slice %arg3[%dma_start3A_29, %dma_start3A_30] : memref<400000x128xbf16, #tpu.memory_space<hbm>> -> memref<400000x128xbf16, #tpu.memory_space<hbm>>
    tpu.enqueue_indirect_dma source(%dma_start3A_31 : memref<400000x128xbf16, #tpu.memory_space<hbm>>) target(%arg8 : memref<128x128xbf16, #tpu.memory_space<vmem>>) offsets(%dma_start3A_28 : memref<128xi32, #tpu.memory_space<vmem>>) semaphore(%arg14 : memref<!tpu.dma_semaphore, #tpu.memory_space<semaphore_mem>>)
    %dma_start3A_32 = arith.constant 3 : i32
    %dma_start3A_33 = arith.constant 0 : i32
    %dma_start3A_34 = tpu.memref_slice %arg5[%dma_start3A_32, %dma_start3A_33] : memref<200x128xi32, #tpu.memory_space<vmem>> -> memref<1x128xi32, #tpu.memory_space<vmem>>
    %dma_start3A_35 = tpu.memref_squeeze %dma_start3A_34 : memref<1x128xi32, #tpu.memory_space<vmem>> -> memref<128xi32, #tpu.memory_space<vmem>>
    %dma_start3A_36 = arith.constant 0 : i32
    %dma_start3A_37 = arith.constant 0 : i32
    %dma_start3A_38 = tpu.memref_slice %arg3[%dma_start3A_36, %dma_start3A_37] : memref<400000x128xbf16, #tpu.memory_space<hbm>> -> memref<400000x128xbf16, #tpu.memory_space<hbm>>
    tpu.enqueue_indirect_dma source(%dma_start3A_38 : memref<400000x128xbf16, #tpu.memory_space<hbm>>) target(%arg9 : memref<128x128xbf16, #tpu.memory_space<vmem>>) offsets(%dma_start3A_35 : memref<128xi32, #tpu.memory_space<vmem>>) semaphore(%arg15 : memref<!tpu.dma_semaphore, #tpu.memory_space<semaphore_mem>>)
    %scan3A = arith.constant -1 : i32
    %scan3A_39 = arith.constant 0 : i32
    %scan3A_40 = arith.constant 50 : i32
    %scan3A_41 = arith.addi %scan3A_39, %scan3A_40 : i32
    %scan3A_42 = arith.constant 1 : i32
    %scan3A_43:9 = scf.for %scan3A_138 = %scan3A_39 to %scan3A_41 step %scan3A_42 iter_args(%scan3A_139 = %broadcast_in_dim3A_3, %scan3A_140 = %broadcast_in_dim3A_3, %scan3A_141 = %broadcast_in_dim3A_3, %scan3A_142 = %broadcast_in_dim3A_3, %scan3A_143 = %broadcast_in_dim3A_3, %scan3A_144 = %broadcast_in_dim3A_3, %scan3A_145 = %broadcast_in_dim3A_3, %scan3A_146 = %broadcast_in_dim3A_3, %scan3A_147 = %scan3A) -> (vector<16xf32>, vector<16xf32>, vector<16xf32>, vector<16xf32>, vector<16xf32>, vector<16xf32>, vector<16xf32>, vector<16xf32>, i32)  : i32 {
      %mul3A_148 = arith.constant 1 : i32
      %mul3A_149 = arith.muli %scan3A_138, %mul3A_148 : i32
      %add3A_150 = arith.constant 0 : i32
      %add3A_151 = arith.addi %add3A_150, %mul3A_149 : i32
      %mul3A_152 = arith.constant 4 : i32
      %mul3A_153 = arith.muli %mul3A_152, %add3A_151 : i32
      %add3A_154 = arith.constant 0 : i32
      %add3A_155 = arith.addi %mul3A_153, %add3A_154 : i32
      %dma_wait3A_156 = arith.constant 0 : i32
      %dma_wait3A_157 = tpu.memref_slice %arg5[%add3A_155, %dma_wait3A_156] : memref<200x128xi32, #tpu.memory_space<vmem>> -> memref<1x128xi32, #tpu.memory_space<vmem>>
      %dma_wait3A_158 = tpu.memref_squeeze %dma_wait3A_157 : memref<1x128xi32, #tpu.memory_space<vmem>> -> memref<128xi32, #tpu.memory_space<vmem>>
      %dma_wait3A_159 = arith.constant 0 : i32
      %dma_wait3A_160 = arith.constant 0 : i32
      %dma_wait3A_161 = tpu.memref_slice %arg3[%dma_wait3A_159, %dma_wait3A_160] : memref<400000x128xbf16, #tpu.memory_space<hbm>> -> memref<400000x128xbf16, #tpu.memory_space<hbm>>
      tpu.wait_indirect_dma semaphore(%arg12 : memref<!tpu.dma_semaphore, #tpu.memory_space<semaphore_mem>>) src(%dma_wait3A_161 : memref<400000x128xbf16, #tpu.memory_space<hbm>>) dst(%arg6 : memref<128x128xbf16, #tpu.memory_space<vmem>>)
      %mul3A_162 = arith.constant 128 : i32
      %mul3A_163 = arith.muli %mul3A_162, %add3A_155 : i32
      %rem3A = arith.constant 200 : i32
      %rem3A_164 = arith.remsi %mul3A_163, %rem3A : i32
      %sub3A = arith.constant 200 : i32
      %sub3A_165 = arith.subi %sub3A, %rem3A_164 : i32
      %rem3A_166 = arith.constant 200 : i32
      %rem3A_167 = arith.remsi %sub3A_165, %rem3A_166 : i32
      %scan3A_168 = arith.constant 0 : i32
      %scan3A_169 = arith.constant 64 : i32
      %scan3A_170 = arith.addi %scan3A_168, %scan3A_169 : i32
      %scan3A_171 = arith.constant 1 : i32
      %scan3A_172:9 = scf.for %scan3A_285 = %scan3A_168 to %scan3A_170 step %scan3A_171 iter_args(%scan3A_286 = %scan3A_139, %scan3A_287 = %scan3A_140, %scan3A_288 = %scan3A_141, %scan3A_289 = %scan3A_142, %scan3A_290 = %scan3A_143, %scan3A_291 = %scan3A_144, %scan3A_292 = %scan3A_145, %scan3A_293 = %scan3A_146, %scan3A_294 = %scan3A_147) -> (vector<16xf32>, vector<16xf32>, vector<16xf32>, vector<16xf32>, vector<16xf32>, vector<16xf32>, vector<16xf32>, vector<16xf32>, i32)  : i32 {
        %mul3A_295 = arith.constant 1 : i32
        %mul3A_296 = arith.muli %scan3A_285, %mul3A_295 : i32
        %add3A_297 = arith.constant 0 : i32
        %add3A_298 = arith.addi %add3A_297, %mul3A_296 : i32
        %mul3A_299 = arith.constant 2 : i32
        %mul3A_300 = arith.muli %mul3A_299, %add3A_298 : i32
        %eq3A = arith.cmpi eq, %mul3A_300, %rem3A_167 : i32
        %ge3A = arith.constant 0 : i32
        %ge3A_301 = arith.cmpi sge, %scan3A_294, %ge3A : i32
        %and3A = arith.andi %eq3A, %ge3A_301 : i1
        %convert_element_type3A = arith.extui %and3A : i1 to i32
        %cond3A = arith.constant 0 : i32
        %cond3A_302 = arith.cmpi ne, %convert_element_type3A, %cond3A : i32
        scf.if %cond3A_302 {
          %add3A_429 = arith.constant 0 : i32
          %add3A_430 = vector.broadcast %add3A_429 : i32 to vector<16xi32>
          %add3A_431 = arith.addi %mul3A_8, %add3A_430 : vector<16xi32>
          tpu.vector_store_idx %arg10[%add3A_431], %scan3A_286 : memref<128xf32, #tpu.memory_space<vmem>>[vector<16xi32>], vector<16xf32>,
          %add3A_432 = arith.constant 0 : i32
          %add3A_433 = vector.broadcast %add3A_432 : i32 to vector<16xi32>
          %add3A_434 = arith.addi %add3A_11, %add3A_433 : vector<16xi32>
          tpu.vector_store_idx %arg10[%add3A_434], %scan3A_287 : memref<128xf32, #tpu.memory_space<vmem>>[vector<16xi32>], vector<16xf32>,
          %add3A_435 = arith.constant 32 : i32
          %add3A_436 = vector.broadcast %add3A_435 : i32 to vector<16xi32>
          %add3A_437 = arith.addi %mul3A_8, %add3A_436 : vector<16xi32>
          tpu.vector_store_idx %arg10[%add3A_437], %scan3A_288 : memref<128xf32, #tpu.memory_space<vmem>>[vector<16xi32>], vector<16xf32>,
          %add3A_438 = arith.constant 32 : i32
          %add3A_439 = vector.broadcast %add3A_438 : i32 to vector<16xi32>
          %add3A_440 = arith.addi %add3A_11, %add3A_439 : vector<16xi32>
          tpu.vector_store_idx %arg10[%add3A_440], %scan3A_289 : memref<128xf32, #tpu.memory_space<vmem>>[vector<16xi32>], vector<16xf32>,
          %add3A_441 = arith.constant 64 : i32
          %add3A_442 = vector.broadcast %add3A_441 : i32 to vector<16xi32>
          %add3A_443 = arith.addi %mul3A_8, %add3A_442 : vector<16xi32>
          tpu.vector_store_idx %arg10[%add3A_443], %scan3A_290 : memref<128xf32, #tpu.memory_space<vmem>>[vector<16xi32>], vector<16xf32>,
          %add3A_444 = arith.constant 64 : i32
          %add3A_445 = vector.broadcast %add3A_444 : i32 to vector<16xi32>
          %add3A_446 = arith.addi %add3A_11, %add3A_445 : vector<16xi32>
          tpu.vector_store_idx %arg10[%add3A_446], %scan3A_291 : memref<128xf32, #tpu.memory_space<vmem>>[vector<16xi32>], vector<16xf32>,
          %add3A_447 = arith.constant 96 : i32
          %add3A_448 = vector.broadcast %add3A_447 : i32 to vector<16xi32>
          %add3A_449 = arith.addi %mul3A_8, %add3A_448 : vector<16xi32>
          tpu.vector_store_idx %arg10[%add3A_449], %scan3A_292 : memref<128xf32, #tpu.memory_space<vmem>>[vector<16xi32>], vector<16xf32>,
          %add3A_450 = arith.constant 96 : i32
          %add3A_451 = vector.broadcast %add3A_450 : i32 to vector<16xi32>
          %add3A_452 = arith.addi %add3A_11, %add3A_451 : vector<16xi32>
          tpu.vector_store_idx %arg10[%add3A_452], %scan3A_293 : memref<128xf32, #tpu.memory_space<vmem>>[vector<16xi32>], vector<16xf32>,
          %get3A_453 = arith.constant 0 : index
          %get3A_454 = tpu.vector_load %arg10[%get3A_453] {strides = array<i32>} : memref<128xf32, #tpu.memory_space<vmem>>, vector<16xf32>,
          %swap3A_455 = arith.index_cast %scan3A_294 : i32 to index
          %swap3A_456 = arith.constant 0 : index
          %swap3A_457 = tpu.vector_load %arg11[%swap3A_455, %swap3A_456] {strides = array<i32>} : memref<128x100xf32, #tpu.memory_space<vmem>>, vector<16xf32>,
          tpu.vector_store %arg11[%swap3A_455, %swap3A_456], %get3A_454 {strides = array<i32>} : memref<128x100xf32, #tpu.memory_space<vmem>>, vector<16xf32>,
          %get3A_458 = arith.constant 16 : index
          %get3A_459 = tpu.vector_load %arg10[%get3A_458] {strides = array<i32>} : memref<128xf32, #tpu.memory_space<vmem>>, vector<16xf32>,
          %swap3A_460 = arith.index_cast %scan3A_294 : i32 to index
          %swap3A_461 = arith.constant 16 : index
          %swap3A_462 = tpu.vector_load %arg11[%swap3A_460, %swap3A_461] {strides = array<i32>} : memref<128x100xf32, #tpu.memory_space<vmem>>, vector<16xf32>,
          tpu.vector_store %arg11[%swap3A_460, %swap3A_461], %get3A_459 {strides = array<i32>} : memref<128x100xf32, #tpu.memory_space<vmem>>, vector<16xf32>,
          %get3A_463 = arith.constant 32 : index
          %get3A_464 = tpu.vector_load %arg10[%get3A_463] {strides = array<i32>} : memref<128xf32, #tpu.memory_space<vmem>>, vector<16xf32>,
          %swap3A_465 = arith.index_cast %scan3A_294 : i32 to index
          %swap3A_466 = arith.constant 32 : index
          %swap3A_467 = tpu.vector_load %arg11[%swap3A_465, %swap3A_466] {strides = array<i32>} : memref<128x100xf32, #tpu.memory_space<vmem>>, vector<16xf32>,
          tpu.vector_store %arg11[%swap3A_465, %swap3A_466], %get3A_464 {strides = array<i32>} : memref<128x100xf32, #tpu.memory_space<vmem>>, vector<16xf32>,
          %get3A_468 = arith.constant 48 : index
          %get3A_469 = tpu.vector_load %arg10[%get3A_468] {strides = array<i32>} : memref<128xf32, #tpu.memory_space<vmem>>, vector<16xf32>,
          %swap3A_470 = arith.index_cast %scan3A_294 : i32 to index
          %swap3A_471 = arith.constant 48 : index
          %swap3A_472 = tpu.vector_load %arg11[%swap3A_470, %swap3A_471] {strides = array<i32>} : memref<128x100xf32, #tpu.memory_space<vmem>>, vector<16xf32>,
          tpu.vector_store %arg11[%swap3A_470, %swap3A_471], %get3A_469 {strides = array<i32>} : memref<128x100xf32, #tpu.memory_space<vmem>>, vector<16xf32>,
          %get3A_473 = arith.constant 64 : index
          %get3A_474 = tpu.vector_load %arg10[%get3A_473] {strides = array<i32>} : memref<128xf32, #tpu.memory_space<vmem>>, vector<16xf32>,
          %swap3A_475 = arith.index_cast %scan3A_294 : i32 to index
          %swap3A_476 = arith.constant 64 : index
          %swap3A_477 = tpu.vector_load %arg11[%swap3A_475, %swap3A_476] {strides = array<i32>} : memref<128x100xf32, #tpu.memory_space<vmem>>, vector<16xf32>,
          tpu.vector_store %arg11[%swap3A_475, %swap3A_476], %get3A_474 {strides = array<i32>} : memref<128x100xf32, #tpu.memory_space<vmem>>, vector<16xf32>,
          %get3A_478 = arith.constant 80 : index
          %get3A_479 = tpu.vector_load %arg10[%get3A_478] {strides = array<i32>} : memref<128xf32, #tpu.memory_space<vmem>>, vector<16xf32>,
          %swap3A_480 = arith.index_cast %scan3A_294 : i32 to index
          %swap3A_481 = arith.constant 80 : index
          %swap3A_482 = tpu.vector_load %arg11[%swap3A_480, %swap3A_481] {strides = array<i32>} : memref<128x100xf32, #tpu.memory_space<vmem>>, vector<16xf32>,
          tpu.vector_store %arg11[%swap3A_480, %swap3A_481], %get3A_479 {strides = array<i32>} : memref<128x100xf32, #tpu.memory_space<vmem>>, vector<16xf32>,
          %get3A_483 = arith.constant 84 : index
          %get3A_484 = tpu.vector_load %arg10[%get3A_483] {strides = array<i32>} : memref<128xf32, #tpu.memory_space<vmem>>, vector<16xf32>,
          %swap3A_485 = arith.index_cast %scan3A_294 : i32 to index
          %swap3A_486 = arith.constant 84 : index
          %swap3A_487 = tpu.vector_load %arg11[%swap3A_485, %swap3A_486] {strides = array<i32>} : memref<128x100xf32, #tpu.memory_space<vmem>>, vector<16xf32>,
          tpu.vector_store %arg11[%swap3A_485, %swap3A_486], %get3A_484 {strides = array<i32>} : memref<128x100xf32, #tpu.memory_space<vmem>>, vector<16xf32>,
        } else {
        }
        %jit3A = arith.constant 0.000000e+00 : f32
        %broadcast_in_dim3A_303 = vector.broadcast %jit3A : f32 to vector<16xf32>
        %select_n3A = arith.select %eq3A, %broadcast_in_dim3A_303, %scan3A_286 : vector<16xf32>
        %jit3A_304 = arith.constant 0.000000e+00 : f32
        %broadcast_in_dim3A_305 = vector.broadcast %jit3A_304 : f32 to vector<16xf32>
        %select_n3A_306 = arith.select %eq3A, %broadcast_in_dim3A_305, %scan3A_287 : vector<16xf32>
        %jit3A_307 = arith.constant 0.000000e+00 : f32
        %broadcast_in_dim3A_308 = vector.broadcast %jit3A_307 : f32 to vector<16xf32>
        %select_n3A_309 = arith.select %eq3A, %broadcast_in_dim3A_308, %scan3A_288 : vector<16xf32>
        %jit3A_310 = arith.constant 0.000000e+00 : f32
        %broadcast_in_dim3A_311 = vector.broadcast %jit3A_310 : f32 to vector<16xf32>
        %select_n3A_312 = arith.select %eq3A, %broadcast_in_dim3A_311, %scan3A_289 : vector<16xf32>
        %jit3A_313 = arith.constant 0.000000e+00 : f32
        %broadcast_in_dim3A_314 = vector.broadcast %jit3A_313 : f32 to vector<16xf32>
        %select_n3A_315 = arith.select %eq3A, %broadcast_in_dim3A_314, %scan3A_290 : vector<16xf32>
        %jit3A_316 = arith.constant 0.000000e+00 : f32
        %broadcast_in_dim3A_317 = vector.broadcast %jit3A_316 : f32 to vector<16xf32>
        %select_n3A_318 = arith.select %eq3A, %broadcast_in_dim3A_317, %scan3A_291 : vector<16xf32>
        %jit3A_319 = arith.constant 0.000000e+00 : f32
        %broadcast_in_dim3A_320 = vector.broadcast %jit3A_319 : f32 to vector<16xf32>
        %select_n3A_321 = arith.select %eq3A, %broadcast_in_dim3A_320, %scan3A_292 : vector<16xf32>
        %jit3A_322 = arith.constant 0.000000e+00 : f32
        %broadcast_in_dim3A_323 = vector.broadcast %jit3A_322 : f32 to vector<16xf32>
        %select_n3A_324 = arith.select %eq3A, %broadcast_in_dim3A_323, %scan3A_293 : vector<16xf32>
        %convert_element_type3A_325 = arith.extui %eq3A : i1 to i32
        %add3A_326 = arith.addi %scan3A_294, %convert_element_type3A_325 : i32
        %mul3A_327 = arith.constant 2 : i32
        %mul3A_328 = arith.muli %add3A_298, %mul3A_327 : i32
        %add3A_329 = arith.constant 0 : i32
        %add3A_330 = arith.addi %mul3A_328, %add3A_329 : i32
        %get3A_331 = arith.index_cast %add3A_330 : i32 to index
        %get3A_332 = arith.constant 0 : index
        %get3A_333 = tpu.vector_load %arg6[%get3A_331, %get3A_332] {strides = array<i32>} : memref<128x128xbf16, #tpu.memory_space<vmem>>, vector<32xbf16>,
        %bitcast3A = vector.bitcast %get3A_333 : vector<32xbf16> to vector<16xi32>
        %shift_left3A = arith.constant 16 : i32
        %shift_left3A_334 = vector.broadcast %shift_left3A : i32 to vector<16xi32>
        %shift_left3A_335 = arith.shli %bitcast3A, %shift_left3A_334 : vector<16xi32>
        %bitcast3A_336 = vector.bitcast %shift_left3A_335 : vector<16xi32> to vector<16xf32>
        %and3A_337 = arith.andi %bitcast3A, %broadcast_in_dim3A_5 : vector<16xi32>
        %bitcast3A_338 = vector.bitcast %and3A_337 : vector<16xi32> to vector<16xf32>
        %add3A_339 = arith.addf %select_n3A, %bitcast3A_336 : vector<16xf32>
        %add3A_340 = arith.addf %select_n3A_306, %bitcast3A_338 : vector<16xf32>
        %get3A_341 = arith.index_cast %add3A_330 : i32 to index
        %get3A_342 = arith.constant 32 : index
        %get3A_343 = tpu.vector_load %arg6[%get3A_341, %get3A_342] {strides = array<i32>} : memref<128x128xbf16, #tpu.memory_space<vmem>>, vector<32xbf16>,
        %bitcast3A_344 = vector.bitcast %get3A_343 : vector<32xbf16> to vector<16xi32>
        %shift_left3A_345 = arith.constant 16 : i32
        %shift_left3A_346 = vector.broadcast %shift_left3A_345 : i32 to vector<16xi32>
        %shift_left3A_347 = arith.shli %bitcast3A_344, %shift_left3A_346 : vector<16xi32>
        %bitcast3A_348 = vector.bitcast %shift_left3A_347 : vector<16xi32> to vector<16xf32>
        %and3A_349 = arith.andi %bitcast3A_344, %broadcast_in_dim3A_5 : vector<16xi32>
        %bitcast3A_350 = vector.bitcast %and3A_349 : vector<16xi32> to vector<16xf32>
        %add3A_351 = arith.addf %select_n3A_309, %bitcast3A_348 : vector<16xf32>
        %add3A_352 = arith.addf %select_n3A_312, %bitcast3A_350 : vector<16xf32>
        %get3A_353 = arith.index_cast %add3A_330 : i32 to index
        %get3A_354 = arith.constant 64 : index
        %get3A_355 = tpu.vector_load %arg6[%get3A_353, %get3A_354] {strides = array<i32>} : memref<128x128xbf16, #tpu.memory_space<vmem>>, vector<32xbf16>,
        %bitcast3A_356 = vector.bitcast %get3A_355 : vector<32xbf16> to vector<16xi32>
        %shift_left3A_357 = arith.constant 16 : i32
        %shift_left3A_358 = vector.broadcast %shift_left3A_357 : i32 to vector<16xi32>
        %shift_left3A_359 = arith.shli %bitcast3A_356, %shift_left3A_358 : vector<16xi32>
        %bitcast3A_360 = vector.bitcast %shift_left3A_359 : vector<16xi32> to vector<16xf32>
        %and3A_361 = arith.andi %bitcast3A_356, %broadcast_in_dim3A_5 : vector<16xi32>
        %bitcast3A_362 = vector.bitcast %and3A_361 : vector<16xi32> to vector<16xf32>
        %add3A_363 = arith.addf %select_n3A_315, %bitcast3A_360 : vector<16xf32>
        %add3A_364 = arith.addf %select_n3A_318, %bitcast3A_362 : vector<16xf32>
        %get3A_365 = arith.index_cast %add3A_330 : i32 to index
        %get3A_366 = arith.constant 96 : index
        %get3A_367 = tpu.vector_load %arg6[%get3A_365, %get3A_366] {strides = array<i32>} : memref<128x128xbf16, #tpu.memory_space<vmem>>, vector<32xbf16>,
        %bitcast3A_368 = vector.bitcast %get3A_367 : vector<32xbf16> to vector<16xi32>
        %shift_left3A_369 = arith.constant 16 : i32
        %shift_left3A_370 = vector.broadcast %shift_left3A_369 : i32 to vector<16xi32>
        %shift_left3A_371 = arith.shli %bitcast3A_368, %shift_left3A_370 : vector<16xi32>
        %bitcast3A_372 = vector.bitcast %shift_left3A_371 : vector<16xi32> to vector<16xf32>
        %and3A_373 = arith.andi %bitcast3A_368, %broadcast_in_dim3A_5 : vector<16xi32>
        %bitcast3A_374 = vector.bitcast %and3A_373 : vector<16xi32> to vector<16xf32>
        %add3A_375 = arith.addf %select_n3A_321, %bitcast3A_372 : vector<16xf32>
        %add3A_376 = arith.addf %select_n3A_324, %bitcast3A_374 : vector<16xf32>
        %mul3A_377 = arith.constant 2 : i32
        %mul3A_378 = arith.muli %add3A_298, %mul3A_377 : i32
        %add3A_379 = arith.constant 1 : i32
        %add3A_380 = arith.addi %mul3A_378, %add3A_379 : i32
        %get3A_381 = arith.index_cast %add3A_380 : i32 to index
        %get3A_382 = arith.constant 0 : index
        %get3A_383 = tpu.vector_load %arg6[%get3A_381, %get3A_382] {strides = array<i32>} : memref<128x128xbf16, #tpu.memory_space<vmem>>, vector<32xbf16>,
        %bitcast3A_384 = vector.bitcast %get3A_383 : vector<32xbf16> to vector<16xi32>
        %shift_left3A_385 = arith.constant 16 : i32
        %shift_left3A_386 = vector.broadcast %shift_left3A_385 : i32 to vector<16xi32>
        %shift_left3A_387 = arith.shli %bitcast3A_384, %shift_left3A_386 : vector<16xi32>
        %bitcast3A_388 = vector.bitcast %shift_left3A_387 : vector<16xi32> to vector<16xf32>
        %and3A_389 = arith.andi %bitcast3A_384, %broadcast_in_dim3A_5 : vector<16xi32>
        %bitcast3A_390 = vector.bitcast %and3A_389 : vector<16xi32> to vector<16xf32>
        %add3A_391 = arith.addf %add3A_339, %bitcast3A_388 : vector<16xf32>
        %add3A_392 = arith.addf %add3A_340, %bitcast3A_390 : vector<16xf32>
        %get3A_393 = arith.index_cast %add3A_380 : i32 to index
        %get3A_394 = arith.constant 32 : index
        %get3A_395 = tpu.vector_load %arg6[%get3A_393, %get3A_394] {strides = array<i32>} : memref<128x128xbf16, #tpu.memory_space<vmem>>, vector<32xbf16>,
        %bitcast3A_396 = vector.bitcast %get3A_395 : vector<32xbf16> to vector<16xi32>
        %shift_left3A_397 = arith.constant 16 : i32
        %shift_left3A_398 = vector.broadcast %shift_left3A_397 : i32 to vector<16xi32>
        %shift_left3A_399 = arith.shli %bitcast3A_396, %shift_left3A_398 : vector<16xi32>
        %bitcast3A_400 = vector.bitcast %shift_left3A_399 : vector<16xi32> to vector<16xf32>
        %and3A_401 = arith.andi %bitcast3A_396, %broadcast_in_dim3A_5 : vector<16xi32>
        %bitcast3A_402 = vector.bitcast %and3A_401 : vector<16xi32> to vector<16xf32>
        %add3A_403 = arith.addf %add3A_351, %bitcast3A_400 : vector<16xf32>
        %add3A_404 = arith.addf %add3A_352, %bitcast3A_402 : vector<16xf32>
        %get3A_405 = arith.index_cast %add3A_380 : i32 to index
        %get3A_406 = arith.constant 64 : index
        %get3A_407 = tpu.vector_load %arg6[%get3A_405, %get3A_406] {strides = array<i32>} : memref<128x128xbf16, #tpu.memory_space<vmem>>, vector<32xbf16>,
        %bitcast3A_408 = vector.bitcast %get3A_407 : vector<32xbf16> to vector<16xi32>
        %shift_left3A_409 = arith.constant 16 : i32
        %shift_left3A_410 = vector.broadcast %shift_left3A_409 : i32 to vector<16xi32>
        %shift_left3A_411 = arith.shli %bitcast3A_408, %shift_left3A_410 : vector<16xi32>
        %bitcast3A_412 = vector.bitcast %shift_left3A_411 : vector<16xi32> to vector<16xf32>
        %and3A_413 = arith.andi %bitcast3A_408, %broadcast_in_dim3A_5 : vector<16xi32>
        %bitcast3A_414 = vector.bitcast %and3A_413 : vector<16xi32> to vector<16xf32>
        %add3A_415 = arith.addf %add3A_363, %bitcast3A_412 : vector<16xf32>
        %add3A_416 = arith.addf %add3A_364, %bitcast3A_414 : vector<16xf32>
        %get3A_417 = arith.index_cast %add3A_380 : i32 to index
        %get3A_418 = arith.constant 96 : index
        %get3A_419 = tpu.vector_load %arg6[%get3A_417, %get3A_418] {strides = array<i32>} : memref<128x128xbf16, #tpu.memory_space<vmem>>, vector<32xbf16>,
        %bitcast3A_420 = vector.bitcast %get3A_419 : vector<32xbf16> to vector<16xi32>
        %shift_left3A_421 = arith.constant 16 : i32
        %shift_left3A_422 = vector.broadcast %shift_left3A_421 : i32 to vector<16xi32>
        %shift_left3A_423 = arith.shli %bitcast3A_420, %shift_left3A_422 : vector<16xi32>
        %bitcast3A_424 = vector.bitcast %shift_left3A_423 : vector<16xi32> to vector<16xf32>
        %and3A_425 = arith.andi %bitcast3A_420, %broadcast_in_dim3A_5 : vector<16xi32>
        %bitcast3A_426 = vector.bitcast %and3A_425 : vector<16xi32> to vector<16xf32>
        %add3A_427 = arith.addf %add3A_375, %bitcast3A_424 : vector<16xf32>
        %add3A_428 = arith.addf %add3A_376, %bitcast3A_426 : vector<16xf32>
        scf.yield %add3A_391, %add3A_392, %add3A_403, %add3A_404, %add3A_415, %add3A_416, %add3A_427, %add3A_428, %add3A_326 : vector<16xf32>, vector<16xf32>, vector<16xf32>, vector<16xf32>, vector<16xf32>, vector<16xf32>, vector<16xf32>, vector<16xf32>, i32
      }
      %scan3A_173 = arith.constant 64 : i32
      %add3A_174 = arith.constant 4 : i32
      %add3A_175 = arith.addi %add3A_155, %add3A_174 : i32
      %min3A = arith.constant 196 : i32
      %min3A_176 = arith.minsi %add3A_175, %min3A : i32
      %dma_start3A_177 = arith.constant 0 : i32
      %dma_start3A_178 = tpu.memref_slice %arg5[%min3A_176, %dma_start3A_177] : memref<200x128xi32, #tpu.memory_space<vmem>> -> memref<1x128xi32, #tpu.memory_space<vmem>>
      %dma_start3A_179 = tpu.memref_squeeze %dma_start3A_178 : memref<1x128xi32, #tpu.memory_space<vmem>> -> memref<128xi32, #tpu.memory_space<vmem>>
      %dma_start3A_180 = arith.constant 0 : i32
      %dma_start3A_181 = arith.constant 0 : i32
      %dma_start3A_182 = tpu.memref_slice %arg3[%dma_start3A_180, %dma_start3A_181] : memref<400000x128xbf16, #tpu.memory_space<hbm>> -> memref<400000x128xbf16, #tpu.memory_space<hbm>>
      tpu.enqueue_indirect_dma source(%dma_start3A_182 : memref<400000x128xbf16, #tpu.memory_space<hbm>>) target(%arg6 : memref<128x128xbf16, #tpu.memory_space<vmem>>) offsets(%dma_start3A_179 : memref<128xi32, #tpu.memory_space<vmem>>) semaphore(%arg12 : memref<!tpu.dma_semaphore, #tpu.memory_space<semaphore_mem>>)
      %mul3A_183 = arith.constant 4 : i32
      %mul3A_184 = arith.muli %mul3A_183, %add3A_151 : i32
      %add3A_185 = arith.constant 1 : i32
      %add3A_186 = arith.addi %mul3A_184, %add3A_185 : i32
      %dma_wait3A_187 = arith.constant 0 : i32
      %dma_wait3A_188 = tpu.memref_slice %arg5[%add3A_186, %dma_wait3A_187] : memref<200x128xi32, #tpu.memory_space<vmem>> -> memref<1x128xi32, #tpu.memory_space<vmem>>
      %dma_wait3A_189 = tpu.memref_squeeze %dma_wait3A_188 : memref<1x128xi32, #tpu.memory_space<vmem>> -> memref<128xi32, #tpu.memory_space<vmem>>
      %dma_wait3A_190 = arith.constant 0 : i32
      %dma_wait3A_191 = arith.constant 0 : i32
      %dma_wait3A_192 = tpu.memref_slice %arg3[%dma_wait3A_190, %dma_wait3A_191] : memref<400000x128xbf16, #tpu.memory_space<hbm>> -> memref<400000x128xbf16, #tpu.memory_space<hbm>>
      tpu.wait_indirect_dma semaphore(%arg13 : memref<!tpu.dma_semaphore, #tpu.memory_space<semaphore_mem>>) src(%dma_wait3A_192 : memref<400000x128xbf16, #tpu.memory_space<hbm>>) dst(%arg7 : memref<128x128xbf16, #tpu.memory_space<vmem>>)
      %mul3A_193 = arith.constant 128 : i32
      %mul3A_194 = arith.muli %mul3A_193, %add3A_186 : i32
      %rem3A_195 = arith.constant 200 : i32
      %rem3A_196 = arith.remsi %mul3A_194, %rem3A_195 : i32
      %sub3A_197 = arith.constant 200 : i32
      %sub3A_198 = arith.subi %sub3A_197, %rem3A_196 : i32
      %rem3A_199 = arith.constant 200 : i32
      %rem3A_200 = arith.remsi %sub3A_198, %rem3A_199 : i32
      %scan3A_201 = arith.constant 0 : i32
      %scan3A_202 = arith.constant 64 : i32
      %scan3A_203 = arith.addi %scan3A_201, %scan3A_202 : i32
      %scan3A_204 = arith.constant 1 : i32
      %scan3A_205:9 = scf.for %scan3A_285 = %scan3A_201 to %scan3A_203 step %scan3A_204 iter_args(%scan3A_286 = %scan3A_172#0, %scan3A_287 = %scan3A_172#1, %scan3A_288 = %scan3A_172#2, %scan3A_289 = %scan3A_172#3, %scan3A_290 = %scan3A_172#4, %scan3A_291 = %scan3A_172#5, %scan3A_292 = %scan3A_172#6, %scan3A_293 = %scan3A_172#7, %scan3A_294 = %scan3A_172#8) -> (vector<16xf32>, vector<16xf32>, vector<16xf32>, vector<16xf32>, vector<16xf32>, vector<16xf32>, vector<16xf32>, vector<16xf32>, i32)  : i32 {
        %mul3A_295 = arith.constant 1 : i32
        %mul3A_296 = arith.muli %scan3A_285, %mul3A_295 : i32
        %add3A_297 = arith.constant 0 : i32
        %add3A_298 = arith.addi %add3A_297, %mul3A_296 : i32
        %mul3A_299 = arith.constant 2 : i32
        %mul3A_300 = arith.muli %mul3A_299, %add3A_298 : i32
        %eq3A = arith.cmpi eq, %mul3A_300, %rem3A_200 : i32
        %ge3A = arith.constant 0 : i32
        %ge3A_301 = arith.cmpi sge, %scan3A_294, %ge3A : i32
        %and3A = arith.andi %eq3A, %ge3A_301 : i1
        %convert_element_type3A = arith.extui %and3A : i1 to i32
        %cond3A = arith.constant 0 : i32
        %cond3A_302 = arith.cmpi ne, %convert_element_type3A, %cond3A : i32
        scf.if %cond3A_302 {
          %add3A_429 = arith.constant 0 : i32
          %add3A_430 = vector.broadcast %add3A_429 : i32 to vector<16xi32>
          %add3A_431 = arith.addi %mul3A_8, %add3A_430 : vector<16xi32>
          tpu.vector_store_idx %arg10[%add3A_431], %scan3A_286 : memref<128xf32, #tpu.memory_space<vmem>>[vector<16xi32>], vector<16xf32>,
          %add3A_432 = arith.constant 0 : i32
          %add3A_433 = vector.broadcast %add3A_432 : i32 to vector<16xi32>
          %add3A_434 = arith.addi %add3A_11, %add3A_433 : vector<16xi32>
          tpu.vector_store_idx %arg10[%add3A_434], %scan3A_287 : memref<128xf32, #tpu.memory_space<vmem>>[vector<16xi32>], vector<16xf32>,
          %add3A_435 = arith.constant 32 : i32
          %add3A_436 = vector.broadcast %add3A_435 : i32 to vector<16xi32>
          %add3A_437 = arith.addi %mul3A_8, %add3A_436 : vector<16xi32>
          tpu.vector_store_idx %arg10[%add3A_437], %scan3A_288 : memref<128xf32, #tpu.memory_space<vmem>>[vector<16xi32>], vector<16xf32>,
          %add3A_438 = arith.constant 32 : i32
          %add3A_439 = vector.broadcast %add3A_438 : i32 to vector<16xi32>
          %add3A_440 = arith.addi %add3A_11, %add3A_439 : vector<16xi32>
          tpu.vector_store_idx %arg10[%add3A_440], %scan3A_289 : memref<128xf32, #tpu.memory_space<vmem>>[vector<16xi32>], vector<16xf32>,
          %add3A_441 = arith.constant 64 : i32
          %add3A_442 = vector.broadcast %add3A_441 : i32 to vector<16xi32>
          %add3A_443 = arith.addi %mul3A_8, %add3A_442 : vector<16xi32>
          tpu.vector_store_idx %arg10[%add3A_443], %scan3A_290 : memref<128xf32, #tpu.memory_space<vmem>>[vector<16xi32>], vector<16xf32>,
          %add3A_444 = arith.constant 64 : i32
          %add3A_445 = vector.broadcast %add3A_444 : i32 to vector<16xi32>
          %add3A_446 = arith.addi %add3A_11, %add3A_445 : vector<16xi32>
          tpu.vector_store_idx %arg10[%add3A_446], %scan3A_291 : memref<128xf32, #tpu.memory_space<vmem>>[vector<16xi32>], vector<16xf32>,
          %add3A_447 = arith.constant 96 : i32
          %add3A_448 = vector.broadcast %add3A_447 : i32 to vector<16xi32>
          %add3A_449 = arith.addi %mul3A_8, %add3A_448 : vector<16xi32>
          tpu.vector_store_idx %arg10[%add3A_449], %scan3A_292 : memref<128xf32, #tpu.memory_space<vmem>>[vector<16xi32>], vector<16xf32>,
          %add3A_450 = arith.constant 96 : i32
          %add3A_451 = vector.broadcast %add3A_450 : i32 to vector<16xi32>
          %add3A_452 = arith.addi %add3A_11, %add3A_451 : vector<16xi32>
          tpu.vector_store_idx %arg10[%add3A_452], %scan3A_293 : memref<128xf32, #tpu.memory_space<vmem>>[vector<16xi32>], vector<16xf32>,
          %get3A_453 = arith.constant 0 : index
          %get3A_454 = tpu.vector_load %arg10[%get3A_453] {strides = array<i32>} : memref<128xf32, #tpu.memory_space<vmem>>, vector<16xf32>,
          %swap3A_455 = arith.index_cast %scan3A_294 : i32 to index
          %swap3A_456 = arith.constant 0 : index
          %swap3A_457 = tpu.vector_load %arg11[%swap3A_455, %swap3A_456] {strides = array<i32>} : memref<128x100xf32, #tpu.memory_space<vmem>>, vector<16xf32>,
          tpu.vector_store %arg11[%swap3A_455, %swap3A_456], %get3A_454 {strides = array<i32>} : memref<128x100xf32, #tpu.memory_space<vmem>>, vector<16xf32>,
          %get3A_458 = arith.constant 16 : index
          %get3A_459 = tpu.vector_load %arg10[%get3A_458] {strides = array<i32>} : memref<128xf32, #tpu.memory_space<vmem>>, vector<16xf32>,
          %swap3A_460 = arith.index_cast %scan3A_294 : i32 to index
          %swap3A_461 = arith.constant 16 : index
          %swap3A_462 = tpu.vector_load %arg11[%swap3A_460, %swap3A_461] {strides = array<i32>} : memref<128x100xf32, #tpu.memory_space<vmem>>, vector<16xf32>,
          tpu.vector_store %arg11[%swap3A_460, %swap3A_461], %get3A_459 {strides = array<i32>} : memref<128x100xf32, #tpu.memory_space<vmem>>, vector<16xf32>,
          %get3A_463 = arith.constant 32 : index
          %get3A_464 = tpu.vector_load %arg10[%get3A_463] {strides = array<i32>} : memref<128xf32, #tpu.memory_space<vmem>>, vector<16xf32>,
          %swap3A_465 = arith.index_cast %scan3A_294 : i32 to index
          %swap3A_466 = arith.constant 32 : index
          %swap3A_467 = tpu.vector_load %arg11[%swap3A_465, %swap3A_466] {strides = array<i32>} : memref<128x100xf32, #tpu.memory_space<vmem>>, vector<16xf32>,
          tpu.vector_store %arg11[%swap3A_465, %swap3A_466], %get3A_464 {strides = array<i32>} : memref<128x100xf32, #tpu.memory_space<vmem>>, vector<16xf32>,
          %get3A_468 = arith.constant 48 : index
          %get3A_469 = tpu.vector_load %arg10[%get3A_468] {strides = array<i32>} : memref<128xf32, #tpu.memory_space<vmem>>, vector<16xf32>,
          %swap3A_470 = arith.index_cast %scan3A_294 : i32 to index
          %swap3A_471 = arith.constant 48 : index
          %swap3A_472 = tpu.vector_load %arg11[%swap3A_470, %swap3A_471] {strides = array<i32>} : memref<128x100xf32, #tpu.memory_space<vmem>>, vector<16xf32>,
          tpu.vector_store %arg11[%swap3A_470, %swap3A_471], %get3A_469 {strides = array<i32>} : memref<128x100xf32, #tpu.memory_space<vmem>>, vector<16xf32>,
          %get3A_473 = arith.constant 64 : index
          %get3A_474 = tpu.vector_load %arg10[%get3A_473] {strides = array<i32>} : memref<128xf32, #tpu.memory_space<vmem>>, vector<16xf32>,
          %swap3A_475 = arith.index_cast %scan3A_294 : i32 to index
          %swap3A_476 = arith.constant 64 : index
          %swap3A_477 = tpu.vector_load %arg11[%swap3A_475, %swap3A_476] {strides = array<i32>} : memref<128x100xf32, #tpu.memory_space<vmem>>, vector<16xf32>,
          tpu.vector_store %arg11[%swap3A_475, %swap3A_476], %get3A_474 {strides = array<i32>} : memref<128x100xf32, #tpu.memory_space<vmem>>, vector<16xf32>,
          %get3A_478 = arith.constant 80 : index
          %get3A_479 = tpu.vector_load %arg10[%get3A_478] {strides = array<i32>} : memref<128xf32, #tpu.memory_space<vmem>>, vector<16xf32>,
          %swap3A_480 = arith.index_cast %scan3A_294 : i32 to index
          %swap3A_481 = arith.constant 80 : index
          %swap3A_482 = tpu.vector_load %arg11[%swap3A_480, %swap3A_481] {strides = array<i32>} : memref<128x100xf32, #tpu.memory_space<vmem>>, vector<16xf32>,
          tpu.vector_store %arg11[%swap3A_480, %swap3A_481], %get3A_479 {strides = array<i32>} : memref<128x100xf32, #tpu.memory_space<vmem>>, vector<16xf32>,
          %get3A_483 = arith.constant 84 : index
          %get3A_484 = tpu.vector_load %arg10[%get3A_483] {strides = array<i32>} : memref<128xf32, #tpu.memory_space<vmem>>, vector<16xf32>,
          %swap3A_485 = arith.index_cast %scan3A_294 : i32 to index
          %swap3A_486 = arith.constant 84 : index
          %swap3A_487 = tpu.vector_load %arg11[%swap3A_485, %swap3A_486] {strides = array<i32>} : memref<128x100xf32, #tpu.memory_space<vmem>>, vector<16xf32>,
          tpu.vector_store %arg11[%swap3A_485, %swap3A_486], %get3A_484 {strides = array<i32>} : memref<128x100xf32, #tpu.memory_space<vmem>>, vector<16xf32>,
        } else {
        }
        %jit3A = arith.constant 0.000000e+00 : f32
        %broadcast_in_dim3A_303 = vector.broadcast %jit3A : f32 to vector<16xf32>
        %select_n3A = arith.select %eq3A, %broadcast_in_dim3A_303, %scan3A_286 : vector<16xf32>
        %jit3A_304 = arith.constant 0.000000e+00 : f32
        %broadcast_in_dim3A_305 = vector.broadcast %jit3A_304 : f32 to vector<16xf32>
        %select_n3A_306 = arith.select %eq3A, %broadcast_in_dim3A_305, %scan3A_287 : vector<16xf32>
        %jit3A_307 = arith.constant 0.000000e+00 : f32
        %broadcast_in_dim3A_308 = vector.broadcast %jit3A_307 : f32 to vector<16xf32>
        %select_n3A_309 = arith.select %eq3A, %broadcast_in_dim3A_308, %scan3A_288 : vector<16xf32>
        %jit3A_310 = arith.constant 0.000000e+00 : f32
        %broadcast_in_dim3A_311 = vector.broadcast %jit3A_310 : f32 to vector<16xf32>
        %select_n3A_312 = arith.select %eq3A, %broadcast_in_dim3A_311, %scan3A_289 : vector<16xf32>
        %jit3A_313 = arith.constant 0.000000e+00 : f32
        %broadcast_in_dim3A_314 = vector.broadcast %jit3A_313 : f32 to vector<16xf32>
        %select_n3A_315 = arith.select %eq3A, %broadcast_in_dim3A_314, %scan3A_290 : vector<16xf32>
        %jit3A_316 = arith.constant 0.000000e+00 : f32
        %broadcast_in_dim3A_317 = vector.broadcast %jit3A_316 : f32 to vector<16xf32>
        %select_n3A_318 = arith.select %eq3A, %broadcast_in_dim3A_317, %scan3A_291 : vector<16xf32>
        %jit3A_319 = arith.constant 0.000000e+00 : f32
        %broadcast_in_dim3A_320 = vector.broadcast %jit3A_319 : f32 to vector<16xf32>
        %select_n3A_321 = arith.select %eq3A, %broadcast_in_dim3A_320, %scan3A_292 : vector<16xf32>
        %jit3A_322 = arith.constant 0.000000e+00 : f32
        %broadcast_in_dim3A_323 = vector.broadcast %jit3A_322 : f32 to vector<16xf32>
        %select_n3A_324 = arith.select %eq3A, %broadcast_in_dim3A_323, %scan3A_293 : vector<16xf32>
        %convert_element_type3A_325 = arith.extui %eq3A : i1 to i32
        %add3A_326 = arith.addi %scan3A_294, %convert_element_type3A_325 : i32
        %mul3A_327 = arith.constant 2 : i32
        %mul3A_328 = arith.muli %add3A_298, %mul3A_327 : i32
        %add3A_329 = arith.constant 0 : i32
        %add3A_330 = arith.addi %mul3A_328, %add3A_329 : i32
        %get3A_331 = arith.index_cast %add3A_330 : i32 to index
        %get3A_332 = arith.constant 0 : index
        %get3A_333 = tpu.vector_load %arg7[%get3A_331, %get3A_332] {strides = array<i32>} : memref<128x128xbf16, #tpu.memory_space<vmem>>, vector<32xbf16>,
        %bitcast3A = vector.bitcast %get3A_333 : vector<32xbf16> to vector<16xi32>
        %shift_left3A = arith.constant 16 : i32
        %shift_left3A_334 = vector.broadcast %shift_left3A : i32 to vector<16xi32>
        %shift_left3A_335 = arith.shli %bitcast3A, %shift_left3A_334 : vector<16xi32>
        %bitcast3A_336 = vector.bitcast %shift_left3A_335 : vector<16xi32> to vector<16xf32>
        %and3A_337 = arith.andi %bitcast3A, %broadcast_in_dim3A_5 : vector<16xi32>
        %bitcast3A_338 = vector.bitcast %and3A_337 : vector<16xi32> to vector<16xf32>
        %add3A_339 = arith.addf %select_n3A, %bitcast3A_336 : vector<16xf32>
        %add3A_340 = arith.addf %select_n3A_306, %bitcast3A_338 : vector<16xf32>
        %get3A_341 = arith.index_cast %add3A_330 : i32 to index
        %get3A_342 = arith.constant 32 : index
        %get3A_343 = tpu.vector_load %arg7[%get3A_341, %get3A_342] {strides = array<i32>} : memref<128x128xbf16, #tpu.memory_space<vmem>>, vector<32xbf16>,
        %bitcast3A_344 = vector.bitcast %get3A_343 : vector<32xbf16> to vector<16xi32>
        %shift_left3A_345 = arith.constant 16 : i32
        %shift_left3A_346 = vector.broadcast %shift_left3A_345 : i32 to vector<16xi32>
        %shift_left3A_347 = arith.shli %bitcast3A_344, %shift_left3A_346 : vector<16xi32>
        %bitcast3A_348 = vector.bitcast %shift_left3A_347 : vector<16xi32> to vector<16xf32>
        %and3A_349 = arith.andi %bitcast3A_344, %broadcast_in_dim3A_5 : vector<16xi32>
        %bitcast3A_350 = vector.bitcast %and3A_349 : vector<16xi32> to vector<16xf32>
        %add3A_351 = arith.addf %select_n3A_309, %bitcast3A_348 : vector<16xf32>
        %add3A_352 = arith.addf %select_n3A_312, %bitcast3A_350 : vector<16xf32>
        %get3A_353 = arith.index_cast %add3A_330 : i32 to index
        %get3A_354 = arith.constant 64 : index
        %get3A_355 = tpu.vector_load %arg7[%get3A_353, %get3A_354] {strides = array<i32>} : memref<128x128xbf16, #tpu.memory_space<vmem>>, vector<32xbf16>,
        %bitcast3A_356 = vector.bitcast %get3A_355 : vector<32xbf16> to vector<16xi32>
        %shift_left3A_357 = arith.constant 16 : i32
        %shift_left3A_358 = vector.broadcast %shift_left3A_357 : i32 to vector<16xi32>
        %shift_left3A_359 = arith.shli %bitcast3A_356, %shift_left3A_358 : vector<16xi32>
        %bitcast3A_360 = vector.bitcast %shift_left3A_359 : vector<16xi32> to vector<16xf32>
        %and3A_361 = arith.andi %bitcast3A_356, %broadcast_in_dim3A_5 : vector<16xi32>
        %bitcast3A_362 = vector.bitcast %and3A_361 : vector<16xi32> to vector<16xf32>
        %add3A_363 = arith.addf %select_n3A_315, %bitcast3A_360 : vector<16xf32>
        %add3A_364 = arith.addf %select_n3A_318, %bitcast3A_362 : vector<16xf32>
        %get3A_365 = arith.index_cast %add3A_330 : i32 to index
        %get3A_366 = arith.constant 96 : index
        %get3A_367 = tpu.vector_load %arg7[%get3A_365, %get3A_366] {strides = array<i32>} : memref<128x128xbf16, #tpu.memory_space<vmem>>, vector<32xbf16>,
        %bitcast3A_368 = vector.bitcast %get3A_367 : vector<32xbf16> to vector<16xi32>
        %shift_left3A_369 = arith.constant 16 : i32
        %shift_left3A_370 = vector.broadcast %shift_left3A_369 : i32 to vector<16xi32>
        %shift_left3A_371 = arith.shli %bitcast3A_368, %shift_left3A_370 : vector<16xi32>
        %bitcast3A_372 = vector.bitcast %shift_left3A_371 : vector<16xi32> to vector<16xf32>
        %and3A_373 = arith.andi %bitcast3A_368, %broadcast_in_dim3A_5 : vector<16xi32>
        %bitcast3A_374 = vector.bitcast %and3A_373 : vector<16xi32> to vector<16xf32>
        %add3A_375 = arith.addf %select_n3A_321, %bitcast3A_372 : vector<16xf32>
        %add3A_376 = arith.addf %select_n3A_324, %bitcast3A_374 : vector<16xf32>
        %mul3A_377 = arith.constant 2 : i32
        %mul3A_378 = arith.muli %add3A_298, %mul3A_377 : i32
        %add3A_379 = arith.constant 1 : i32
        %add3A_380 = arith.addi %mul3A_378, %add3A_379 : i32
        %get3A_381 = arith.index_cast %add3A_380 : i32 to index
        %get3A_382 = arith.constant 0 : index
        %get3A_383 = tpu.vector_load %arg7[%get3A_381, %get3A_382] {strides = array<i32>} : memref<128x128xbf16, #tpu.memory_space<vmem>>, vector<32xbf16>,
        %bitcast3A_384 = vector.bitcast %get3A_383 : vector<32xbf16> to vector<16xi32>
        %shift_left3A_385 = arith.constant 16 : i32
        %shift_left3A_386 = vector.broadcast %shift_left3A_385 : i32 to vector<16xi32>
        %shift_left3A_387 = arith.shli %bitcast3A_384, %shift_left3A_386 : vector<16xi32>
        %bitcast3A_388 = vector.bitcast %shift_left3A_387 : vector<16xi32> to vector<16xf32>
        %and3A_389 = arith.andi %bitcast3A_384, %broadcast_in_dim3A_5 : vector<16xi32>
        %bitcast3A_390 = vector.bitcast %and3A_389 : vector<16xi32> to vector<16xf32>
        %add3A_391 = arith.addf %add3A_339, %bitcast3A_388 : vector<16xf32>
        %add3A_392 = arith.addf %add3A_340, %bitcast3A_390 : vector<16xf32>
        %get3A_393 = arith.index_cast %add3A_380 : i32 to index
        %get3A_394 = arith.constant 32 : index
        %get3A_395 = tpu.vector_load %arg7[%get3A_393, %get3A_394] {strides = array<i32>} : memref<128x128xbf16, #tpu.memory_space<vmem>>, vector<32xbf16>,
        %bitcast3A_396 = vector.bitcast %get3A_395 : vector<32xbf16> to vector<16xi32>
        %shift_left3A_397 = arith.constant 16 : i32
        %shift_left3A_398 = vector.broadcast %shift_left3A_397 : i32 to vector<16xi32>
        %shift_left3A_399 = arith.shli %bitcast3A_396, %shift_left3A_398 : vector<16xi32>
        %bitcast3A_400 = vector.bitcast %shift_left3A_399 : vector<16xi32> to vector<16xf32>
        %and3A_401 = arith.andi %bitcast3A_396, %broadcast_in_dim3A_5 : vector<16xi32>
        %bitcast3A_402 = vector.bitcast %and3A_401 : vector<16xi32> to vector<16xf32>
        %add3A_403 = arith.addf %add3A_351, %bitcast3A_400 : vector<16xf32>
        %add3A_404 = arith.addf %add3A_352, %bitcast3A_402 : vector<16xf32>
        %get3A_405 = arith.index_cast %add3A_380 : i32 to index
        %get3A_406 = arith.constant 64 : index
        %get3A_407 = tpu.vector_load %arg7[%get3A_405, %get3A_406] {strides = array<i32>} : memref<128x128xbf16, #tpu.memory_space<vmem>>, vector<32xbf16>,
        %bitcast3A_408 = vector.bitcast %get3A_407 : vector<32xbf16> to vector<16xi32>
        %shift_left3A_409 = arith.constant 16 : i32
        %shift_left3A_410 = vector.broadcast %shift_left3A_409 : i32 to vector<16xi32>
        %shift_left3A_411 = arith.shli %bitcast3A_408, %shift_left3A_410 : vector<16xi32>
        %bitcast3A_412 = vector.bitcast %shift_left3A_411 : vector<16xi32> to vector<16xf32>
        %and3A_413 = arith.andi %bitcast3A_408, %broadcast_in_dim3A_5 : vector<16xi32>
        %bitcast3A_414 = vector.bitcast %and3A_413 : vector<16xi32> to vector<16xf32>
        %add3A_415 = arith.addf %add3A_363, %bitcast3A_412 : vector<16xf32>
        %add3A_416 = arith.addf %add3A_364, %bitcast3A_414 : vector<16xf32>
        %get3A_417 = arith.index_cast %add3A_380 : i32 to index
        %get3A_418 = arith.constant 96 : index
        %get3A_419 = tpu.vector_load %arg7[%get3A_417, %get3A_418] {strides = array<i32>} : memref<128x128xbf16, #tpu.memory_space<vmem>>, vector<32xbf16>,
        %bitcast3A_420 = vector.bitcast %get3A_419 : vector<32xbf16> to vector<16xi32>
        %shift_left3A_421 = arith.constant 16 : i32
        %shift_left3A_422 = vector.broadcast %shift_left3A_421 : i32 to vector<16xi32>
        %shift_left3A_423 = arith.shli %bitcast3A_420, %shift_left3A_422 : vector<16xi32>
        %bitcast3A_424 = vector.bitcast %shift_left3A_423 : vector<16xi32> to vector<16xf32>
        %and3A_425 = arith.andi %bitcast3A_420, %broadcast_in_dim3A_5 : vector<16xi32>
        %bitcast3A_426 = vector.bitcast %and3A_425 : vector<16xi32> to vector<16xf32>
        %add3A_427 = arith.addf %add3A_375, %bitcast3A_424 : vector<16xf32>
        %add3A_428 = arith.addf %add3A_376, %bitcast3A_426 : vector<16xf32>
        scf.yield %add3A_391, %add3A_392, %add3A_403, %add3A_404, %add3A_415, %add3A_416, %add3A_427, %add3A_428, %add3A_326 : vector<16xf32>, vector<16xf32>, vector<16xf32>, vector<16xf32>, vector<16xf32>, vector<16xf32>, vector<16xf32>, vector<16xf32>, i32
      }
      %scan3A_206 = arith.constant 64 : i32
      %add3A_207 = arith.constant 4 : i32
      %add3A_208 = arith.addi %add3A_186, %add3A_207 : i32
      %min3A_209 = arith.constant 197 : i32
      %min3A_210 = arith.minsi %add3A_208, %min3A_209 : i32
      %dma_start3A_211 = arith.constant 0 : i32
      %dma_start3A_212 = tpu.memref_slice %arg5[%min3A_210, %dma_start3A_211] : memref<200x128xi32, #tpu.memory_space<vmem>> -> memref<1x128xi32, #tpu.memory_space<vmem>>
      %dma_start3A_213 = tpu.memref_squeeze %dma_start3A_212 : memref<1x128xi32, #tpu.memory_space<vmem>> -> memref<128xi32, #tpu.memory_space<vmem>>
      %dma_start3A_214 = arith.constant 0 : i32
      %dma_start3A_215 = arith.constant 0 : i32
      %dma_start3A_216 = tpu.memref_slice %arg3[%dma_start3A_214, %dma_start3A_215] : memref<400000x128xbf16, #tpu.memory_space<hbm>> -> memref<400000x128xbf16, #tpu.memory_space<hbm>>
      tpu.enqueue_indirect_dma source(%dma_start3A_216 : memref<400000x128xbf16, #tpu.memory_space<hbm>>) target(%arg7 : memref<128x128xbf16, #tpu.memory_space<vmem>>) offsets(%dma_start3A_213 : memref<128xi32, #tpu.memory_space<vmem>>) semaphore(%arg13 : memref<!tpu.dma_semaphore, #tpu.memory_space<semaphore_mem>>)
      %mul3A_217 = arith.constant 4 : i32
      %mul3A_218 = arith.muli %mul3A_217, %add3A_151 : i32
      %add3A_219 = arith.constant 2 : i32
      %add3A_220 = arith.addi %mul3A_218, %add3A_219 : i32
      %dma_wait3A_221 = arith.constant 0 : i32
      %dma_wait3A_222 = tpu.memref_slice %arg5[%add3A_220, %dma_wait3A_221] : memref<200x128xi32, #tpu.memory_space<vmem>> -> memref<1x128xi32, #tpu.memory_space<vmem>>
      %dma_wait3A_223 = tpu.memref_squeeze %dma_wait3A_222 : memref<1x128xi32, #tpu.memory_space<vmem>> -> memref<128xi32, #tpu.memory_space<vmem>>
      %dma_wait3A_224 = arith.constant 0 : i32
      %dma_wait3A_225 = arith.constant 0 : i32
      %dma_wait3A_226 = tpu.memref_slice %arg3[%dma_wait3A_224, %dma_wait3A_225] : memref<400000x128xbf16, #tpu.memory_space<hbm>> -> memref<400000x128xbf16, #tpu.memory_space<hbm>>
      tpu.wait_indirect_dma semaphore(%arg14 : memref<!tpu.dma_semaphore, #tpu.memory_space<semaphore_mem>>) src(%dma_wait3A_226 : memref<400000x128xbf16, #tpu.memory_space<hbm>>) dst(%arg8 : memref<128x128xbf16, #tpu.memory_space<vmem>>)
      %mul3A_227 = arith.constant 128 : i32
      %mul3A_228 = arith.muli %mul3A_227, %add3A_220 : i32
      %rem3A_229 = arith.constant 200 : i32
      %rem3A_230 = arith.remsi %mul3A_228, %rem3A_229 : i32
      %sub3A_231 = arith.constant 200 : i32
      %sub3A_232 = arith.subi %sub3A_231, %rem3A_230 : i32
      %rem3A_233 = arith.constant 200 : i32
      %rem3A_234 = arith.remsi %sub3A_232, %rem3A_233 : i32
      %scan3A_235 = arith.constant 0 : i32
      %scan3A_236 = arith.constant 64 : i32
      %scan3A_237 = arith.addi %scan3A_235, %scan3A_236 : i32
      %scan3A_238 = arith.constant 1 : i32
      %scan3A_239:9 = scf.for %scan3A_285 = %scan3A_235 to %scan3A_237 step %scan3A_238 iter_args(%scan3A_286 = %scan3A_205#0, %scan3A_287 = %scan3A_205#1, %scan3A_288 = %scan3A_205#2, %scan3A_289 = %scan3A_205#3, %scan3A_290 = %scan3A_205#4, %scan3A_291 = %scan3A_205#5, %scan3A_292 = %scan3A_205#6, %scan3A_293 = %scan3A_205#7, %scan3A_294 = %scan3A_205#8) -> (vector<16xf32>, vector<16xf32>, vector<16xf32>, vector<16xf32>, vector<16xf32>, vector<16xf32>, vector<16xf32>, vector<16xf32>, i32)  : i32 {
        %mul3A_295 = arith.constant 1 : i32
        %mul3A_296 = arith.muli %scan3A_285, %mul3A_295 : i32
        %add3A_297 = arith.constant 0 : i32
        %add3A_298 = arith.addi %add3A_297, %mul3A_296 : i32
        %mul3A_299 = arith.constant 2 : i32
        %mul3A_300 = arith.muli %mul3A_299, %add3A_298 : i32
        %eq3A = arith.cmpi eq, %mul3A_300, %rem3A_234 : i32
        %ge3A = arith.constant 0 : i32
        %ge3A_301 = arith.cmpi sge, %scan3A_294, %ge3A : i32
        %and3A = arith.andi %eq3A, %ge3A_301 : i1
        %convert_element_type3A = arith.extui %and3A : i1 to i32
        %cond3A = arith.constant 0 : i32
        %cond3A_302 = arith.cmpi ne, %convert_element_type3A, %cond3A : i32
        scf.if %cond3A_302 {
          %add3A_429 = arith.constant 0 : i32
          %add3A_430 = vector.broadcast %add3A_429 : i32 to vector<16xi32>
          %add3A_431 = arith.addi %mul3A_8, %add3A_430 : vector<16xi32>
          tpu.vector_store_idx %arg10[%add3A_431], %scan3A_286 : memref<128xf32, #tpu.memory_space<vmem>>[vector<16xi32>], vector<16xf32>,
          %add3A_432 = arith.constant 0 : i32
          %add3A_433 = vector.broadcast %add3A_432 : i32 to vector<16xi32>
          %add3A_434 = arith.addi %add3A_11, %add3A_433 : vector<16xi32>
          tpu.vector_store_idx %arg10[%add3A_434], %scan3A_287 : memref<128xf32, #tpu.memory_space<vmem>>[vector<16xi32>], vector<16xf32>,
          %add3A_435 = arith.constant 32 : i32
          %add3A_436 = vector.broadcast %add3A_435 : i32 to vector<16xi32>
          %add3A_437 = arith.addi %mul3A_8, %add3A_436 : vector<16xi32>
          tpu.vector_store_idx %arg10[%add3A_437], %scan3A_288 : memref<128xf32, #tpu.memory_space<vmem>>[vector<16xi32>], vector<16xf32>,
          %add3A_438 = arith.constant 32 : i32
          %add3A_439 = vector.broadcast %add3A_438 : i32 to vector<16xi32>
          %add3A_440 = arith.addi %add3A_11, %add3A_439 : vector<16xi32>
          tpu.vector_store_idx %arg10[%add3A_440], %scan3A_289 : memref<128xf32, #tpu.memory_space<vmem>>[vector<16xi32>], vector<16xf32>,
          %add3A_441 = arith.constant 64 : i32
          %add3A_442 = vector.broadcast %add3A_441 : i32 to vector<16xi32>
          %add3A_443 = arith.addi %mul3A_8, %add3A_442 : vector<16xi32>
          tpu.vector_store_idx %arg10[%add3A_443], %scan3A_290 : memref<128xf32, #tpu.memory_space<vmem>>[vector<16xi32>], vector<16xf32>,
          %add3A_444 = arith.constant 64 : i32
          %add3A_445 = vector.broadcast %add3A_444 : i32 to vector<16xi32>
          %add3A_446 = arith.addi %add3A_11, %add3A_445 : vector<16xi32>
          tpu.vector_store_idx %arg10[%add3A_446], %scan3A_291 : memref<128xf32, #tpu.memory_space<vmem>>[vector<16xi32>], vector<16xf32>,
          %add3A_447 = arith.constant 96 : i32
          %add3A_448 = vector.broadcast %add3A_447 : i32 to vector<16xi32>
          %add3A_449 = arith.addi %mul3A_8, %add3A_448 : vector<16xi32>
          tpu.vector_store_idx %arg10[%add3A_449], %scan3A_292 : memref<128xf32, #tpu.memory_space<vmem>>[vector<16xi32>], vector<16xf32>,
          %add3A_450 = arith.constant 96 : i32
          %add3A_451 = vector.broadcast %add3A_450 : i32 to vector<16xi32>
          %add3A_452 = arith.addi %add3A_11, %add3A_451 : vector<16xi32>
          tpu.vector_store_idx %arg10[%add3A_452], %scan3A_293 : memref<128xf32, #tpu.memory_space<vmem>>[vector<16xi32>], vector<16xf32>,
          %get3A_453 = arith.constant 0 : index
          %get3A_454 = tpu.vector_load %arg10[%get3A_453] {strides = array<i32>} : memref<128xf32, #tpu.memory_space<vmem>>, vector<16xf32>,
          %swap3A_455 = arith.index_cast %scan3A_294 : i32 to index
          %swap3A_456 = arith.constant 0 : index
          %swap3A_457 = tpu.vector_load %arg11[%swap3A_455, %swap3A_456] {strides = array<i32>} : memref<128x100xf32, #tpu.memory_space<vmem>>, vector<16xf32>,
          tpu.vector_store %arg11[%swap3A_455, %swap3A_456], %get3A_454 {strides = array<i32>} : memref<128x100xf32, #tpu.memory_space<vmem>>, vector<16xf32>,
          %get3A_458 = arith.constant 16 : index
          %get3A_459 = tpu.vector_load %arg10[%get3A_458] {strides = array<i32>} : memref<128xf32, #tpu.memory_space<vmem>>, vector<16xf32>,
          %swap3A_460 = arith.index_cast %scan3A_294 : i32 to index
          %swap3A_461 = arith.constant 16 : index
          %swap3A_462 = tpu.vector_load %arg11[%swap3A_460, %swap3A_461] {strides = array<i32>} : memref<128x100xf32, #tpu.memory_space<vmem>>, vector<16xf32>,
          tpu.vector_store %arg11[%swap3A_460, %swap3A_461], %get3A_459 {strides = array<i32>} : memref<128x100xf32, #tpu.memory_space<vmem>>, vector<16xf32>,
          %get3A_463 = arith.constant 32 : index
          %get3A_464 = tpu.vector_load %arg10[%get3A_463] {strides = array<i32>} : memref<128xf32, #tpu.memory_space<vmem>>, vector<16xf32>,
          %swap3A_465 = arith.index_cast %scan3A_294 : i32 to index
          %swap3A_466 = arith.constant 32 : index
          %swap3A_467 = tpu.vector_load %arg11[%swap3A_465, %swap3A_466] {strides = array<i32>} : memref<128x100xf32, #tpu.memory_space<vmem>>, vector<16xf32>,
          tpu.vector_store %arg11[%swap3A_465, %swap3A_466], %get3A_464 {strides = array<i32>} : memref<128x100xf32, #tpu.memory_space<vmem>>, vector<16xf32>,
          %get3A_468 = arith.constant 48 : index
          %get3A_469 = tpu.vector_load %arg10[%get3A_468] {strides = array<i32>} : memref<128xf32, #tpu.memory_space<vmem>>, vector<16xf32>,
          %swap3A_470 = arith.index_cast %scan3A_294 : i32 to index
          %swap3A_471 = arith.constant 48 : index
          %swap3A_472 = tpu.vector_load %arg11[%swap3A_470, %swap3A_471] {strides = array<i32>} : memref<128x100xf32, #tpu.memory_space<vmem>>, vector<16xf32>,
          tpu.vector_store %arg11[%swap3A_470, %swap3A_471], %get3A_469 {strides = array<i32>} : memref<128x100xf32, #tpu.memory_space<vmem>>, vector<16xf32>,
          %get3A_473 = arith.constant 64 : index
          %get3A_474 = tpu.vector_load %arg10[%get3A_473] {strides = array<i32>} : memref<128xf32, #tpu.memory_space<vmem>>, vector<16xf32>,
          %swap3A_475 = arith.index_cast %scan3A_294 : i32 to index
          %swap3A_476 = arith.constant 64 : index
          %swap3A_477 = tpu.vector_load %arg11[%swap3A_475, %swap3A_476] {strides = array<i32>} : memref<128x100xf32, #tpu.memory_space<vmem>>, vector<16xf32>,
          tpu.vector_store %arg11[%swap3A_475, %swap3A_476], %get3A_474 {strides = array<i32>} : memref<128x100xf32, #tpu.memory_space<vmem>>, vector<16xf32>,
          %get3A_478 = arith.constant 80 : index
          %get3A_479 = tpu.vector_load %arg10[%get3A_478] {strides = array<i32>} : memref<128xf32, #tpu.memory_space<vmem>>, vector<16xf32>,
          %swap3A_480 = arith.index_cast %scan3A_294 : i32 to index
          %swap3A_481 = arith.constant 80 : index
          %swap3A_482 = tpu.vector_load %arg11[%swap3A_480, %swap3A_481] {strides = array<i32>} : memref<128x100xf32, #tpu.memory_space<vmem>>, vector<16xf32>,
          tpu.vector_store %arg11[%swap3A_480, %swap3A_481], %get3A_479 {strides = array<i32>} : memref<128x100xf32, #tpu.memory_space<vmem>>, vector<16xf32>,
          %get3A_483 = arith.constant 84 : index
          %get3A_484 = tpu.vector_load %arg10[%get3A_483] {strides = array<i32>} : memref<128xf32, #tpu.memory_space<vmem>>, vector<16xf32>,
          %swap3A_485 = arith.index_cast %scan3A_294 : i32 to index
          %swap3A_486 = arith.constant 84 : index
          %swap3A_487 = tpu.vector_load %arg11[%swap3A_485, %swap3A_486] {strides = array<i32>} : memref<128x100xf32, #tpu.memory_space<vmem>>, vector<16xf32>,
          tpu.vector_store %arg11[%swap3A_485, %swap3A_486], %get3A_484 {strides = array<i32>} : memref<128x100xf32, #tpu.memory_space<vmem>>, vector<16xf32>,
        } else {
        }
        %jit3A = arith.constant 0.000000e+00 : f32
        %broadcast_in_dim3A_303 = vector.broadcast %jit3A : f32 to vector<16xf32>
        %select_n3A = arith.select %eq3A, %broadcast_in_dim3A_303, %scan3A_286 : vector<16xf32>
        %jit3A_304 = arith.constant 0.000000e+00 : f32
        %broadcast_in_dim3A_305 = vector.broadcast %jit3A_304 : f32 to vector<16xf32>
        %select_n3A_306 = arith.select %eq3A, %broadcast_in_dim3A_305, %scan3A_287 : vector<16xf32>
        %jit3A_307 = arith.constant 0.000000e+00 : f32
        %broadcast_in_dim3A_308 = vector.broadcast %jit3A_307 : f32 to vector<16xf32>
        %select_n3A_309 = arith.select %eq3A, %broadcast_in_dim3A_308, %scan3A_288 : vector<16xf32>
        %jit3A_310 = arith.constant 0.000000e+00 : f32
        %broadcast_in_dim3A_311 = vector.broadcast %jit3A_310 : f32 to vector<16xf32>
        %select_n3A_312 = arith.select %eq3A, %broadcast_in_dim3A_311, %scan3A_289 : vector<16xf32>
        %jit3A_313 = arith.constant 0.000000e+00 : f32
        %broadcast_in_dim3A_314 = vector.broadcast %jit3A_313 : f32 to vector<16xf32>
        %select_n3A_315 = arith.select %eq3A, %broadcast_in_dim3A_314, %scan3A_290 : vector<16xf32>
        %jit3A_316 = arith.constant 0.000000e+00 : f32
        %broadcast_in_dim3A_317 = vector.broadcast %jit3A_316 : f32 to vector<16xf32>
        %select_n3A_318 = arith.select %eq3A, %broadcast_in_dim3A_317, %scan3A_291 : vector<16xf32>
        %jit3A_319 = arith.constant 0.000000e+00 : f32
        %broadcast_in_dim3A_320 = vector.broadcast %jit3A_319 : f32 to vector<16xf32>
        %select_n3A_321 = arith.select %eq3A, %broadcast_in_dim3A_320, %scan3A_292 : vector<16xf32>
        %jit3A_322 = arith.constant 0.000000e+00 : f32
        %broadcast_in_dim3A_323 = vector.broadcast %jit3A_322 : f32 to vector<16xf32>
        %select_n3A_324 = arith.select %eq3A, %broadcast_in_dim3A_323, %scan3A_293 : vector<16xf32>
        %convert_element_type3A_325 = arith.extui %eq3A : i1 to i32
        %add3A_326 = arith.addi %scan3A_294, %convert_element_type3A_325 : i32
        %mul3A_327 = arith.constant 2 : i32
        %mul3A_328 = arith.muli %add3A_298, %mul3A_327 : i32
        %add3A_329 = arith.constant 0 : i32
        %add3A_330 = arith.addi %mul3A_328, %add3A_329 : i32
        %get3A_331 = arith.index_cast %add3A_330 : i32 to index
        %get3A_332 = arith.constant 0 : index
        %get3A_333 = tpu.vector_load %arg8[%get3A_331, %get3A_332] {strides = array<i32>} : memref<128x128xbf16, #tpu.memory_space<vmem>>, vector<32xbf16>,
        %bitcast3A = vector.bitcast %get3A_333 : vector<32xbf16> to vector<16xi32>
        %shift_left3A = arith.constant 16 : i32
        %shift_left3A_334 = vector.broadcast %shift_left3A : i32 to vector<16xi32>
        %shift_left3A_335 = arith.shli %bitcast3A, %shift_left3A_334 : vector<16xi32>
        %bitcast3A_336 = vector.bitcast %shift_left3A_335 : vector<16xi32> to vector<16xf32>
        %and3A_337 = arith.andi %bitcast3A, %broadcast_in_dim3A_5 : vector<16xi32>
        %bitcast3A_338 = vector.bitcast %and3A_337 : vector<16xi32> to vector<16xf32>
        %add3A_339 = arith.addf %select_n3A, %bitcast3A_336 : vector<16xf32>
        %add3A_340 = arith.addf %select_n3A_306, %bitcast3A_338 : vector<16xf32>
        %get3A_341 = arith.index_cast %add3A_330 : i32 to index
        %get3A_342 = arith.constant 32 : index
        %get3A_343 = tpu.vector_load %arg8[%get3A_341, %get3A_342] {strides = array<i32>} : memref<128x128xbf16, #tpu.memory_space<vmem>>, vector<32xbf16>,
        %bitcast3A_344 = vector.bitcast %get3A_343 : vector<32xbf16> to vector<16xi32>
        %shift_left3A_345 = arith.constant 16 : i32
        %shift_left3A_346 = vector.broadcast %shift_left3A_345 : i32 to vector<16xi32>
        %shift_left3A_347 = arith.shli %bitcast3A_344, %shift_left3A_346 : vector<16xi32>
        %bitcast3A_348 = vector.bitcast %shift_left3A_347 : vector<16xi32> to vector<16xf32>
        %and3A_349 = arith.andi %bitcast3A_344, %broadcast_in_dim3A_5 : vector<16xi32>
        %bitcast3A_350 = vector.bitcast %and3A_349 : vector<16xi32> to vector<16xf32>
        %add3A_351 = arith.addf %select_n3A_309, %bitcast3A_348 : vector<16xf32>
        %add3A_352 = arith.addf %select_n3A_312, %bitcast3A_350 : vector<16xf32>
        %get3A_353 = arith.index_cast %add3A_330 : i32 to index
        %get3A_354 = arith.constant 64 : index
        %get3A_355 = tpu.vector_load %arg8[%get3A_353, %get3A_354] {strides = array<i32>} : memref<128x128xbf16, #tpu.memory_space<vmem>>, vector<32xbf16>,
        %bitcast3A_356 = vector.bitcast %get3A_355 : vector<32xbf16> to vector<16xi32>
        %shift_left3A_357 = arith.constant 16 : i32
        %shift_left3A_358 = vector.broadcast %shift_left3A_357 : i32 to vector<16xi32>
        %shift_left3A_359 = arith.shli %bitcast3A_356, %shift_left3A_358 : vector<16xi32>
        %bitcast3A_360 = vector.bitcast %shift_left3A_359 : vector<16xi32> to vector<16xf32>
        %and3A_361 = arith.andi %bitcast3A_356, %broadcast_in_dim3A_5 : vector<16xi32>
        %bitcast3A_362 = vector.bitcast %and3A_361 : vector<16xi32> to vector<16xf32>
        %add3A_363 = arith.addf %select_n3A_315, %bitcast3A_360 : vector<16xf32>
        %add3A_364 = arith.addf %select_n3A_318, %bitcast3A_362 : vector<16xf32>
        %get3A_365 = arith.index_cast %add3A_330 : i32 to index
        %get3A_366 = arith.constant 96 : index
        %get3A_367 = tpu.vector_load %arg8[%get3A_365, %get3A_366] {strides = array<i32>} : memref<128x128xbf16, #tpu.memory_space<vmem>>, vector<32xbf16>,
        %bitcast3A_368 = vector.bitcast %get3A_367 : vector<32xbf16> to vector<16xi32>
        %shift_left3A_369 = arith.constant 16 : i32
        %shift_left3A_370 = vector.broadcast %shift_left3A_369 : i32 to vector<16xi32>
        %shift_left3A_371 = arith.shli %bitcast3A_368, %shift_left3A_370 : vector<16xi32>
        %bitcast3A_372 = vector.bitcast %shift_left3A_371 : vector<16xi32> to vector<16xf32>
        %and3A_373 = arith.andi %bitcast3A_368, %broadcast_in_dim3A_5 : vector<16xi32>
        %bitcast3A_374 = vector.bitcast %and3A_373 : vector<16xi32> to vector<16xf32>
        %add3A_375 = arith.addf %select_n3A_321, %bitcast3A_372 : vector<16xf32>
        %add3A_376 = arith.addf %select_n3A_324, %bitcast3A_374 : vector<16xf32>
        %mul3A_377 = arith.constant 2 : i32
        %mul3A_378 = arith.muli %add3A_298, %mul3A_377 : i32
        %add3A_379 = arith.constant 1 : i32
        %add3A_380 = arith.addi %mul3A_378, %add3A_379 : i32
        %get3A_381 = arith.index_cast %add3A_380 : i32 to index
        %get3A_382 = arith.constant 0 : index
        %get3A_383 = tpu.vector_load %arg8[%get3A_381, %get3A_382] {strides = array<i32>} : memref<128x128xbf16, #tpu.memory_space<vmem>>, vector<32xbf16>,
        %bitcast3A_384 = vector.bitcast %get3A_383 : vector<32xbf16> to vector<16xi32>
        %shift_left3A_385 = arith.constant 16 : i32
        %shift_left3A_386 = vector.broadcast %shift_left3A_385 : i32 to vector<16xi32>
        %shift_left3A_387 = arith.shli %bitcast3A_384, %shift_left3A_386 : vector<16xi32>
        %bitcast3A_388 = vector.bitcast %shift_left3A_387 : vector<16xi32> to vector<16xf32>
        %and3A_389 = arith.andi %bitcast3A_384, %broadcast_in_dim3A_5 : vector<16xi32>
        %bitcast3A_390 = vector.bitcast %and3A_389 : vector<16xi32> to vector<16xf32>
        %add3A_391 = arith.addf %add3A_339, %bitcast3A_388 : vector<16xf32>
        %add3A_392 = arith.addf %add3A_340, %bitcast3A_390 : vector<16xf32>
        %get3A_393 = arith.index_cast %add3A_380 : i32 to index
        %get3A_394 = arith.constant 32 : index
        %get3A_395 = tpu.vector_load %arg8[%get3A_393, %get3A_394] {strides = array<i32>} : memref<128x128xbf16, #tpu.memory_space<vmem>>, vector<32xbf16>,
        %bitcast3A_396 = vector.bitcast %get3A_395 : vector<32xbf16> to vector<16xi32>
        %shift_left3A_397 = arith.constant 16 : i32
        %shift_left3A_398 = vector.broadcast %shift_left3A_397 : i32 to vector<16xi32>
        %shift_left3A_399 = arith.shli %bitcast3A_396, %shift_left3A_398 : vector<16xi32>
        %bitcast3A_400 = vector.bitcast %shift_left3A_399 : vector<16xi32> to vector<16xf32>
        %and3A_401 = arith.andi %bitcast3A_396, %broadcast_in_dim3A_5 : vector<16xi32>
        %bitcast3A_402 = vector.bitcast %and3A_401 : vector<16xi32> to vector<16xf32>
        %add3A_403 = arith.addf %add3A_351, %bitcast3A_400 : vector<16xf32>
        %add3A_404 = arith.addf %add3A_352, %bitcast3A_402 : vector<16xf32>
        %get3A_405 = arith.index_cast %add3A_380 : i32 to index
        %get3A_406 = arith.constant 64 : index
        %get3A_407 = tpu.vector_load %arg8[%get3A_405, %get3A_406] {strides = array<i32>} : memref<128x128xbf16, #tpu.memory_space<vmem>>, vector<32xbf16>,
        %bitcast3A_408 = vector.bitcast %get3A_407 : vector<32xbf16> to vector<16xi32>
        %shift_left3A_409 = arith.constant 16 : i32
        %shift_left3A_410 = vector.broadcast %shift_left3A_409 : i32 to vector<16xi32>
        %shift_left3A_411 = arith.shli %bitcast3A_408, %shift_left3A_410 : vector<16xi32>
        %bitcast3A_412 = vector.bitcast %shift_left3A_411 : vector<16xi32> to vector<16xf32>
        %and3A_413 = arith.andi %bitcast3A_408, %broadcast_in_dim3A_5 : vector<16xi32>
        %bitcast3A_414 = vector.bitcast %and3A_413 : vector<16xi32> to vector<16xf32>
        %add3A_415 = arith.addf %add3A_363, %bitcast3A_412 : vector<16xf32>
        %add3A_416 = arith.addf %add3A_364, %bitcast3A_414 : vector<16xf32>
        %get3A_417 = arith.index_cast %add3A_380 : i32 to index
        %get3A_418 = arith.constant 96 : index
        %get3A_419 = tpu.vector_load %arg8[%get3A_417, %get3A_418] {strides = array<i32>} : memref<128x128xbf16, #tpu.memory_space<vmem>>, vector<32xbf16>,
        %bitcast3A_420 = vector.bitcast %get3A_419 : vector<32xbf16> to vector<16xi32>
        %shift_left3A_421 = arith.constant 16 : i32
        %shift_left3A_422 = vector.broadcast %shift_left3A_421 : i32 to vector<16xi32>
        %shift_left3A_423 = arith.shli %bitcast3A_420, %shift_left3A_422 : vector<16xi32>
        %bitcast3A_424 = vector.bitcast %shift_left3A_423 : vector<16xi32> to vector<16xf32>
        %and3A_425 = arith.andi %bitcast3A_420, %broadcast_in_dim3A_5 : vector<16xi32>
        %bitcast3A_426 = vector.bitcast %and3A_425 : vector<16xi32> to vector<16xf32>
        %add3A_427 = arith.addf %add3A_375, %bitcast3A_424 : vector<16xf32>
        %add3A_428 = arith.addf %add3A_376, %bitcast3A_426 : vector<16xf32>
        scf.yield %add3A_391, %add3A_392, %add3A_403, %add3A_404, %add3A_415, %add3A_416, %add3A_427, %add3A_428, %add3A_326 : vector<16xf32>, vector<16xf32>, vector<16xf32>, vector<16xf32>, vector<16xf32>, vector<16xf32>, vector<16xf32>, vector<16xf32>, i32
      }
      %scan3A_240 = arith.constant 64 : i32
      %add3A_241 = arith.constant 4 : i32
      %add3A_242 = arith.addi %add3A_220, %add3A_241 : i32
      %min3A_243 = arith.constant 198 : i32
      %min3A_244 = arith.minsi %add3A_242, %min3A_243 : i32
      %dma_start3A_245 = arith.constant 0 : i32
      %dma_start3A_246 = tpu.memref_slice %arg5[%min3A_244, %dma_start3A_245] : memref<200x128xi32, #tpu.memory_space<vmem>> -> memref<1x128xi32, #tpu.memory_space<vmem>>
      %dma_start3A_247 = tpu.memref_squeeze %dma_start3A_246 : memref<1x128xi32, #tpu.memory_space<vmem>> -> memref<128xi32, #tpu.memory_space<vmem>>
      %dma_start3A_248 = arith.constant 0 : i32
      %dma_start3A_249 = arith.constant 0 : i32
      %dma_start3A_250 = tpu.memref_slice %arg3[%dma_start3A_248, %dma_start3A_249] : memref<400000x128xbf16, #tpu.memory_space<hbm>> -> memref<400000x128xbf16, #tpu.memory_space<hbm>>
      tpu.enqueue_indirect_dma source(%dma_start3A_250 : memref<400000x128xbf16, #tpu.memory_space<hbm>>) target(%arg8 : memref<128x128xbf16, #tpu.memory_space<vmem>>) offsets(%dma_start3A_247 : memref<128xi32, #tpu.memory_space<vmem>>) semaphore(%arg14 : memref<!tpu.dma_semaphore, #tpu.memory_space<semaphore_mem>>)
      %mul3A_251 = arith.constant 4 : i32
      %mul3A_252 = arith.muli %mul3A_251, %add3A_151 : i32
      %add3A_253 = arith.constant 3 : i32
      %add3A_254 = arith.addi %mul3A_252, %add3A_253 : i32
      %dma_wait3A_255 = arith.constant 0 : i32
      %dma_wait3A_256 = tpu.memref_slice %arg5[%add3A_254, %dma_wait3A_255] : memref<200x128xi32, #tpu.memory_space<vmem>> -> memref<1x128xi32, #tpu.memory_space<vmem>>
      %dma_wait3A_257 = tpu.memref_squeeze %dma_wait3A_256 : memref<1x128xi32, #tpu.memory_space<vmem>> -> memref<128xi32, #tpu.memory_space<vmem>>
      %dma_wait3A_258 = arith.constant 0 : i32
      %dma_wait3A_259 = arith.constant 0 : i32
      %dma_wait3A_260 = tpu.memref_slice %arg3[%dma_wait3A_258, %dma_wait3A_259] : memref<400000x128xbf16, #tpu.memory_space<hbm>> -> memref<400000x128xbf16, #tpu.memory_space<hbm>>
      tpu.wait_indirect_dma semaphore(%arg15 : memref<!tpu.dma_semaphore, #tpu.memory_space<semaphore_mem>>) src(%dma_wait3A_260 : memref<400000x128xbf16, #tpu.memory_space<hbm>>) dst(%arg9 : memref<128x128xbf16, #tpu.memory_space<vmem>>)
      %mul3A_261 = arith.constant 128 : i32
      %mul3A_262 = arith.muli %mul3A_261, %add3A_254 : i32
      %rem3A_263 = arith.constant 200 : i32
      %rem3A_264 = arith.remsi %mul3A_262, %rem3A_263 : i32
      %sub3A_265 = arith.constant 200 : i32
      %sub3A_266 = arith.subi %sub3A_265, %rem3A_264 : i32
      %rem3A_267 = arith.constant 200 : i32
      %rem3A_268 = arith.remsi %sub3A_266, %rem3A_267 : i32
      %scan3A_269 = arith.constant 0 : i32
      %scan3A_270 = arith.constant 64 : i32
      %scan3A_271 = arith.addi %scan3A_269, %scan3A_270 : i32
      %scan3A_272 = arith.constant 1 : i32
      %scan3A_273:9 = scf.for %scan3A_285 = %scan3A_269 to %scan3A_271 step %scan3A_272 iter_args(%scan3A_286 = %scan3A_239#0, %scan3A_287 = %scan3A_239#1, %scan3A_288 = %scan3A_239#2, %scan3A_289 = %scan3A_239#3, %scan3A_290 = %scan3A_239#4, %scan3A_291 = %scan3A_239#5, %scan3A_292 = %scan3A_239#6, %scan3A_293 = %scan3A_239#7, %scan3A_294 = %scan3A_239#8) -> (vector<16xf32>, vector<16xf32>, vector<16xf32>, vector<16xf32>, vector<16xf32>, vector<16xf32>, vector<16xf32>, vector<16xf32>, i32)  : i32 {
        %mul3A_295 = arith.constant 1 : i32
        %mul3A_296 = arith.muli %scan3A_285, %mul3A_295 : i32
        %add3A_297 = arith.constant 0 : i32
        %add3A_298 = arith.addi %add3A_297, %mul3A_296 : i32
        %mul3A_299 = arith.constant 2 : i32
        %mul3A_300 = arith.muli %mul3A_299, %add3A_298 : i32
        %eq3A = arith.cmpi eq, %mul3A_300, %rem3A_268 : i32
        %ge3A = arith.constant 0 : i32
        %ge3A_301 = arith.cmpi sge, %scan3A_294, %ge3A : i32
        %and3A = arith.andi %eq3A, %ge3A_301 : i1
        %convert_element_type3A = arith.extui %and3A : i1 to i32
        %cond3A = arith.constant 0 : i32
        %cond3A_302 = arith.cmpi ne, %convert_element_type3A, %cond3A : i32
        scf.if %cond3A_302 {
          %add3A_429 = arith.constant 0 : i32
          %add3A_430 = vector.broadcast %add3A_429 : i32 to vector<16xi32>
          %add3A_431 = arith.addi %mul3A_8, %add3A_430 : vector<16xi32>
          tpu.vector_store_idx %arg10[%add3A_431], %scan3A_286 : memref<128xf32, #tpu.memory_space<vmem>>[vector<16xi32>], vector<16xf32>,
          %add3A_432 = arith.constant 0 : i32
          %add3A_433 = vector.broadcast %add3A_432 : i32 to vector<16xi32>
          %add3A_434 = arith.addi %add3A_11, %add3A_433 : vector<16xi32>
          tpu.vector_store_idx %arg10[%add3A_434], %scan3A_287 : memref<128xf32, #tpu.memory_space<vmem>>[vector<16xi32>], vector<16xf32>,
          %add3A_435 = arith.constant 32 : i32
          %add3A_436 = vector.broadcast %add3A_435 : i32 to vector<16xi32>
          %add3A_437 = arith.addi %mul3A_8, %add3A_436 : vector<16xi32>
          tpu.vector_store_idx %arg10[%add3A_437], %scan3A_288 : memref<128xf32, #tpu.memory_space<vmem>>[vector<16xi32>], vector<16xf32>,
          %add3A_438 = arith.constant 32 : i32
          %add3A_439 = vector.broadcast %add3A_438 : i32 to vector<16xi32>
          %add3A_440 = arith.addi %add3A_11, %add3A_439 : vector<16xi32>
          tpu.vector_store_idx %arg10[%add3A_440], %scan3A_289 : memref<128xf32, #tpu.memory_space<vmem>>[vector<16xi32>], vector<16xf32>,
          %add3A_441 = arith.constant 64 : i32
          %add3A_442 = vector.broadcast %add3A_441 : i32 to vector<16xi32>
          %add3A_443 = arith.addi %mul3A_8, %add3A_442 : vector<16xi32>
          tpu.vector_store_idx %arg10[%add3A_443], %scan3A_290 : memref<128xf32, #tpu.memory_space<vmem>>[vector<16xi32>], vector<16xf32>,
          %add3A_444 = arith.constant 64 : i32
          %add3A_445 = vector.broadcast %add3A_444 : i32 to vector<16xi32>
          %add3A_446 = arith.addi %add3A_11, %add3A_445 : vector<16xi32>
          tpu.vector_store_idx %arg10[%add3A_446], %scan3A_291 : memref<128xf32, #tpu.memory_space<vmem>>[vector<16xi32>], vector<16xf32>,
          %add3A_447 = arith.constant 96 : i32
          %add3A_448 = vector.broadcast %add3A_447 : i32 to vector<16xi32>
          %add3A_449 = arith.addi %mul3A_8, %add3A_448 : vector<16xi32>
          tpu.vector_store_idx %arg10[%add3A_449], %scan3A_292 : memref<128xf32, #tpu.memory_space<vmem>>[vector<16xi32>], vector<16xf32>,
          %add3A_450 = arith.constant 96 : i32
          %add3A_451 = vector.broadcast %add3A_450 : i32 to vector<16xi32>
          %add3A_452 = arith.addi %add3A_11, %add3A_451 : vector<16xi32>
          tpu.vector_store_idx %arg10[%add3A_452], %scan3A_293 : memref<128xf32, #tpu.memory_space<vmem>>[vector<16xi32>], vector<16xf32>,
          %get3A_453 = arith.constant 0 : index
          %get3A_454 = tpu.vector_load %arg10[%get3A_453] {strides = array<i32>} : memref<128xf32, #tpu.memory_space<vmem>>, vector<16xf32>,
          %swap3A_455 = arith.index_cast %scan3A_294 : i32 to index
          %swap3A_456 = arith.constant 0 : index
          %swap3A_457 = tpu.vector_load %arg11[%swap3A_455, %swap3A_456] {strides = array<i32>} : memref<128x100xf32, #tpu.memory_space<vmem>>, vector<16xf32>,
          tpu.vector_store %arg11[%swap3A_455, %swap3A_456], %get3A_454 {strides = array<i32>} : memref<128x100xf32, #tpu.memory_space<vmem>>, vector<16xf32>,
          %get3A_458 = arith.constant 16 : index
          %get3A_459 = tpu.vector_load %arg10[%get3A_458] {strides = array<i32>} : memref<128xf32, #tpu.memory_space<vmem>>, vector<16xf32>,
          %swap3A_460 = arith.index_cast %scan3A_294 : i32 to index
          %swap3A_461 = arith.constant 16 : index
          %swap3A_462 = tpu.vector_load %arg11[%swap3A_460, %swap3A_461] {strides = array<i32>} : memref<128x100xf32, #tpu.memory_space<vmem>>, vector<16xf32>,
          tpu.vector_store %arg11[%swap3A_460, %swap3A_461], %get3A_459 {strides = array<i32>} : memref<128x100xf32, #tpu.memory_space<vmem>>, vector<16xf32>,
          %get3A_463 = arith.constant 32 : index
          %get3A_464 = tpu.vector_load %arg10[%get3A_463] {strides = array<i32>} : memref<128xf32, #tpu.memory_space<vmem>>, vector<16xf32>,
          %swap3A_465 = arith.index_cast %scan3A_294 : i32 to index
          %swap3A_466 = arith.constant 32 : index
          %swap3A_467 = tpu.vector_load %arg11[%swap3A_465, %swap3A_466] {strides = array<i32>} : memref<128x100xf32, #tpu.memory_space<vmem>>, vector<16xf32>,
          tpu.vector_store %arg11[%swap3A_465, %swap3A_466], %get3A_464 {strides = array<i32>} : memref<128x100xf32, #tpu.memory_space<vmem>>, vector<16xf32>,
          %get3A_468 = arith.constant 48 : index
          %get3A_469 = tpu.vector_load %arg10[%get3A_468] {strides = array<i32>} : memref<128xf32, #tpu.memory_space<vmem>>, vector<16xf32>,
          %swap3A_470 = arith.index_cast %scan3A_294 : i32 to index
          %swap3A_471 = arith.constant 48 : index
          %swap3A_472 = tpu.vector_load %arg11[%swap3A_470, %swap3A_471] {strides = array<i32>} : memref<128x100xf32, #tpu.memory_space<vmem>>, vector<16xf32>,
          tpu.vector_store %arg11[%swap3A_470, %swap3A_471], %get3A_469 {strides = array<i32>} : memref<128x100xf32, #tpu.memory_space<vmem>>, vector<16xf32>,
          %get3A_473 = arith.constant 64 : index
          %get3A_474 = tpu.vector_load %arg10[%get3A_473] {strides = array<i32>} : memref<128xf32, #tpu.memory_space<vmem>>, vector<16xf32>,
          %swap3A_475 = arith.index_cast %scan3A_294 : i32 to index
          %swap3A_476 = arith.constant 64 : index
          %swap3A_477 = tpu.vector_load %arg11[%swap3A_475, %swap3A_476] {strides = array<i32>} : memref<128x100xf32, #tpu.memory_space<vmem>>, vector<16xf32>,
          tpu.vector_store %arg11[%swap3A_475, %swap3A_476], %get3A_474 {strides = array<i32>} : memref<128x100xf32, #tpu.memory_space<vmem>>, vector<16xf32>,
          %get3A_478 = arith.constant 80 : index
          %get3A_479 = tpu.vector_load %arg10[%get3A_478] {strides = array<i32>} : memref<128xf32, #tpu.memory_space<vmem>>, vector<16xf32>,
          %swap3A_480 = arith.index_cast %scan3A_294 : i32 to index
          %swap3A_481 = arith.constant 80 : index
          %swap3A_482 = tpu.vector_load %arg11[%swap3A_480, %swap3A_481] {strides = array<i32>} : memref<128x100xf32, #tpu.memory_space<vmem>>, vector<16xf32>,
          tpu.vector_store %arg11[%swap3A_480, %swap3A_481], %get3A_479 {strides = array<i32>} : memref<128x100xf32, #tpu.memory_space<vmem>>, vector<16xf32>,
          %get3A_483 = arith.constant 84 : index
          %get3A_484 = tpu.vector_load %arg10[%get3A_483] {strides = array<i32>} : memref<128xf32, #tpu.memory_space<vmem>>, vector<16xf32>,
          %swap3A_485 = arith.index_cast %scan3A_294 : i32 to index
          %swap3A_486 = arith.constant 84 : index
          %swap3A_487 = tpu.vector_load %arg11[%swap3A_485, %swap3A_486] {strides = array<i32>} : memref<128x100xf32, #tpu.memory_space<vmem>>, vector<16xf32>,
          tpu.vector_store %arg11[%swap3A_485, %swap3A_486], %get3A_484 {strides = array<i32>} : memref<128x100xf32, #tpu.memory_space<vmem>>, vector<16xf32>,
        } else {
        }
        %jit3A = arith.constant 0.000000e+00 : f32
        %broadcast_in_dim3A_303 = vector.broadcast %jit3A : f32 to vector<16xf32>
        %select_n3A = arith.select %eq3A, %broadcast_in_dim3A_303, %scan3A_286 : vector<16xf32>
        %jit3A_304 = arith.constant 0.000000e+00 : f32
        %broadcast_in_dim3A_305 = vector.broadcast %jit3A_304 : f32 to vector<16xf32>
        %select_n3A_306 = arith.select %eq3A, %broadcast_in_dim3A_305, %scan3A_287 : vector<16xf32>
        %jit3A_307 = arith.constant 0.000000e+00 : f32
        %broadcast_in_dim3A_308 = vector.broadcast %jit3A_307 : f32 to vector<16xf32>
        %select_n3A_309 = arith.select %eq3A, %broadcast_in_dim3A_308, %scan3A_288 : vector<16xf32>
        %jit3A_310 = arith.constant 0.000000e+00 : f32
        %broadcast_in_dim3A_311 = vector.broadcast %jit3A_310 : f32 to vector<16xf32>
        %select_n3A_312 = arith.select %eq3A, %broadcast_in_dim3A_311, %scan3A_289 : vector<16xf32>
        %jit3A_313 = arith.constant 0.000000e+00 : f32
        %broadcast_in_dim3A_314 = vector.broadcast %jit3A_313 : f32 to vector<16xf32>
        %select_n3A_315 = arith.select %eq3A, %broadcast_in_dim3A_314, %scan3A_290 : vector<16xf32>
        %jit3A_316 = arith.constant 0.000000e+00 : f32
        %broadcast_in_dim3A_317 = vector.broadcast %jit3A_316 : f32 to vector<16xf32>
        %select_n3A_318 = arith.select %eq3A, %broadcast_in_dim3A_317, %scan3A_291 : vector<16xf32>
        %jit3A_319 = arith.constant 0.000000e+00 : f32
        %broadcast_in_dim3A_320 = vector.broadcast %jit3A_319 : f32 to vector<16xf32>
        %select_n3A_321 = arith.select %eq3A, %broadcast_in_dim3A_320, %scan3A_292 : vector<16xf32>
        %jit3A_322 = arith.constant 0.000000e+00 : f32
        %broadcast_in_dim3A_323 = vector.broadcast %jit3A_322 : f32 to vector<16xf32>
        %select_n3A_324 = arith.select %eq3A, %broadcast_in_dim3A_323, %scan3A_293 : vector<16xf32>
        %convert_element_type3A_325 = arith.extui %eq3A : i1 to i32
        %add3A_326 = arith.addi %scan3A_294, %convert_element_type3A_325 : i32
        %mul3A_327 = arith.constant 2 : i32
        %mul3A_328 = arith.muli %add3A_298, %mul3A_327 : i32
        %add3A_329 = arith.constant 0 : i32
        %add3A_330 = arith.addi %mul3A_328, %add3A_329 : i32
        %get3A_331 = arith.index_cast %add3A_330 : i32 to index
        %get3A_332 = arith.constant 0 : index
        %get3A_333 = tpu.vector_load %arg9[%get3A_331, %get3A_332] {strides = array<i32>} : memref<128x128xbf16, #tpu.memory_space<vmem>>, vector<32xbf16>,
        %bitcast3A = vector.bitcast %get3A_333 : vector<32xbf16> to vector<16xi32>
        %shift_left3A = arith.constant 16 : i32
        %shift_left3A_334 = vector.broadcast %shift_left3A : i32 to vector<16xi32>
        %shift_left3A_335 = arith.shli %bitcast3A, %shift_left3A_334 : vector<16xi32>
        %bitcast3A_336 = vector.bitcast %shift_left3A_335 : vector<16xi32> to vector<16xf32>
        %and3A_337 = arith.andi %bitcast3A, %broadcast_in_dim3A_5 : vector<16xi32>
        %bitcast3A_338 = vector.bitcast %and3A_337 : vector<16xi32> to vector<16xf32>
        %add3A_339 = arith.addf %select_n3A, %bitcast3A_336 : vector<16xf32>
        %add3A_340 = arith.addf %select_n3A_306, %bitcast3A_338 : vector<16xf32>
        %get3A_341 = arith.index_cast %add3A_330 : i32 to index
        %get3A_342 = arith.constant 32 : index
        %get3A_343 = tpu.vector_load %arg9[%get3A_341, %get3A_342] {strides = array<i32>} : memref<128x128xbf16, #tpu.memory_space<vmem>>, vector<32xbf16>,
        %bitcast3A_344 = vector.bitcast %get3A_343 : vector<32xbf16> to vector<16xi32>
        %shift_left3A_345 = arith.constant 16 : i32
        %shift_left3A_346 = vector.broadcast %shift_left3A_345 : i32 to vector<16xi32>
        %shift_left3A_347 = arith.shli %bitcast3A_344, %shift_left3A_346 : vector<16xi32>
        %bitcast3A_348 = vector.bitcast %shift_left3A_347 : vector<16xi32> to vector<16xf32>
        %and3A_349 = arith.andi %bitcast3A_344, %broadcast_in_dim3A_5 : vector<16xi32>
        %bitcast3A_350 = vector.bitcast %and3A_349 : vector<16xi32> to vector<16xf32>
        %add3A_351 = arith.addf %select_n3A_309, %bitcast3A_348 : vector<16xf32>
        %add3A_352 = arith.addf %select_n3A_312, %bitcast3A_350 : vector<16xf32>
        %get3A_353 = arith.index_cast %add3A_330 : i32 to index
        %get3A_354 = arith.constant 64 : index
        %get3A_355 = tpu.vector_load %arg9[%get3A_353, %get3A_354] {strides = array<i32>} : memref<128x128xbf16, #tpu.memory_space<vmem>>, vector<32xbf16>,
        %bitcast3A_356 = vector.bitcast %get3A_355 : vector<32xbf16> to vector<16xi32>
        %shift_left3A_357 = arith.constant 16 : i32
        %shift_left3A_358 = vector.broadcast %shift_left3A_357 : i32 to vector<16xi32>
        %shift_left3A_359 = arith.shli %bitcast3A_356, %shift_left3A_358 : vector<16xi32>
        %bitcast3A_360 = vector.bitcast %shift_left3A_359 : vector<16xi32> to vector<16xf32>
        %and3A_361 = arith.andi %bitcast3A_356, %broadcast_in_dim3A_5 : vector<16xi32>
        %bitcast3A_362 = vector.bitcast %and3A_361 : vector<16xi32> to vector<16xf32>
        %add3A_363 = arith.addf %select_n3A_315, %bitcast3A_360 : vector<16xf32>
        %add3A_364 = arith.addf %select_n3A_318, %bitcast3A_362 : vector<16xf32>
        %get3A_365 = arith.index_cast %add3A_330 : i32 to index
        %get3A_366 = arith.constant 96 : index
        %get3A_367 = tpu.vector_load %arg9[%get3A_365, %get3A_366] {strides = array<i32>} : memref<128x128xbf16, #tpu.memory_space<vmem>>, vector<32xbf16>,
        %bitcast3A_368 = vector.bitcast %get3A_367 : vector<32xbf16> to vector<16xi32>
        %shift_left3A_369 = arith.constant 16 : i32
        %shift_left3A_370 = vector.broadcast %shift_left3A_369 : i32 to vector<16xi32>
        %shift_left3A_371 = arith.shli %bitcast3A_368, %shift_left3A_370 : vector<16xi32>
        %bitcast3A_372 = vector.bitcast %shift_left3A_371 : vector<16xi32> to vector<16xf32>
        %and3A_373 = arith.andi %bitcast3A_368, %broadcast_in_dim3A_5 : vector<16xi32>
        %bitcast3A_374 = vector.bitcast %and3A_373 : vector<16xi32> to vector<16xf32>
        %add3A_375 = arith.addf %select_n3A_321, %bitcast3A_372 : vector<16xf32>
        %add3A_376 = arith.addf %select_n3A_324, %bitcast3A_374 : vector<16xf32>
        %mul3A_377 = arith.constant 2 : i32
        %mul3A_378 = arith.muli %add3A_298, %mul3A_377 : i32
        %add3A_379 = arith.constant 1 : i32
        %add3A_380 = arith.addi %mul3A_378, %add3A_379 : i32
        %get3A_381 = arith.index_cast %add3A_380 : i32 to index
        %get3A_382 = arith.constant 0 : index
        %get3A_383 = tpu.vector_load %arg9[%get3A_381, %get3A_382] {strides = array<i32>} : memref<128x128xbf16, #tpu.memory_space<vmem>>, vector<32xbf16>,
        %bitcast3A_384 = vector.bitcast %get3A_383 : vector<32xbf16> to vector<16xi32>
        %shift_left3A_385 = arith.constant 16 : i32
        %shift_left3A_386 = vector.broadcast %shift_left3A_385 : i32 to vector<16xi32>
        %shift_left3A_387 = arith.shli %bitcast3A_384, %shift_left3A_386 : vector<16xi32>
        %bitcast3A_388 = vector.bitcast %shift_left3A_387 : vector<16xi32> to vector<16xf32>
        %and3A_389 = arith.andi %bitcast3A_384, %broadcast_in_dim3A_5 : vector<16xi32>
        %bitcast3A_390 = vector.bitcast %and3A_389 : vector<16xi32> to vector<16xf32>
        %add3A_391 = arith.addf %add3A_339, %bitcast3A_388 : vector<16xf32>
        %add3A_392 = arith.addf %add3A_340, %bitcast3A_390 : vector<16xf32>
        %get3A_393 = arith.index_cast %add3A_380 : i32 to index
        %get3A_394 = arith.constant 32 : index
        %get3A_395 = tpu.vector_load %arg9[%get3A_393, %get3A_394] {strides = array<i32>} : memref<128x128xbf16, #tpu.memory_space<vmem>>, vector<32xbf16>,
        %bitcast3A_396 = vector.bitcast %get3A_395 : vector<32xbf16> to vector<16xi32>
        %shift_left3A_397 = arith.constant 16 : i32
        %shift_left3A_398 = vector.broadcast %shift_left3A_397 : i32 to vector<16xi32>
        %shift_left3A_399 = arith.shli %bitcast3A_396, %shift_left3A_398 : vector<16xi32>
        %bitcast3A_400 = vector.bitcast %shift_left3A_399 : vector<16xi32> to vector<16xf32>
        %and3A_401 = arith.andi %bitcast3A_396, %broadcast_in_dim3A_5 : vector<16xi32>
        %bitcast3A_402 = vector.bitcast %and3A_401 : vector<16xi32> to vector<16xf32>
        %add3A_403 = arith.addf %add3A_351, %bitcast3A_400 : vector<16xf32>
        %add3A_404 = arith.addf %add3A_352, %bitcast3A_402 : vector<16xf32>
        %get3A_405 = arith.index_cast %add3A_380 : i32 to index
        %get3A_406 = arith.constant 64 : index
        %get3A_407 = tpu.vector_load %arg9[%get3A_405, %get3A_406] {strides = array<i32>} : memref<128x128xbf16, #tpu.memory_space<vmem>>, vector<32xbf16>,
        %bitcast3A_408 = vector.bitcast %get3A_407 : vector<32xbf16> to vector<16xi32>
        %shift_left3A_409 = arith.constant 16 : i32
        %shift_left3A_410 = vector.broadcast %shift_left3A_409 : i32 to vector<16xi32>
        %shift_left3A_411 = arith.shli %bitcast3A_408, %shift_left3A_410 : vector<16xi32>
        %bitcast3A_412 = vector.bitcast %shift_left3A_411 : vector<16xi32> to vector<16xf32>
        %and3A_413 = arith.andi %bitcast3A_408, %broadcast_in_dim3A_5 : vector<16xi32>
        %bitcast3A_414 = vector.bitcast %and3A_413 : vector<16xi32> to vector<16xf32>
        %add3A_415 = arith.addf %add3A_363, %bitcast3A_412 : vector<16xf32>
        %add3A_416 = arith.addf %add3A_364, %bitcast3A_414 : vector<16xf32>
        %get3A_417 = arith.index_cast %add3A_380 : i32 to index
        %get3A_418 = arith.constant 96 : index
        %get3A_419 = tpu.vector_load %arg9[%get3A_417, %get3A_418] {strides = array<i32>} : memref<128x128xbf16, #tpu.memory_space<vmem>>, vector<32xbf16>,
        %bitcast3A_420 = vector.bitcast %get3A_419 : vector<32xbf16> to vector<16xi32>
        %shift_left3A_421 = arith.constant 16 : i32
        %shift_left3A_422 = vector.broadcast %shift_left3A_421 : i32 to vector<16xi32>
        %shift_left3A_423 = arith.shli %bitcast3A_420, %shift_left3A_422 : vector<16xi32>
        %bitcast3A_424 = vector.bitcast %shift_left3A_423 : vector<16xi32> to vector<16xf32>
        %and3A_425 = arith.andi %bitcast3A_420, %broadcast_in_dim3A_5 : vector<16xi32>
        %bitcast3A_426 = vector.bitcast %and3A_425 : vector<16xi32> to vector<16xf32>
        %add3A_427 = arith.addf %add3A_375, %bitcast3A_424 : vector<16xf32>
        %add3A_428 = arith.addf %add3A_376, %bitcast3A_426 : vector<16xf32>
        scf.yield %add3A_391, %add3A_392, %add3A_403, %add3A_404, %add3A_415, %add3A_416, %add3A_427, %add3A_428, %add3A_326 : vector<16xf32>, vector<16xf32>, vector<16xf32>, vector<16xf32>, vector<16xf32>, vector<16xf32>, vector<16xf32>, vector<16xf32>, i32
      }
      %scan3A_274 = arith.constant 64 : i32
      %add3A_275 = arith.constant 4 : i32
      %add3A_276 = arith.addi %add3A_254, %add3A_275 : i32
      %min3A_277 = arith.constant 199 : i32
      %min3A_278 = arith.minsi %add3A_276, %min3A_277 : i32
      %dma_start3A_279 = arith.constant 0 : i32
      %dma_start3A_280 = tpu.memref_slice %arg5[%min3A_278, %dma_start3A_279] : memref<200x128xi32, #tpu.memory_space<vmem>> -> memref<1x128xi32, #tpu.memory_space<vmem>>
      %dma_start3A_281 = tpu.memref_squeeze %dma_start3A_280 : memref<1x128xi32, #tpu.memory_space<vmem>> -> memref<128xi32, #tpu.memory_space<vmem>>
      %dma_start3A_282 = arith.constant 0 : i32
      %dma_start3A_283 = arith.constant 0 : i32
      %dma_start3A_284 = tpu.memref_slice %arg3[%dma_start3A_282, %dma_start3A_283] : memref<400000x128xbf16, #tpu.memory_space<hbm>> -> memref<400000x128xbf16, #tpu.memory_space<hbm>>
      tpu.enqueue_indirect_dma source(%dma_start3A_284 : memref<400000x128xbf16, #tpu.memory_space<hbm>>) target(%arg9 : memref<128x128xbf16, #tpu.memory_space<vmem>>) offsets(%dma_start3A_281 : memref<128xi32, #tpu.memory_space<vmem>>) semaphore(%arg15 : memref<!tpu.dma_semaphore, #tpu.memory_space<semaphore_mem>>)
      scf.yield %scan3A_273#0, %scan3A_273#1, %scan3A_273#2, %scan3A_273#3, %scan3A_273#4, %scan3A_273#5, %scan3A_273#6, %scan3A_273#7, %scan3A_273#8 : vector<16xf32>, vector<16xf32>, vector<16xf32>, vector<16xf32>, vector<16xf32>, vector<16xf32>, vector<16xf32>, vector<16xf32>, i32
    }
    %scan3A_44 = arith.constant 50 : i32
    %add3A_45 = arith.constant 0 : i32
    %add3A_46 = vector.broadcast %add3A_45 : i32 to vector<16xi32>
    %add3A_47 = arith.addi %mul3A_8, %add3A_46 : vector<16xi32>
    tpu.vector_store_idx %arg10[%add3A_47], %scan3A_43#0 : memref<128xf32, #tpu.memory_space<vmem>>[vector<16xi32>], vector<16xf32>,
    %add3A_48 = arith.constant 0 : i32
    %add3A_49 = vector.broadcast %add3A_48 : i32 to vector<16xi32>
    %add3A_50 = arith.addi %add3A_11, %add3A_49 : vector<16xi32>
    tpu.vector_store_idx %arg10[%add3A_50], %scan3A_43#1 : memref<128xf32, #tpu.memory_space<vmem>>[vector<16xi32>], vector<16xf32>,
    %add3A_51 = arith.constant 32 : i32
    %add3A_52 = vector.broadcast %add3A_51 : i32 to vector<16xi32>
    %add3A_53 = arith.addi %mul3A_8, %add3A_52 : vector<16xi32>
    tpu.vector_store_idx %arg10[%add3A_53], %scan3A_43#2 : memref<128xf32, #tpu.memory_space<vmem>>[vector<16xi32>], vector<16xf32>,
    %add3A_54 = arith.constant 32 : i32
    %add3A_55 = vector.broadcast %add3A_54 : i32 to vector<16xi32>
    %add3A_56 = arith.addi %add3A_11, %add3A_55 : vector<16xi32>
    tpu.vector_store_idx %arg10[%add3A_56], %scan3A_43#3 : memref<128xf32, #tpu.memory_space<vmem>>[vector<16xi32>], vector<16xf32>,
    %add3A_57 = arith.constant 64 : i32
    %add3A_58 = vector.broadcast %add3A_57 : i32 to vector<16xi32>
    %add3A_59 = arith.addi %mul3A_8, %add3A_58 : vector<16xi32>
    tpu.vector_store_idx %arg10[%add3A_59], %scan3A_43#4 : memref<128xf32, #tpu.memory_space<vmem>>[vector<16xi32>], vector<16xf32>,
    %add3A_60 = arith.constant 64 : i32
    %add3A_61 = vector.broadcast %add3A_60 : i32 to vector<16xi32>
    %add3A_62 = arith.addi %add3A_11, %add3A_61 : vector<16xi32>
    tpu.vector_store_idx %arg10[%add3A_62], %scan3A_43#5 : memref<128xf32, #tpu.memory_space<vmem>>[vector<16xi32>], vector<16xf32>,
    %add3A_63 = arith.constant 96 : i32
    %add3A_64 = vector.broadcast %add3A_63 : i32 to vector<16xi32>
    %add3A_65 = arith.addi %mul3A_8, %add3A_64 : vector<16xi32>
    tpu.vector_store_idx %arg10[%add3A_65], %scan3A_43#6 : memref<128xf32, #tpu.memory_space<vmem>>[vector<16xi32>], vector<16xf32>,
    %add3A_66 = arith.constant 96 : i32
    %add3A_67 = vector.broadcast %add3A_66 : i32 to vector<16xi32>
    %add3A_68 = arith.addi %add3A_11, %add3A_67 : vector<16xi32>
    tpu.vector_store_idx %arg10[%add3A_68], %scan3A_43#7 : memref<128xf32, #tpu.memory_space<vmem>>[vector<16xi32>], vector<16xf32>,
    %get3A = arith.constant 0 : index
    %get3A_69 = tpu.vector_load %arg10[%get3A] {strides = array<i32>} : memref<128xf32, #tpu.memory_space<vmem>>, vector<16xf32>,
    %swap3A = arith.constant 127 : i32
    %swap3A_70 = arith.index_cast %swap3A : i32 to index
    %swap3A_71 = arith.constant 0 : index
    %swap3A_72 = tpu.vector_load %arg11[%swap3A_70, %swap3A_71] {strides = array<i32>} : memref<128x100xf32, #tpu.memory_space<vmem>>, vector<16xf32>,
    tpu.vector_store %arg11[%swap3A_70, %swap3A_71], %get3A_69 {strides = array<i32>} : memref<128x100xf32, #tpu.memory_space<vmem>>, vector<16xf32>,
    %get3A_73 = arith.constant 16 : index
    %get3A_74 = tpu.vector_load %arg10[%get3A_73] {strides = array<i32>} : memref<128xf32, #tpu.memory_space<vmem>>, vector<16xf32>,
    %swap3A_75 = arith.constant 127 : i32
    %swap3A_76 = arith.index_cast %swap3A_75 : i32 to index
    %swap3A_77 = arith.constant 16 : index
    %swap3A_78 = tpu.vector_load %arg11[%swap3A_76, %swap3A_77] {strides = array<i32>} : memref<128x100xf32, #tpu.memory_space<vmem>>, vector<16xf32>,
    tpu.vector_store %arg11[%swap3A_76, %swap3A_77], %get3A_74 {strides = array<i32>} : memref<128x100xf32, #tpu.memory_space<vmem>>, vector<16xf32>,
    %get3A_79 = arith.constant 32 : index
    %get3A_80 = tpu.vector_load %arg10[%get3A_79] {strides = array<i32>} : memref<128xf32, #tpu.memory_space<vmem>>, vector<16xf32>,
    %swap3A_81 = arith.constant 127 : i32
    %swap3A_82 = arith.index_cast %swap3A_81 : i32 to index
    %swap3A_83 = arith.constant 32 : index
    %swap3A_84 = tpu.vector_load %arg11[%swap3A_82, %swap3A_83] {strides = array<i32>} : memref<128x100xf32, #tpu.memory_space<vmem>>, vector<16xf32>,
    tpu.vector_store %arg11[%swap3A_82, %swap3A_83], %get3A_80 {strides = array<i32>} : memref<128x100xf32, #tpu.memory_space<vmem>>, vector<16xf32>,
    %get3A_85 = arith.constant 48 : index
    %get3A_86 = tpu.vector_load %arg10[%get3A_85] {strides = array<i32>} : memref<128xf32, #tpu.memory_space<vmem>>, vector<16xf32>,
    %swap3A_87 = arith.constant 127 : i32
    %swap3A_88 = arith.index_cast %swap3A_87 : i32 to index
    %swap3A_89 = arith.constant 48 : index
    %swap3A_90 = tpu.vector_load %arg11[%swap3A_88, %swap3A_89] {strides = array<i32>} : memref<128x100xf32, #tpu.memory_space<vmem>>, vector<16xf32>,
    tpu.vector_store %arg11[%swap3A_88, %swap3A_89], %get3A_86 {strides = array<i32>} : memref<128x100xf32, #tpu.memory_space<vmem>>, vector<16xf32>,
    %get3A_91 = arith.constant 64 : index
    %get3A_92 = tpu.vector_load %arg10[%get3A_91] {strides = array<i32>} : memref<128xf32, #tpu.memory_space<vmem>>, vector<16xf32>,
    %swap3A_93 = arith.constant 127 : i32
    %swap3A_94 = arith.index_cast %swap3A_93 : i32 to index
    %swap3A_95 = arith.constant 64 : index
    %swap3A_96 = tpu.vector_load %arg11[%swap3A_94, %swap3A_95] {strides = array<i32>} : memref<128x100xf32, #tpu.memory_space<vmem>>, vector<16xf32>,
    tpu.vector_store %arg11[%swap3A_94, %swap3A_95], %get3A_92 {strides = array<i32>} : memref<128x100xf32, #tpu.memory_space<vmem>>, vector<16xf32>,
    %get3A_97 = arith.constant 80 : index
    %get3A_98 = tpu.vector_load %arg10[%get3A_97] {strides = array<i32>} : memref<128xf32, #tpu.memory_space<vmem>>, vector<16xf32>,
    %swap3A_99 = arith.constant 127 : i32
    %swap3A_100 = arith.index_cast %swap3A_99 : i32 to index
    %swap3A_101 = arith.constant 80 : index
    %swap3A_102 = tpu.vector_load %arg11[%swap3A_100, %swap3A_101] {strides = array<i32>} : memref<128x100xf32, #tpu.memory_space<vmem>>, vector<16xf32>,
    tpu.vector_store %arg11[%swap3A_100, %swap3A_101], %get3A_98 {strides = array<i32>} : memref<128x100xf32, #tpu.memory_space<vmem>>, vector<16xf32>,
    %get3A_103 = arith.constant 84 : index
    %get3A_104 = tpu.vector_load %arg10[%get3A_103] {strides = array<i32>} : memref<128xf32, #tpu.memory_space<vmem>>, vector<16xf32>,
    %swap3A_105 = arith.constant 127 : i32
    %swap3A_106 = arith.index_cast %swap3A_105 : i32 to index
    %swap3A_107 = arith.constant 84 : index
    %swap3A_108 = tpu.vector_load %arg11[%swap3A_106, %swap3A_107] {strides = array<i32>} : memref<128x100xf32, #tpu.memory_space<vmem>>, vector<16xf32>,
    tpu.vector_store %arg11[%swap3A_106, %swap3A_107], %get3A_104 {strides = array<i32>} : memref<128x100xf32, #tpu.memory_space<vmem>>, vector<16xf32>,
    %dma_wait3A = arith.constant 196 : i32
    %dma_wait3A_109 = arith.constant 0 : i32
    %dma_wait3A_110 = tpu.memref_slice %arg5[%dma_wait3A, %dma_wait3A_109] : memref<200x128xi32, #tpu.memory_space<vmem>> -> memref<1x128xi32, #tpu.memory_space<vmem>>
    %dma_wait3A_111 = tpu.memref_squeeze %dma_wait3A_110 : memref<1x128xi32, #tpu.memory_space<vmem>> -> memref<128xi32, #tpu.memory_space<vmem>>
    %dma_wait3A_112 = arith.constant 0 : i32
    %dma_wait3A_113 = arith.constant 0 : i32
    %dma_wait3A_114 = tpu.memref_slice %arg3[%dma_wait3A_112, %dma_wait3A_113] : memref<400000x128xbf16, #tpu.memory_space<hbm>> -> memref<400000x128xbf16, #tpu.memory_space<hbm>>
    tpu.wait_indirect_dma semaphore(%arg12 : memref<!tpu.dma_semaphore, #tpu.memory_space<semaphore_mem>>) src(%dma_wait3A_114 : memref<400000x128xbf16, #tpu.memory_space<hbm>>) dst(%arg6 : memref<128x128xbf16, #tpu.memory_space<vmem>>)
    %dma_wait3A_115 = arith.constant 197 : i32
    %dma_wait3A_116 = arith.constant 0 : i32
    %dma_wait3A_117 = tpu.memref_slice %arg5[%dma_wait3A_115, %dma_wait3A_116] : memref<200x128xi32, #tpu.memory_space<vmem>> -> memref<1x128xi32, #tpu.memory_space<vmem>>
    %dma_wait3A_118 = tpu.memref_squeeze %dma_wait3A_117 : memref<1x128xi32, #tpu.memory_space<vmem>> -> memref<128xi32, #tpu.memory_space<vmem>>
    %dma_wait3A_119 = arith.constant 0 : i32
    %dma_wait3A_120 = arith.constant 0 : i32
    %dma_wait3A_121 = tpu.memref_slice %arg3[%dma_wait3A_119, %dma_wait3A_120] : memref<400000x128xbf16, #tpu.memory_space<hbm>> -> memref<400000x128xbf16, #tpu.memory_space<hbm>>
    tpu.wait_indirect_dma semaphore(%arg13 : memref<!tpu.dma_semaphore, #tpu.memory_space<semaphore_mem>>) src(%dma_wait3A_121 : memref<400000x128xbf16, #tpu.memory_space<hbm>>) dst(%arg7 : memref<128x128xbf16, #tpu.memory_space<vmem>>)
    %dma_wait3A_122 = arith.constant 198 : i32
    %dma_wait3A_123 = arith.constant 0 : i32
    %dma_wait3A_124 = tpu.memref_slice %arg5[%dma_wait3A_122, %dma_wait3A_123] : memref<200x128xi32, #tpu.memory_space<vmem>> -> memref<1x128xi32, #tpu.memory_space<vmem>>
    %dma_wait3A_125 = tpu.memref_squeeze %dma_wait3A_124 : memref<1x128xi32, #tpu.memory_space<vmem>> -> memref<128xi32, #tpu.memory_space<vmem>>
    %dma_wait3A_126 = arith.constant 0 : i32
    %dma_wait3A_127 = arith.constant 0 : i32
    %dma_wait3A_128 = tpu.memref_slice %arg3[%dma_wait3A_126, %dma_wait3A_127] : memref<400000x128xbf16, #tpu.memory_space<hbm>> -> memref<400000x128xbf16, #tpu.memory_space<hbm>>
    tpu.wait_indirect_dma semaphore(%arg14 : memref<!tpu.dma_semaphore, #tpu.memory_space<semaphore_mem>>) src(%dma_wait3A_128 : memref<400000x128xbf16, #tpu.memory_space<hbm>>) dst(%arg8 : memref<128x128xbf16, #tpu.memory_space<vmem>>)
    %dma_wait3A_129 = arith.constant 199 : i32
    %dma_wait3A_130 = arith.constant 0 : i32
    %dma_wait3A_131 = tpu.memref_slice %arg5[%dma_wait3A_129, %dma_wait3A_130] : memref<200x128xi32, #tpu.memory_space<vmem>> -> memref<1x128xi32, #tpu.memory_space<vmem>>
    %dma_wait3A_132 = tpu.memref_squeeze %dma_wait3A_131 : memref<1x128xi32, #tpu.memory_space<vmem>> -> memref<128xi32, #tpu.memory_space<vmem>>
    %dma_wait3A_133 = arith.constant 0 : i32
    %dma_wait3A_134 = arith.constant 0 : i32
    %dma_wait3A_135 = tpu.memref_slice %arg3[%dma_wait3A_133, %dma_wait3A_134] : memref<400000x128xbf16, #tpu.memory_space<hbm>> -> memref<400000x128xbf16, #tpu.memory_space<hbm>>
    tpu.wait_indirect_dma semaphore(%arg15 : memref<!tpu.dma_semaphore, #tpu.memory_space<semaphore_mem>>) src(%dma_wait3A_135 : memref<400000x128xbf16, #tpu.memory_space<hbm>>) dst(%arg9 : memref<128x128xbf16, #tpu.memory_space<vmem>>)
    %mul3A_136 = arith.constant 128 : i32
    %mul3A_137 = arith.muli %add3A, %mul3A_136 : i32
    "tpu.region"() ({
      %run_scoped3A = tpu.sem_alloc : memref<!tpu.dma_semaphore, #tpu.memory_space<semaphore_mem>>
      %dma_start3A_138 = arith.constant 0 : i32
      %dma_start3A_139 = tpu.memref_slice %arg4[%mul3A_137, %dma_start3A_138] : memref<4096x100xf32, #tpu.memory_space<hbm>> -> memref<128x100xf32, #tpu.memory_space<hbm>>
      %dma_start3A_140 = arith.constant 0 : i32
      %dma_start3A_141 = tpu.memref_slice %arg4[%mul3A_137, %dma_start3A_140] : memref<4096x100xf32, #tpu.memory_space<hbm>> -> memref<128x100xf32, #tpu.memory_space<hbm>>
      tpu.enqueue_dma source(%arg11 : memref<128x100xf32, #tpu.memory_space<vmem>>) target(%dma_start3A_141 : memref<128x100xf32, #tpu.memory_space<hbm>>) target_semaphore(%run_scoped3A : memref<!tpu.dma_semaphore, #tpu.memory_space<semaphore_mem>>)
      %dma_wait3A_142 = arith.constant 0 : i32
      %dma_wait3A_143 = tpu.memref_slice %arg4[%mul3A_137, %dma_wait3A_142] : memref<4096x100xf32, #tpu.memory_space<hbm>> -> memref<128x100xf32, #tpu.memory_space<hbm>>
      %dma_wait3A_144 = arith.constant 0 : i32
      %dma_wait3A_145 = tpu.memref_slice %arg4[%mul3A_137, %dma_wait3A_144] : memref<4096x100xf32, #tpu.memory_space<hbm>> -> memref<128x100xf32, #tpu.memory_space<hbm>>
      tpu.wait_dma2 semaphore(%run_scoped3A : memref<!tpu.dma_semaphore, #tpu.memory_space<semaphore_mem>>) src(%arg11 : memref<128x100xf32, #tpu.memory_space<vmem>>) dst(%dma_wait3A_145 : memref<128x100xf32, #tpu.memory_space<hbm>>)
      tpu.yield
    }) : () -> ()
    return
  }
}

module attributes {stable_mosaic.version = 14 : i64} {
  func.func @_mlp_body(%arg0: memref<4096x100xf32, #tpu.memory_space<vmem>>, %arg1: memref<100x128xf32, #tpu.memory_space<vmem>>, %arg2: memref<1x128xf32, #tpu.memory_space<vmem>>, %arg3: memref<128x4xf32, #tpu.memory_space<vmem>>, %arg4: memref<1x4xf32, #tpu.memory_space<vmem>>, %arg5: memref<4096x4xf32, #tpu.memory_space<vmem>>) attributes {dimension_semantics = [], scalar_prefetch = 0 : i64, scratch_operands = 0 : i64, tpu.core_type = #tpu.core_type<tc>} {
    %get3A = arith.constant 0 : index
    %get3A_0 = arith.constant 0 : index
    %get3A_1 = vector.load %arg0[%get3A, %get3A_0] : memref<4096x100xf32, #tpu.memory_space<vmem>>, vector<4096x100xf32>
    %get3A_2 = arith.constant 0 : index
    %get3A_3 = arith.constant 0 : index
    %get3A_4 = vector.load %arg1[%get3A_2, %get3A_3] : memref<100x128xf32, #tpu.memory_space<vmem>>, vector<100x128xf32>
    %dot_general3A = arith.constant dense<0.000000e+00> : vector<4096x128xf32>
    %dot_general3A_5 = tpu.matmul %get3A_1, %get3A_4, %dot_general3A {dimension_numbers = #tpu.dot_dimension_numbers<[1], [0], [0], [1], [0, 0, 1, 1], [], []>, transpose_lhs_hint = false} : vector<4096x100xf32>, vector<100x128xf32>, vector<4096x128xf32> -> vector<4096x128xf32>
    %mul3A = arith.constant 5.000000e-03 : f32
    %mul3A_6 = vector.broadcast %mul3A : f32 to vector<4096x128xf32>
    %mul3A_7 = arith.mulf %dot_general3A_5, %mul3A_6 : vector<4096x128xf32>
    %get3A_8 = arith.constant 0 : index
    %get3A_9 = arith.constant 0 : index
    %get3A_10 = vector.load %arg2[%get3A_8, %get3A_9] : memref<1x128xf32, #tpu.memory_space<vmem>>, vector<1x128xf32>
    %add3A = vector.broadcast %get3A_10 : vector<1x128xf32> to vector<4096x128xf32>
    %add3A_11 = arith.addf %mul3A_7, %add3A : vector<4096x128xf32>
    %max3A = arith.constant 0.000000e+00 : f32
    %max3A_12 = vector.broadcast %max3A : f32 to vector<4096x128xf32>
    %max3A_13 = arith.maximumf %add3A_11, %max3A_12 : vector<4096x128xf32>
    %get3A_14 = arith.constant 0 : index
    %get3A_15 = arith.constant 0 : index
    %get3A_16 = vector.load %arg3[%get3A_14, %get3A_15] : memref<128x4xf32, #tpu.memory_space<vmem>>, vector<128x4xf32>
    %dot_general3A_17 = arith.constant dense<0.000000e+00> : vector<4096x4xf32>
    %dot_general3A_18 = tpu.matmul %max3A_13, %get3A_16, %dot_general3A_17 {dimension_numbers = #tpu.dot_dimension_numbers<[1], [0], [0], [1], [0, 0, 1, 1], [], []>, transpose_lhs_hint = false} : vector<4096x128xf32>, vector<128x4xf32>, vector<4096x4xf32> -> vector<4096x4xf32>
    %get3A_19 = arith.constant 0 : index
    %get3A_20 = arith.constant 0 : index
    %get3A_21 = vector.load %arg4[%get3A_19, %get3A_20] : memref<1x4xf32, #tpu.memory_space<vmem>>, vector<1x4xf32>
    %add3A_22 = vector.broadcast %get3A_21 : vector<1x4xf32> to vector<4096x4xf32>
    %add3A_23 = arith.addf %dot_general3A_18, %add3A_22 : vector<4096x4xf32>
    %swap3A = arith.constant 0 : index
    %swap3A_24 = arith.constant 0 : index
    %swap3A_25 = vector.load %arg5[%swap3A, %swap3A_24] : memref<4096x4xf32, #tpu.memory_space<vmem>>, vector<4096x4xf32>
    tpu.vector_store %arg5[%swap3A, %swap3A_24], %add3A_23 {strides = array<i32>} : memref<4096x4xf32, #tpu.memory_space<vmem>>, vector<4096x4xf32>,
    return
  }
}

</mosaic_0001>

<sc_bundles>
// kernel: kernel.4.cloned.1.call-start
scs
__scs_entry_jumppad:
0x0: {  	(pc) =	sbr.rel $0x88, $3  }
0x1: {  	(tag) =	ssettag $0x0;
	lr =	simm.s32 $0x1  }
0x2: {  	[smem:$0x3F9B] =	sst lr;
	_ =	strace $0xD0000000  }
0x3: {  	_ = 	snop  }
0x4: {  	_ = 	snop  }
0x5: {  	_ = 	snop  }
0x6: {  	_ = 	snop  }
0x7: {  	_ = 	snop  }
__scs_overlays_trampoline_lowered:
0x8: {  	[smem:$0x3FAA] =	sst s0  }
0x9: {  	[smem:$0x3FAB] =	sst s1  }
0xa: {  	[smem:$0x3FAC] =	sst s2  }
0xb: {  	[smem:$0x3FAD] =	sst s3  }
0xc: {  	[smem:$0x3FAE] =	sst s4  }
0xd: {  	[smem:$0x3FAF] =	sst s5  }
0xe: {  	[smem:$0x3FB0] =	sst s6  }
0xf: {  	[smem:$0x3FB1] =	sst s7  }
0x10: {  	[smem:$0x3FB2] =	sst s8  }
0x11: {  	[smem:$0x3FB3] =	sst s9;
	s0 =	simm.s32 @!p0 $0x0  }
0x12: {  	s1 =	sld [smem:$0x3F99];
	s0 =	simm.s32 @p0 $0x1  }
0x13: {  	[smem:$0x3FB4] =	sst s0;
	s0 =	simm.s32 @!p1 $0x0  }
0x14: {  	s2 =	sld [smem:$0x3F98];
	s0 =	simm.s32 @p1 $0x1  }
0x15: {  	[smem:$0x3FB5] =	sst s0;
	s0 =	simm.s32 @!p2 $0x0  }
0x16: {  	s3 =	sld [smem:$0x3FDB];
	s0 =	simm.s32 @p2 $0x1  }
0x17: {  	s4 =	simm.s32 $0x1BF5;
	[smem:$0x3FB7] =	sst s0  }
0x18: {  	s0 =	sld [smem:$0x3F9A];
	_ =	swait.ge [sflag:s4], $0x0  }
0x19: {  	s7 =	sld [smem:$0x3F9B]  }
0x1a: {  	s8 =	sadd.s32 $0xFFFFE003, lr  }
0x1b: {  	s9 =	sadd.s32 $0xFFFFFEF7, lr;
	s5 =	simm.s32 $0xFFFFFFFF;
	p2 =	slt.u32 s8, $0xFFFFF086  }
0x1c: {  	p1 =	slt.u32 s9, $0xF7A;
	s5 =	simm.s32 @!p2 $0x0  }
0x1d: {  	s5 =	simm.s32 @p1 $0x1;
	p0 =	seq.s32 s7, s2  }
0x1e: {  	s7 =	smul.u32 @!p0 $0xF7A, s2;
	p2 =	seq.s32 @!p0 s5, $0x0  }
0x1f: {  	s9 =	smul.u32 $0xF7A, s1;
	s8 =	simm.s32 @!p0 $0x1BF5;
	p2 =	por !p2, p0  }
0x20: {  	[sflag:s8] =	ssyncset.s32 @!p0 $0xFFFFF086;
	s6 =	sadd.s32 @!p0 s3, s7;
	s7 =	simm.s32 @!p0 $0x108  }
0x21: {  	s3 =	sadd.s32 s3, s9;
	s6 =	sadd.s32 @!p0 $0x88, s6;
	s7 =	simm.s32 @p2 $0x1082  }
0x22: {  	[simem:s7], [sflag:s8] =	dma.local @!p0 [hbm:s6], $0xF7A  }
0x23: {  	s9 =	sor.u32 $0xD0000000, s2;
	s6 =	simm.s32 $0x108;
	_ =	swait.ge @!p0 [sflag:s8], $0x0  }
0x24: {  	s3 =	sadd.s32 $0x88, s3;
	s6 =	simm.s32 @!p1 $0x1082;
	[sflag:s4] =	ssyncset.s32 $0xFFFFF086  }
0x25: {  	[simem:s6], [sflag:s4] =	dma.local [hbm:s3], $0xF7A  }
0x26: {  	[smem:$0x3F9B] =	sst s1;
	(tag) =	ssettag s2;
	_ =	strace s9  }
0x27: {  	s1 =	sld [smem:$0x3FAB]  }
0x28: {  	s2 =	sld [smem:$0x3FAC]  }
0x29: {  	s4 =	sld [smem:$0x3FAE]  }
0x2a: {  	p0 =	seq.s32 s5, $0x0;
	s5 =	sld [smem:$0x3FAF]  }
0x2b: {  	s6 =	sld [smem:$0x3FB0]  }
0x2c: {  	s7 =	sld [smem:$0x3FB1]  }
0x2d: {  	s3 =	simm.s32 $0x108;
	s8 =	sld [smem:$0x3FB2]  }
0x2e: {  	s3 =	simm.s32 @!p0 $0x1082;
	s9 =	sld [smem:$0x3FB3]  }
0x2f: {  	lr =	sadd.s32 s0, s3;
	s0 =	sld [smem:$0x3FAA]  }
0x30: {  	s3 =	sld [smem:$0x3FAD]  }
0x31: {  	[smem:$0x3FB6] =	sst s10  }
0x32: {  	s10 =	sld [smem:$0x3FB4];
	_ =	sdelay $0x3  }
0x33: {  	p0 =	seq.s32 s10, $0x1;
	s10 =	sld [smem:$0x3FB6];
	_ =	sdelay $0x3  }
0x34: {  	[smem:$0x3FB6] =	sst s10  }
0x35: {  	s10 =	sld [smem:$0x3FB5];
	_ =	sdelay $0x3  }
0x36: {  	p1 =	seq.s32 s10, $0x1;
	s10 =	sld [smem:$0x3FB6];
	_ =	sdelay $0x3  }
0x37: {  	[smem:$0x3FB6] =	sst s10  }
0x38: {  	s10 =	sld [smem:$0x3FB7]  }
0x39: {  	_ = 	snop;
	(pc) =	sbr.ind lr, $3  }
0x3a: {  	_ = 	snop  }
0x3b: {  	_ = 	snop  }
0x3c: {  	p2 =	seq.s32 s10, $0x1;
	s10 =	sld [smem:$0x3FB6]  }
0x3d: {  	_ =	shalt  }
0x3e: {  	_ =	shalt  }
0x3f: {  	_ =	shalt  }
0x40: {  	_ =	shalt  }
0x41: {  	_ =	shalt  }
0x42: {  	_ =	shalt  }
0x43: {  	_ =	shalt  }
0x44: {  	_ =	shalt  }
0x45: {  	_ =	shalt  }
0x46: {  	_ =	shalt  }
0x47: {  	_ =	shalt  }
0x48: {  	_ =	shalt  }
0x49: {  	_ =	shalt  }
0x4a: {  	_ =	shalt  }
0x4b: {  	_ =	shalt  }
0x4c: {  	_ =	shalt  }
0x4d: {  	_ =	shalt  }
0x4e: {  	_ =	shalt  }
0x4f: {  	_ =	shalt  }
0x50: {  	_ =	shalt  }
0x51: {  	_ =	shalt  }
0x52: {  	_ =	shalt  }
0x53: {  	_ =	shalt  }
0x54: {  	_ =	shalt  }
0x55: {  	_ =	shalt  }
0x56: {  	_ =	shalt  }
0x57: {  	_ =	shalt  }
0x58: {  	_ =	shalt  }
0x59: {  	_ =	shalt  }
0x5a: {  	_ =	shalt  }
0x5b: {  	_ =	shalt  }
0x5c: {  	_ =	shalt  }
0x5d: {  	_ =	shalt  }
0x5e: {  	_ =	shalt  }
0x5f: {  	_ =	shalt  }
0x60: {  	_ =	shalt  }
0x61: {  	_ =	shalt  }
0x62: {  	_ =	shalt  }
0x63: {  	_ =	shalt  }
0x64: {  	_ =	shalt  }
0x65: {  	_ =	shalt  }
0x66: {  	_ =	shalt  }
0x67: {  	_ =	shalt  }
0x68: {  	_ =	shalt  }
0x69: {  	_ =	shalt  }
0x6a: {  	_ =	shalt  }
0x6b: {  	_ =	shalt  }
0x6c: {  	_ =	shalt  }
0x6d: {  	_ =	shalt  }
0x6e: {  	_ =	shalt  }
0x6f: {  	_ =	shalt  }
0x70: {  	_ =	shalt  }
0x71: {  	_ =	shalt  }
0x72: {  	_ =	shalt  }
0x73: {  	_ =	shalt  }
0x74: {  	_ =	shalt  }
0x75: {  	_ =	shalt  }
0x76: {  	_ =	shalt  }
0x77: {  	_ =	shalt  }
0x78: {  	_ =	shalt  }
0x79: {  	_ =	shalt  }
0x7a: {  	_ =	shalt  }
0x7b: {  	_ =	shalt  }
0x7c: {  	_ =	shalt  }
0x7d: {  	_ =	shalt  }
0x7e: {  	_ =	shalt  }
0x7f: {  	_ =	shalt  }
0x80: {  	_ =	shalt  }
0x81: {  	_ =	shalt  }
0x82: {  	_ =	shalt  }
0x83: {  	_ =	shalt  }
0x84: {  	_ =	shalt  }
0x85: {  	_ =	shalt  }
0x86: {  	_ =	shalt  }
0x87: {  	_ =	shalt  }
.Lfunc_end0:
.L_simem_size_0:
called_computation.2_lowered:
.L_overlay_start_0:
0x88: {  	s2 =	sld [smem:$0x3FD9]  }
0x89: {  	s3 =	sld [smem:$0x3FFE];
	_ =	sdelay $0x1  }
0x8a: {  	s1 =	srdreg.scid  }
0x8b: {  	s0 =	sand.u32 $0x1, s1  }
0x8c: {  	s16 =	sshll.u32 s0, $0xA;
	s2 =	sadd.s32 s3, s2  }
0x8d: {  	s2 =	sadd.s32 s2, s16  }
0x8e: {  	[smem:$0x3FC2] =	sst s2  }
0x8f: {  	_ = 	snop  }
0x90: {  	(tm) =	ssettm $0x1  }
0x91: {  	s17 =	sld [smem:$0x3FFB];
	_ =	sdelay $0x3  }
0x92: {  	_ =	strace s17  }
0x93: {  	s2 =	sld [smem:$0x3FFC];
	_ =	sdelay $0x3  }
0x94: {  	_ =	strace s2  }
0x95: {  	s2 =	sld [smem:$0x3FFD];
	_ =	sdelay $0x3  }
0x96: {  	_ =	strace s2  }
0x97: {  	_ =	strace $0x8FFFFFFF  }
0x98: {  	s18 =	sld [smem:$0x3FDB];
	_ =	sdelay $0x1  }
0x99: {  	s19 =	simm.s32 $_scs_section_size  }
0x9a: {  	s4 =	simm.s32 $_size__tile_overlayer_lowered;
	s5 =	simm.s32 $_tile_overlayer_lowered  }
0x9b: {  	s22 =	simm.s32 $0x1BFF;
	s21 =	sshll.u32 s5, $0x1;
	s2 =	sadd.s32 s19, s18  }
0x9c: {  	s6 =	simm.s32 $0x0;
	s20 =	sshll.u32 s4, $0x1;
	s4 =	sadd.s32 s21, s2  }
0x9d: {  	[timem:s6], [sflag:s22] =	dma.local [hbm:s4], s20  }
0x9e: {  	_ =	swait.ge [sflag:s22], s20  }
0x9f: {  	s3 =	ssub.s32 $0x0, s20;
	[sflag:s22] =	ssyncset.done $0x0  }
0xa0: {  	[sflag:s22] =	ssyncadd.s32 s3;
	_ =	sdelay $0x1  }
0xa1: {  	s23 =	simm.s32 $0x1B8B  }
0xa2: {  	_ =	swait.ge [sflag:s23], $0x1  }
0xa3: {  	[sflag:s23] =	ssyncset.done $0x0  }
0xa4: {  	s25 =	simm.s32 $0x1B8E;
	s24 =	sld [smem:$0x3FFE];
	[sflag:s23] =	ssyncadd.s32 $0xFFFFFFFF  }
0xa5: {  	s26 =	simm.s32 $execute0_lowered;
	[smem:$0x3FD2] =	sst s25  }
0xa6: {  	s4 =	sshll.u32 s26, $0x1;
	_ =	strace $0x8000004C;
	[dreg:$0x1] =	wrdreg $0xFFFFFFFF  }
0xa7: {  	s28 =	simm.s32 $_size_execute0_lowered;
	s2 =	sadd.s32 s2, s4;
	[dreg:$0x0] =	wrdreg $0x0  }
0xa8: {  	s4 =	sshll.u32 s28, $0x1;
	[dreg:$0x2] =	wrdreg s2  }
0xa9: {  	[dreg:$0x3] =	wrdreg s4  }
0xaa: {  	[dreg:$0x4] =	wrdreg $0xC0  }
0xab: {  	_ =	task [dreg:s6], $0x5FFFF  }
0xac: {  	[dreg:$0x1] =	wrdreg $0xFFFFFFFF  }
0xad: {  	[dreg:$0x0] =	wrdreg $0x60  }
0xae: {  	[dreg:$0x2] =	wrdreg s24  }
0xaf: {  	[dreg:$0x3] =	wrdreg $0x9  }
0xb0: {  	_ =	task.clear_ibuf [dreg:s6], $0x4FFFF;
	_ =	strace $0x9000004C  }
0xb1: {  	s29 =	simm.s32 $0x9;
	_ =	strace $0x8000004E  }
0xb2: {  	_ =	swait.ge [sflag:s29], $0x1  }
0xb3: {  	[sflag:s29] =	ssyncadd.s32 $0xFFFFFFFF  }
0xb4: {  	_ =	strace $0x9000004E  }
0xb5: {  	_ =	sfence  }
0xb6: {  	s30 =	sld [smem:$0x0];
	_ =	sdelay $0x2  }
0xb7: {  	s31 =	sshll.u32 s1, $0xD;
	s1 =	sshrl.u32 s1, $0x2  }
0xb8: {  	s3 =	sand.u32 $0x4000, s31;
	s1 =	sadd.s32 s1, s30  }
0xb9: {  	s0 =	sor.u32 s3, s0;
	s1 =	sshll.u32 s1, $0x11  }
0xba: {  	s0 =	sor.u32 s1, s0  }
0xbb: {  	s0 =	sadd.s32 $0x8F2B, s0  }
0xbc: {  	[sflag:s0] =	ssyncadd.remote.s32 $0x1  }
0xbd: {  	_ =	sfence.sel $0xFFFF  }
0xbe: {  	[dreg:$0x0] =	wrdreg $0xFFFFFFFF;
	(pc) =	sbr.abs _section_cstart, $3  }
0xbf: {  	[dreg:$0x1] =	wrdreg $0xFFFFFFFF  }
0xc0: {  	_ =	task.clear_ibuf [dreg:s6], $0x2FFFF;
	_ =	strace $0x9FFFFFFF  }
0xc1: {  	(tm) =	ssettm $0x7FFFFFFF  }
tec
execute0_lowered:
.L_overlay_start_1:
0x0: {  	(tag) =	ssettag $0x1  }
0x1: {  	s1 =	srdreg.scid;
	s0 =	stileid.u32  }
0x2: {  	s4 =	rddreg [dreg:$0x0];
	s8 =	simm.s32 $0x80;
	s9 =	simm.s32 $0x6400  }
0x3: {  	s10 =	simm.s32 $0x8400;
	s11 =	simm.s32 $0x100;
	s12 =	simm.s32 $0xA400  }
0x4: {  	s13 =	simm.s32 $0x180;
	s14 =	simm.s32 $0xC400;
	s15 =	simm.s32 $0x1  }
0x5: {  	s16 =	simm.s32 $0x2;
	s17 =	simm.s32 $0x3;
	s18 =	simm.s32 $0x4  }
0x6: {  	s19 =	simm.s32 $0xE400;
	s1 =	sand.u32 $0x1, s1;
	s2 =	sshll.u32 s0, $0x1  }
0x7: {  	s20 =	simm.s32 $0xE480;
	s21 =	simm.s32 $0x0;
	s3 =	sor.u32 s1, s2  }
0x8: {  	s2 =	simm.s32 $0x0;
	s1 =	ssub.s32 $0x2, s1;
	s5 =	smul.u32 $0xC80, s3  }
0x9: {  	[smem:$0x7FF] =	sst s2;
	s6 =	smul.u32 $0x680, s3;
	s7 =	sshrl.u32 s1, $0x1  }
0xa: {  	s3 =	sadd.s32 $0x1600, s4;
	_ =	strace $0x8000004D;
	s1 =	ssub.s32 s1, s7  }
0xb: {  	v0 =	vlaneseq.u32;
	s7 =	simm.s32 $0x5;
	s5 =	sadd.s32 s5, s4;
	s6 =	sadd.s32 s6, s4  }
0xc: {  	v0 =	vmul.u32 $0x2, v0;
	s4 =	sadd.s32 $0x61BE00, s5;
	s5 =	sadd.s32 $0x30EA00, s6;
	s6 =	smax.u32 s1, $0x1  }
.LBB2_1:
0xd: {  	[tilespmem:s2], [sflag:$0x5] =	stream.linear.gather [hbm4b:s4+s2], $0x6400, $0x38;
	[tilespmem:$0x11880] =	vst v63  }
0xe: {  	_ =	swait.ge [sflag:s7], $0x6400  }
0xf: {  	[sflag:s7] =	ssyncset.done $0x0  }
0x10: {  	[sflag:s7] =	ssyncadd.s32 $0xFFFF9C00  }
0x11: {  	[tilespmem:s9], [sflag:$0x1] =	stream.indirect.gather [hbm4b:s3+s8], $0x40, s2, s8, $0xb8;
	[tilespmem:$0x11880] =	vst v63  }
0x12: {  	_ = 	snop  }
0x13: {  	[tilespmem:s10], [sflag:$0x2] =	stream.indirect.gather [hbm4b:s3+s8], $0x40, s8, s8, $0xb8;
	[tilespmem:$0x11880] =	vst v63  }
0x14: {  	_ = 	snop  }
0x15: {  	v8 =	vimm.f32 $0.0e+00;
	v9 =	vimm.f32 $0.0e+00;
	[tilespmem:s12], [sflag:$0x3] =	stream.indirect.gather [hbm4b:s3+s8], $0x40, s11, s8, $0xb8;
	[tilespmem:$0x11880] =	vst v63  }
0x16: {  	v4 =	vimm.f32 $0.0e+00;
	v2 =	vimm.f32 $0.0e+00;
	v5 =	vimm.f32 $0.0e+00;
	s1 =	simm.s32 $0xFFFFFFFF;
	s22 =	simm.s32 $0x0  }
0x17: {  	v6 =	vimm.f32 $0.0e+00;
	v3 =	vimm.f32 $0.0e+00;
	v1 =	vimm.f32 $0.0e+00;
	[tilespmem:s14], [sflag:$0x4] =	stream.indirect.gather [hbm4b:s3+s8], $0x40, s13, s8, $0xb8;
	[tilespmem:$0x11880] =	vst v63  }
.LBB2_2:
0x18: {  	s23 =	sshll.u32 s22, $0x6  }
0x19: {  	s23 =	sand.u32 $0x1FC0, s23  }
0x1a: {  	s23 =	smul.u32 $0x147B, s23;
	_ =	sdelay $0x1  }
0x1b: {  	s23 =	sshrl.u32 s23, $0x11  }
0x1c: {  	s23 =	smul.u32 $0xC8, s23  }
0x1d: {  	s24 =	sshll.u32 s22, $0x9  }
0x1e: {  	s23 =	ssub.s32 s24, s23  }
0x1f: {  	s25 =	sand.u32 $0xFFF8, s23  }
0x20: {  	s23 =	ssub.s32 $0xC8, s23;
	p0 =	seq.s32 s25, $0x0  }
0x21: {  	s23 =	simm.s32 @p0 $0x0  }
0x22: {  	s23 =	sand.u32 $0xFFF8, s23  }
0x23: {  	s23 =	sshll.u32 s23, $0x8  }
0x24: {  	p0 =	sne.s32 s23, $0x0  }
0x25: {  	p1 =	slt.s32 @!p0 s1, $0x0  }
0x26: {  	p1 =	por p1, p0  }
0x27: {  	v7 =	vlaneseq.u32 @!p1  }
0x28: {  	v7 =	vmul.u32 @!p1 $0x2, v7;
	_ =	sdelay $0x1  }
0x29: {  	v10 =	vor.u32 @!p1 $0x1, v7  }
0x2a: {  	_ =	swait.ge [sflag:s15], $0x2000;
	v11 =	vor.u32 @!p1 $0x20, v7  }
0x2b: {  	[sflag:s15] =	ssyncset.done $0x0;
	v12 =	vor.u32 @!p1 $0x21, v7  }
0x2c: {  	[sflag:s15] =	ssyncadd.s32 $0xFFFFE000;
	s25 =	simm.s32 @!p1 $0xE400;
	v13 =	vor.u32 @!p1 $0x40, v7  }
0x2d: {  	v14 =	vor.u32 @!p1 $0x41, v7;
	[tilespmem:v7+s25+$0x0] =	vst.idx.msk @!p1 $0xffff, v1  }
0x2e: {  	v15 =	vor.u32 @!p1 $0x60, v7;
	[tilespmem:v10+s25+$0x0] =	vst.idx.msk @!p1 $0xffff, v3  }
0x2f: {  	v7 =	vor.u32 @!p1 $0x61, v7;
	[tilespmem:v11+s25+$0x0] =	vst.idx.msk @!p1 $0xffff, v6  }
0x30: {  	[tilespmem:v12+s25+$0x0] =	vst.idx.msk @!p1 $0xffff, v5  }
0x31: {  	[tilespmem:v13+s25+$0x0] =	vst.idx.msk @!p1 $0xffff, v2  }
0x32: {  	[tilespmem:v14+s25+$0x0] =	vst.idx.msk @!p1 $0xffff, v4  }
0x33: {  	[tilespmem:v15+s25+$0x0] =	vst.idx.msk @!p1 $0xffff, v9  }
0x34: {  	[tilespmem:v7+s25+$0x0] =	vst.idx.msk @!p1 $0xffff, v8  }
0x35: {  	v7 =	vld @!p1 [tilespmem:$0xE400];
	_ =	sdelay $0x1  }
0x36: {  	s25 =	smul.u32 @!p1 $0x1A0, s1;
	_ =	sdelay $0x1  }
0x37: {  	s25 =	sshra.s32 @!p1 s25, $0x2  }
0x38: {  	[tilespmem:s25+$0xE480] =	vst @!p1 v7  }
0x39: {  	v7 =	vld @!p1 [tilespmem:$0xE410];
	_ =	sdelay $0x4  }
0x3a: {  	[tilespmem:s25+$0xE490] =	vst @!p1 v7  }
0x3b: {  	v7 =	vld @!p1 [tilespmem:$0xE420];
	_ =	sdelay $0x4  }
0x3c: {  	[tilespmem:s25+$0xE4A0] =	vst @!p1 v7  }
0x3d: {  	v7 =	vld @!p1 [tilespmem:$0xE430];
	_ =	sdelay $0x4  }
0x3e: {  	[tilespmem:s25+$0xE4B0] =	vst @!p1 v7  }
0x3f: {  	v7 =	vld @!p1 [tilespmem:$0xE440];
	_ =	sdelay $0x4  }
0x40: {  	[tilespmem:s25+$0xE4C0] =	vst @!p1 v7  }
0x41: {  	v7 =	vld @!p1 [tilespmem:$0xE450];
	_ =	sdelay $0x4  }
0x42: {  	[tilespmem:s25+$0xE4D0] =	vst @!p1 v7  }
0x43: {  	v7 =	vld @!p1 [tilespmem:$0xE454]  }
0x44: {  	s26 =	simm.s32 $0x1;
	p2 =	seq.s32 s23, $0x0  }
0x45: {  	s26 =	simm.s32 @!p2 $0x0  }
0x46: {  	p0 =	sne.s32 s23, $0x200;
	s26 =	sadd.s32 s26, s1  }
0x47: {  	p3 =	slt.s32 @!p0 s26, $0x0  }
0x48: {  	s31 =	simm.s32 $0x0;
	p0 =	por p3, p0;
	[tilespmem:s25+$0xE4D4] =	vst @!p1 v7  }
0x49: {  	v10 =	vlaneseq.u32 @!p0;
	v7 =	vpsel p2, $0x0, v5;
	v5 =	vpsel p2, $0x0, v8;
	v11 =	vld [tilespmem:s31+$0x6420]  }
0x4a: {  	s28 =	simm.s32 $0x400;
	s29 =	smul.u32 @!p0 $0x1A0, s26;
	s25 =	simm.s32 $0x200;
	v8 =	vmul.u32 @!p0 $0x2, v10;
	v10 =	vpsel p2, $0x0, v6;
	v6 =	vpsel p2, $0x0, v9;
	v9 =	vld [tilespmem:s31+$0x6440]  }
.LBB2_3:
0x4b: {  	v3 =	vpsel p2, $0x0, v3;
	v2 =	vpsel p2, $0x0, v2;
	v4 =	vpsel p2, $0x0, v4;
	v12 =	vld [tilespmem:s31+$0x6400];
	s30 =	smov.u32 s28;
	s28 =	sadd.s32 $0x200, s28  }
0x4c: {  	p1 =	sne.s32 s28, $0x8000;
	v13 =	vor.u32 @!p0 $0x1, v8;
	v14 =	vor.u32 @!p0 $0x20, v8;
	v15 =	vor.u32 @!p0 $0x40, v8;
	v16 =	vld [tilespmem:s31+$0x6410]  }
0x4d: {  	v17 =	vor.u32 @!p0 $0x21, v8;
	v18 =	vor.u32 @!p0 $0x41, v8;
	v19 =	vor.u32 @!p0 $0x60, v8;
	v20 =	vld [tilespmem:s31+$0x6450]  }
0x4e: {  	v21 =	vor.u32 @!p0 $0x61, v8;
	v22 =	vshll.u32 v11, $0x10;
	v11 =	vand.u32 $0xFFFF0000, v11;
	v23 =	vld [tilespmem:s31+$0x6460]  }
0x4f: {  	v1 =	vpsel p2, $0x0, v1;
	v2 =	vadd.f32 v22, v2;
	v4 =	vadd.f32 v11, v4;
	v11 =	vld [tilespmem:s31+$0x6430]  }
0x50: {  	v24 =	vshll.u32 v9, $0x10;
	v22 =	vshll.u32 v12, $0x10;
	v12 =	vand.u32 $0xFFFF0000, v12;
	v25 =	vld [tilespmem:s31+$0x6470]  }
0x51: {  	v1 =	vadd.f32 v22, v1;
	v3 =	vadd.f32 v12, v3;
	v12 =	vand.u32 $0xFFFF0000, v16  }
0x52: {  	v9 =	vand.u32 $0xFFFF0000, v9;
	v16 =	vshll.u32 v16, $0x10;
	v22 =	vshll.u32 v20, $0x10  }
0x53: {  	v10 =	vadd.f32 v16, v10;
	v1 =	vadd.f32 v24, v1;
	v16 =	vshll.u32 v23, $0x10  }
0x54: {  	s1 =	simm.s32 @!p0 $0xE400;
	v7 =	vadd.f32 v12, v7;
	v3 =	vadd.f32 v9, v3;
	v9 =	vand.u32 $0xFFFF0000, v20  }
0x55: {  	v2 =	vadd.f32 v16, v2;
	[tilespmem:v8+s1+$0x0] =	vst.idx.msk @!p0 $0xffff, v1;
	v8 =	vshll.u32 v11, $0x10;
	v11 =	vand.u32 $0xFFFF0000, v11  }
0x56: {  	v10 =	vadd.f32 v22, v10;
	v7 =	vadd.f32 v9, v7;
	v9 =	vand.u32 $0xFFFF0000, v23;
	[tilespmem:v13+s1+$0x0] =	vst.idx.msk @!p0 $0xffff, v3  }
0x57: {  	v6 =	vadd.f32 v8, v6;
	v5 =	vadd.f32 v11, v5;
	v8 =	vshll.u32 v25, $0x10  }
0x58: {  	v4 =	vadd.f32 v9, v4;
	v9 =	vand.u32 $0xFFFF0000, v25;
	[tilespmem:v14+s1+$0x0] =	vst.idx.msk @!p0 $0xffff, v10  }
0x59: {  	v6 =	vadd.f32 v8, v6;
	v5 =	vadd.f32 v9, v5;
	[tilespmem:v17+s1+$0x0] =	vst.idx.msk @!p0 $0xffff, v7  }
0x5a: {  	[tilespmem:v15+s1+$0x0] =	vst.idx.msk @!p0 $0xffff, v2  }
0x5b: {  	[tilespmem:v18+s1+$0x0] =	vst.idx.msk @!p0 $0xffff, v4  }
0x5c: {  	[tilespmem:v19+s1+$0x0] =	vst.idx.msk @!p0 $0xffff, v6  }
0x5d: {  	[tilespmem:v21+s1+$0x0] =	vst.idx.msk @!p0 $0xffff, v5  }
0x5e: {  	v8 =	vld @!p0 [tilespmem:$0xE400];
	_ =	sdelay $0x3  }
0x5f: {  	s1 =	sshra.s32 @!p0 s29, $0x2  }
0x60: {  	[tilespmem:s1+$0xE480] =	vst @!p0 v8  }
0x61: {  	v8 =	vld @!p0 [tilespmem:$0xE410];
	_ =	sdelay $0x4  }
0x62: {  	[tilespmem:s1+$0xE490] =	vst @!p0 v8  }
0x63: {  	v8 =	vld @!p0 [tilespmem:$0xE420];
	_ =	sdelay $0x4  }
0x64: {  	[tilespmem:s1+$0xE4A0] =	vst @!p0 v8  }
0x65: {  	v8 =	vld @!p0 [tilespmem:$0xE430];
	_ =	sdelay $0x4  }
0x66: {  	[tilespmem:s1+$0xE4B0] =	vst @!p0 v8  }
0x67: {  	v8 =	vld @!p0 [tilespmem:$0xE440];
	_ =	sdelay $0x4  }
0x68: {  	[tilespmem:s1+$0xE4C0] =	vst @!p0 v8  }
0x69: {  	v8 =	vld @!p0 [tilespmem:$0xE450];
	_ =	sdelay $0x4  }
0x6a: {  	[tilespmem:s1+$0xE4D0] =	vst @!p0 v8  }
0x6b: {  	v8 =	vld @!p0 [tilespmem:$0xE454]  }
0x6c: {  	p2 =	seq.s32 s23, s25;
	s29 =	simm.s32 $0x1  }
0x6d: {  	s29 =	simm.s32 @!p2 $0x0  }
.Ltmp0:
0x6e: {  	p3 =	sne.s32 s23, s30;
	s26 =	sadd.s32 s29, s26;
	(pc) =	sbr.rel @p1 .LBB2_3-.Ltmp0, $4  }
0x6f: {  	p4 =	slt.s32 @!p3 s26, $0x0  }
0x70: {  	s31 =	sshra.s32 s25, $0x2;
	s25 =	smov.u32 s30;
	[tilespmem:s1+$0xE4D4] =	vst @!p0 v8;
	p0 =	por p4, p3  }
0x71: {  	v7 =	vpsel p2, $0x0, v7;
	v5 =	vpsel p2, $0x0, v5;
	v8 =	vlaneseq.u32 @!p0;
	s29 =	smul.u32 @!p0 $0x1A0, s26;
	v11 =	vld [tilespmem:s31+$0x6420]  }
0x72: {  	v10 =	vpsel p2, $0x0, v10;
	v6 =	vpsel p2, $0x0, v6;
	v8 =	vmul.u32 @!p0 $0x2, v8;
	v9 =	vld [tilespmem:s31+$0x6440]  }
0x73: {  	v3 =	vpsel p2, $0x0, v3;
	v12 =	vld [tilespmem:s31+$0x6400]  }
0x74: {  	v2 =	vpsel p2, $0x0, v2;
	v4 =	vpsel p2, $0x0, v4;
	v1 =	vpsel p2, $0x0, v1  }
0x75: {  	v16 =	vld [tilespmem:s31+$0x6410];
	v13 =	vor.u32 @!p0 $0x1, v8;
	v14 =	vor.u32 @!p0 $0x20, v8;
	v15 =	vor.u32 @!p0 $0x40, v8  }
0x76: {  	v17 =	vor.u32 @!p0 $0x21, v8;
	v18 =	vor.u32 @!p0 $0x41, v8;
	v19 =	vor.u32 @!p0 $0x60, v8  }
0x77: {  	v21 =	vld [tilespmem:s31+$0x6450];
	v20 =	vor.u32 @!p0 $0x61, v8;
	v22 =	vshll.u32 v11, $0x10;
	v11 =	vand.u32 $0xFFFF0000, v11  }
0x78: {  	v52 =	vld [tilespmem:s31+$0x6430];
	v2 =	vadd.f32 v22, v2;
	v4 =	vadd.f32 v11, v4;
	v11 =	vshll.u32 v12, $0x10  }
0x79: {  	v23 =	vld [tilespmem:s31+$0x6460];
	v24 =	vshll.u32 v9, $0x10;
	v12 =	vand.u32 $0xFFFF0000, v12;
	v1 =	vadd.f32 v11, v1  }
0x7a: {  	v9 =	vand.u32 $0xFFFF0000, v9;
	v53 =	vshll.u32 v16, $0x10;
	v3 =	vadd.f32 v12, v3  }
0x7b: {  	v54 =	vld [tilespmem:s31+$0x6470];
	v11 =	vand.u32 $0xFFFF0000, v16;
	v10 =	vadd.f32 v53, v10;
	v1 =	vadd.f32 v24, v1  }
0x7c: {  	s1 =	simm.s32 @!p0 $0xE400;
	v55 =	vshll.u32 v21, $0x10;
	v7 =	vadd.f32 v11, v7;
	v3 =	vadd.f32 v9, v3  }
0x7d: {  	v56 =	vand.u32 $0xFFFF0000, v52;
	v11 =	vand.u32 $0xFFFF0000, v21;
	[tilespmem:v8+s1+$0x0] =	vst.idx.msk @!p0 $0xffff, v1;
	v8 =	vadd.f32 v55, v10  }
0x7e: {  	v9 =	vshll.u32 v23, $0x10;
	v7 =	vadd.f32 v11, v7;
	v10 =	vshll.u32 v52, $0x10;
	[tilespmem:v13+s1+$0x0] =	vst.idx.msk @!p0 $0xffff, v3  }
0x7f: {  	v2 =	vadd.f32 v9, v2;
	v9 =	vand.u32 $0xFFFF0000, v23;
	v6 =	vadd.f32 v10, v6;
	[tilespmem:v14+s1+$0x0] =	vst.idx.msk @!p0 $0xffff, v8  }
0x80: {  	v5 =	vadd.f32 v56, v5;
	v4 =	vadd.f32 v9, v4;
	v10 =	vshll.u32 v54, $0x10;
	[tilespmem:v17+s1+$0x0] =	vst.idx.msk @!p0 $0xffff, v7  }
0x81: {  	v9 =	vand.u32 $0xFFFF0000, v54;
	v6 =	vadd.f32 v10, v6;
	[tilespmem:v15+s1+$0x0] =	vst.idx.msk @!p0 $0xffff, v2  }
0x82: {  	v5 =	vadd.f32 v9, v5;
	[tilespmem:v18+s1+$0x0] =	vst.idx.msk @!p0 $0xffff, v4  }
0x83: {  	[tilespmem:v19+s1+$0x0] =	vst.idx.msk @!p0 $0xffff, v6  }
0x84: {  	[tilespmem:v20+s1+$0x0] =	vst.idx.msk @!p0 $0xffff, v5  }
0x85: {  	v9 =	vld @!p0 [tilespmem:$0xE400];
	_ =	sdelay $0x3  }
0x86: {  	s1 =	sshra.s32 @!p0 s29, $0x2  }
0x87: {  	[tilespmem:s1+$0xE480] =	vst @!p0 v9  }
0x88: {  	v9 =	vld @!p0 [tilespmem:$0xE410];
	_ =	sdelay $0x4  }
0x89: {  	[tilespmem:s1+$0xE490] =	vst @!p0 v9  }
0x8a: {  	v9 =	vld @!p0 [tilespmem:$0xE420];
	_ =	sdelay $0x4  }
0x8b: {  	[tilespmem:s1+$0xE4A0] =	vst @!p0 v9  }
0x8c: {  	v9 =	vld @!p0 [tilespmem:$0xE430];
	_ =	sdelay $0x4  }
0x8d: {  	[tilespmem:s1+$0xE4B0] =	vst @!p0 v9  }
0x8e: {  	v9 =	vld @!p0 [tilespmem:$0xE440];
	_ =	sdelay $0x4  }
0x8f: {  	[tilespmem:s1+$0xE4C0] =	vst @!p0 v9  }
0x90: {  	v9 =	vld @!p0 [tilespmem:$0xE450];
	_ =	sdelay $0x4  }
0x91: {  	s28 =	sor.u32 $0x80, s24;
	[tilespmem:s1+$0xE4D0] =	vst @!p0 v9  }
0x92: {  	s29 =	smulhi.u32 $0x51EB851F, s28;
	v9 =	vld @!p0 [tilespmem:$0xE454];
	_ =	sdelay $0x1  }
0x93: {  	s29 =	sshrl.u32 s29, $0x6  }
0x94: {  	s29 =	smul.u32 $0xC8, s29;
	_ =	sdelay $0x1  }
0x95: {  	s28 =	ssub.s32 s28, s29;
	[tilespmem:s1+$0xE4D4] =	vst @!p0 v9;
	s1 =	sshra.s32 s25, $0x2  }
0x96: {  	p1 =	seq.s32 s28, $0x0;
	p0 =	seq.s32 s23, s25;
	s23 =	ssub.s32 $0xC8, s28;
	v9 =	vld [tilespmem:s1+$0x6420]  }
0x97: {  	s28 =	simm.s32 $0x1;
	s23 =	simm.s32 @p1 $0x0;
	v57 =	vld [tilespmem:s1+$0x6410]  }
0x98: {  	v10 =	vld [tilespmem:s1+$0x6400];
	v7 =	vpsel p0, $0x0, v7;
	s28 =	simm.s32 @!p0 $0x0;
	v5 =	vpsel p0, $0x0, v5;
	s25 =	sshll.u32 s23, $0x8  }
0x99: {  	v8 =	vpsel p0, $0x0, v8;
	v6 =	vpsel p0, $0x0, v6;
	v3 =	vpsel p0, $0x0, v3;
	v13 =	vld [tilespmem:s1+$0x6450];
	s26 =	sadd.s32 s28, s26;
	p1 =	sne.s32 s25, $0x0  }
0x9a: {  	v2 =	vpsel p0, $0x0, v2;
	v4 =	vpsel p0, $0x0, v4;
	v1 =	vpsel p0, $0x0, v1;
	v17 =	vld [tilespmem:s1+$0x6430];
	p0 =	slt.s32 @!p1 s26, $0x0  }
0x9b: {  	v11 =	vld [tilespmem:s1+$0x6440];
	p1 =	por p0, p1;
	v58 =	vshll.u32 v9, $0x10;
	v9 =	vand.u32 $0xFFFF0000, v9  }
0x9c: {  	s31 =	sshll.u32 s22, $0x2;
	v16 =	vlaneseq.u32 @!p1;
	v12 =	vshll.u32 v57, $0x10;
	v14 =	vadd.f32 v58, v2  }
0x9d: {  	s23 =	smin.u32 s31, $0xC0;
	v4 =	vadd.f32 v9, v4;
	v2 =	vshll.u32 v10, $0x10;
	v9 =	vand.u32 $0xFFFF0000, v10  }
0x9e: {  	s23 =	sshll.u32 s23, $0x7;
	v1 =	vadd.f32 v2, v1;
	v2 =	vadd.f32 v9, v3;
	v9 =	vmul.u32 @!p1 $0x2, v16  }
0x9f: {  	v15 =	vld [tilespmem:s1+$0x6460];
	s31 =	sadd.s32 $0x200, s23;
	v60 =	vshll.u32 v13, $0x10;
	v13 =	vand.u32 $0xFFFF0000, v13;
	v61 =	vshll.u32 v17, $0x10  }
0xa0: {  	v59 =	vld [tilespmem:s1+$0x6470];
	[tilespmem:s9], [sflag:$0x1] =	stream.indirect.gather [hbm4b:s3+s8], $0x40, s31, s8, $0xb8;
	v10 =	vshll.u32 v11, $0x10;
	v8 =	vadd.f32 v12, v8;
	v12 =	vor.u32 @!p1 $0x1, v9  }
0xa1: {  	_ =	swait.ge [sflag:s16], $0x2000;
	v11 =	vand.u32 $0xFFFF0000, v11;
	v3 =	vand.u32 $0xFFFF0000, v57;
	v19 =	vor.u32 @!p1 $0x20, v9  }
0xa2: {  	[sflag:s16] =	ssyncset.done $0x0;
	v1 =	vadd.f32 v10, v1;
	v2 =	vadd.f32 v11, v2;
	v11 =	vor.u32 @!p1 $0x21, v9  }
0xa3: {  	s1 =	simm.s32 @!p1 $0xE400;
	v17 =	vand.u32 $0xFFFF0000, v17;
	[sflag:s16] =	ssyncadd.s32 $0xFFFFE000;
	v7 =	vadd.f32 v3, v7;
	v21 =	vor.u32 @!p1 $0x40, v9  }
0xa4: {  	v18 =	vadd.f32 v60, v8;
	v10 =	vshll.u32 v15, $0x10;
	v8 =	vor.u32 @!p1 $0x41, v9;
	[tilespmem:v9+s1+$0x0] =	vst.idx.msk @!p1 $0xffff, v1  }
0xa5: {  	v3 =	vadd.f32 v10, v14;
	v7 =	vadd.f32 v13, v7;
	v10 =	vor.u32 @!p1 $0x60, v9;
	[tilespmem:v12+s1+$0x0] =	vst.idx.msk @!p1 $0xffff, v2  }
0xa6: {  	v62 =	vand.u32 $0xFFFF0000, v15;
	v6 =	vadd.f32 v61, v6;
	v9 =	vor.u32 @!p1 $0x61, v9;
	[tilespmem:v19+s1+$0x0] =	vst.idx.msk @!p1 $0xffff, v18  }
0xa7: {  	v63 =	vshll.u32 v59, $0x10;
	v5 =	vadd.f32 v17, v5;
	v4 =	vadd.f32 v62, v4;
	[tilespmem:v11+s1+$0x0] =	vst.idx.msk @!p1 $0xffff, v7  }
0xa8: {  	v6 =	vadd.f32 v63, v6;
	v11 =	vand.u32 $0xFFFF0000, v59;
	[tilespmem:v21+s1+$0x0] =	vst.idx.msk @!p1 $0xffff, v3  }
0xa9: {  	v5 =	vadd.f32 v11, v5;
	[tilespmem:v8+s1+$0x0] =	vst.idx.msk @!p1 $0xffff, v4  }
0xaa: {  	[tilespmem:v10+s1+$0x0] =	vst.idx.msk @!p1 $0xffff, v6  }
0xab: {  	[tilespmem:v9+s1+$0x0] =	vst.idx.msk @!p1 $0xffff, v5  }
0xac: {  	v8 =	vld @!p1 [tilespmem:$0xE400];
	_ =	sdelay $0x1  }
0xad: {  	s1 =	smul.u32 @!p1 $0x1A0, s26;
	_ =	sdelay $0x1  }
0xae: {  	s1 =	sshra.s32 @!p1 s1, $0x2  }
0xaf: {  	[tilespmem:s1+$0xE480] =	vst @!p1 v8  }
0xb0: {  	v8 =	vld @!p1 [tilespmem:$0xE410];
	_ =	sdelay $0x4  }
0xb1: {  	[tilespmem:s1+$0xE490] =	vst @!p1 v8  }
0xb2: {  	v8 =	vld @!p1 [tilespmem:$0xE420];
	_ =	sdelay $0x4  }
0xb3: {  	[tilespmem:s1+$0xE4A0] =	vst @!p1 v8  }
0xb4: {  	v8 =	vld @!p1 [tilespmem:$0xE430];
	_ =	sdelay $0x4  }
0xb5: {  	[tilespmem:s1+$0xE4B0] =	vst @!p1 v8  }
0xb6: {  	v8 =	vld @!p1 [tilespmem:$0xE440];
	_ =	sdelay $0x4  }
0xb7: {  	[tilespmem:s1+$0xE4C0] =	vst @!p1 v8  }
0xb8: {  	v8 =	vld @!p1 [tilespmem:$0xE450];
	_ =	sdelay $0x4  }
0xb9: {  	[tilespmem:s1+$0xE4D0] =	vst @!p1 v8  }
0xba: {  	v8 =	vld @!p1 [tilespmem:$0xE454]  }
0xbb: {  	s28 =	simm.s32 $0x1;
	p2 =	seq.s32 s25, $0x0  }
0xbc: {  	s28 =	simm.s32 @!p2 $0x0  }
0xbd: {  	p0 =	sne.s32 s25, $0x200;
	s26 =	sadd.s32 s28, s26  }
0xbe: {  	p3 =	slt.s32 @!p0 s26, $0x0  }
0xbf: {  	p0 =	por p3, p0;
	[tilespmem:s1+$0xE4D4] =	vst @!p1 v8;
	s1 =	simm.s32 $0x0  }
0xc0: {  	v7 =	vpsel p2, $0x0, v7;
	v6 =	vpsel p2, $0x0, v6;
	v8 =	vlaneseq.u32 @!p0;
	v11 =	vld [tilespmem:s1+$0x8420]  }
0xc1: {  	s29 =	simm.s32 $0x400;
	v5 =	vpsel p2, $0x0, v5;
	s28 =	simm.s32 $0x200;
	v9 =	vpsel p2, $0x0, v18;
	s30 =	smul.u32 @!p0 $0x1A0, s26;
	v8 =	vmul.u32 @!p0 $0x2, v8;
	v10 =	vld [tilespmem:s1+$0x8440]  }
.LBB2_5:
0xc2: {  	v2 =	vpsel p2, $0x0, v2;
	v3 =	vpsel p2, $0x0, v3;
	v4 =	vpsel p2, $0x0, v4;
	v12 =	vld [tilespmem:s1+$0x8400];
	s31 =	smov.u32 s29;
	s29 =	sadd.s32 $0x200, s29  }
0xc3: {  	p1 =	sne.s32 s29, $0x8000;
	v13 =	vor.u32 @!p0 $0x1, v8;
	v14 =	vor.u32 @!p0 $0x20, v8;
	v15 =	vor.u32 @!p0 $0x40, v8;
	v16 =	vld [tilespmem:s1+$0x8410]  }
0xc4: {  	v17 =	vor.u32 @!p0 $0x21, v8;
	v18 =	vor.u32 @!p0 $0x41, v8;
	v19 =	vor.u32 @!p0 $0x60, v8;
	v20 =	vld [tilespmem:s1+$0x8450]  }
0xc5: {  	v21 =	vor.u32 @!p0 $0x61, v8;
	v22 =	vshll.u32 v11, $0x10;
	v11 =	vand.u32 $0xFFFF0000, v11;
	v23 =	vld [tilespmem:s1+$0x8460]  }
0xc6: {  	v1 =	vpsel p2, $0x0, v1;
	v3 =	vadd.f32 v22, v3;
	v4 =	vadd.f32 v11, v4;
	v11 =	vld [tilespmem:s1+$0x8430]  }
0xc7: {  	v24 =	vshll.u32 v10, $0x10;
	v22 =	vshll.u32 v12, $0x10;
	v12 =	vand.u32 $0xFFFF0000, v12;
	v25 =	vld [tilespmem:s1+$0x8470]  }
0xc8: {  	v1 =	vadd.f32 v22, v1;
	v2 =	vadd.f32 v12, v2;
	v12 =	vand.u32 $0xFFFF0000, v16  }
0xc9: {  	v10 =	vand.u32 $0xFFFF0000, v10;
	v16 =	vshll.u32 v16, $0x10;
	v22 =	vshll.u32 v20, $0x10  }
0xca: {  	v9 =	vadd.f32 v16, v9;
	v1 =	vadd.f32 v24, v1;
	v16 =	vshll.u32 v23, $0x10  }
0xcb: {  	s1 =	simm.s32 @!p0 $0xE400;
	v7 =	vadd.f32 v12, v7;
	v2 =	vadd.f32 v10, v2;
	v10 =	vand.u32 $0xFFFF0000, v20  }
0xcc: {  	v3 =	vadd.f32 v16, v3;
	[tilespmem:v8+s1+$0x0] =	vst.idx.msk @!p0 $0xffff, v1;
	v8 =	vshll.u32 v11, $0x10;
	v11 =	vand.u32 $0xFFFF0000, v11  }
0xcd: {  	v9 =	vadd.f32 v22, v9;
	v7 =	vadd.f32 v10, v7;
	v10 =	vand.u32 $0xFFFF0000, v23;
	[tilespmem:v13+s1+$0x0] =	vst.idx.msk @!p0 $0xffff, v2  }
0xce: {  	v6 =	vadd.f32 v8, v6;
	v5 =	vadd.f32 v11, v5;
	v8 =	vshll.u32 v25, $0x10  }
0xcf: {  	v4 =	vadd.f32 v10, v4;
	v10 =	vand.u32 $0xFFFF0000, v25;
	[tilespmem:v14+s1+$0x0] =	vst.idx.msk @!p0 $0xffff, v9  }
0xd0: {  	v6 =	vadd.f32 v8, v6;
	v5 =	vadd.f32 v10, v5;
	[tilespmem:v17+s1+$0x0] =	vst.idx.msk @!p0 $0xffff, v7  }
0xd1: {  	[tilespmem:v15+s1+$0x0] =	vst.idx.msk @!p0 $0xffff, v3  }
0xd2: {  	[tilespmem:v18+s1+$0x0] =	vst.idx.msk @!p0 $0xffff, v4  }
0xd3: {  	[tilespmem:v19+s1+$0x0] =	vst.idx.msk @!p0 $0xffff, v6  }
0xd4: {  	[tilespmem:v21+s1+$0x0] =	vst.idx.msk @!p0 $0xffff, v5  }
0xd5: {  	v8 =	vld @!p0 [tilespmem:$0xE400];
	_ =	sdelay $0x3  }
0xd6: {  	s1 =	sshra.s32 @!p0 s30, $0x2  }
0xd7: {  	[tilespmem:s1+$0xE480] =	vst @!p0 v8  }
0xd8: {  	v8 =	vld @!p0 [tilespmem:$0xE410];
	_ =	sdelay $0x4  }
0xd9: {  	[tilespmem:s1+$0xE490] =	vst @!p0 v8  }
0xda: {  	v8 =	vld @!p0 [tilespmem:$0xE420];
	_ =	sdelay $0x4  }
0xdb: {  	[tilespmem:s1+$0xE4A0] =	vst @!p0 v8  }
0xdc: {  	v8 =	vld @!p0 [tilespmem:$0xE430];
	_ =	sdelay $0x4  }
0xdd: {  	[tilespmem:s1+$0xE4B0] =	vst @!p0 v8  }
0xde: {  	v8 =	vld @!p0 [tilespmem:$0xE440];
	_ =	sdelay $0x4  }
0xdf: {  	[tilespmem:s1+$0xE4C0] =	vst @!p0 v8  }
0xe0: {  	v8 =	vld @!p0 [tilespmem:$0xE450];
	_ =	sdelay $0x4  }
0xe1: {  	[tilespmem:s1+$0xE4D0] =	vst @!p0 v8  }
0xe2: {  	v8 =	vld @!p0 [tilespmem:$0xE454]  }
0xe3: {  	p2 =	seq.s32 s25, s28;
	s30 =	simm.s32 $0x1  }
0xe4: {  	s30 =	simm.s32 @!p2 $0x0  }
.Ltmp1:
0xe5: {  	p3 =	sne.s32 s25, s31;
	s26 =	sadd.s32 s30, s26;
	(pc) =	sbr.rel @p1 .LBB2_5-.Ltmp1, $4  }
0xe6: {  	p4 =	slt.s32 @!p3 s26, $0x0  }
0xe7: {  	[tilespmem:s1+$0xE4D4] =	vst @!p0 v8;
	p0 =	por p4, p3;
	s1 =	sshra.s32 s28, $0x2;
	s28 =	smov.u32 s31  }
0xe8: {  	v7 =	vpsel p2, $0x0, v7;
	v5 =	vpsel p2, $0x0, v5;
	v8 =	vlaneseq.u32 @!p0;
	s30 =	smul.u32 @!p0 $0x1A0, s26;
	v11 =	vld [tilespmem:s1+$0x8420]  }
0xe9: {  	v9 =	vpsel p2, $0x0, v9;
	v6 =	vpsel p2, $0x0, v6;
	v8 =	vmul.u32 @!p0 $0x2, v8;
	v10 =	vld [tilespmem:s1+$0x8440]  }
0xea: {  	v2 =	vpsel p2, $0x0, v2;
	v12 =	vld [tilespmem:s1+$0x8400]  }
0xeb: {  	v3 =	vpsel p2, $0x0, v3;
	v4 =	vpsel p2, $0x0, v4;
	v1 =	vpsel p2, $0x0, v1  }
0xec: {  	v16 =	vld [tilespmem:s1+$0x8410];
	v13 =	vor.u32 @!p0 $0x1, v8;
	v14 =	vor.u32 @!p0 $0x20, v8;
	v15 =	vor.u32 @!p0 $0x40, v8  }
0xed: {  	v17 =	vor.u32 @!p0 $0x21, v8;
	v18 =	vor.u32 @!p0 $0x41, v8;
	v19 =	vor.u32 @!p0 $0x60, v8  }
0xee: {  	v21 =	vld [tilespmem:s1+$0x8450];
	v20 =	vor.u32 @!p0 $0x61, v8;
	v22 =	vshll.u32 v11, $0x10;
	v11 =	vand.u32 $0xFFFF0000, v11  }
0xef: {  	v50 =	vld [tilespmem:s1+$0x8430];
	v3 =	vadd.f32 v22, v3;
	v4 =	vadd.f32 v11, v4;
	v11 =	vshll.u32 v12, $0x10  }
0xf0: {  	v23 =	vld [tilespmem:s1+$0x8460];
	v24 =	vshll.u32 v10, $0x10;
	v12 =	vand.u32 $0xFFFF0000, v12;
	v1 =	vadd.f32 v11, v1  }
0xf1: {  	v10 =	vand.u32 $0xFFFF0000, v10;
	v51 =	vshll.u32 v16, $0x10;
	v2 =	vadd.f32 v12, v2  }
0xf2: {  	v52 =	vld [tilespmem:s1+$0x8470];
	v11 =	vand.u32 $0xFFFF0000, v16;
	v9 =	vadd.f32 v51, v9;
	v1 =	vadd.f32 v24, v1  }
0xf3: {  	s1 =	simm.s32 @!p0 $0xE400;
	v53 =	vshll.u32 v21, $0x10;
	v7 =	vadd.f32 v11, v7;
	v2 =	vadd.f32 v10, v2  }
0xf4: {  	v54 =	vand.u32 $0xFFFF0000, v50;
	v11 =	vand.u32 $0xFFFF0000, v21;
	[tilespmem:v8+s1+$0x0] =	vst.idx.msk @!p0 $0xffff, v1;
	v8 =	vadd.f32 v53, v9  }
0xf5: {  	v10 =	vshll.u32 v23, $0x10;
	v7 =	vadd.f32 v11, v7;
	v9 =	vshll.u32 v50, $0x10;
	[tilespmem:v13+s1+$0x0] =	vst.idx.msk @!p0 $0xffff, v2  }
0xf6: {  	v3 =	vadd.f32 v10, v3;
	v10 =	vand.u32 $0xFFFF0000, v23;
	v6 =	vadd.f32 v9, v6;
	[tilespmem:v14+s1+$0x0] =	vst.idx.msk @!p0 $0xffff, v8  }
0xf7: {  	v5 =	vadd.f32 v54, v5;
	v4 =	vadd.f32 v10, v4;
	v9 =	vshll.u32 v52, $0x10;
	[tilespmem:v17+s1+$0x0] =	vst.idx.msk @!p0 $0xffff, v7  }
0xf8: {  	v10 =	vand.u32 $0xFFFF0000, v52;
	v6 =	vadd.f32 v9, v6;
	[tilespmem:v15+s1+$0x0] =	vst.idx.msk @!p0 $0xffff, v3  }
0xf9: {  	v5 =	vadd.f32 v10, v5;
	[tilespmem:v18+s1+$0x0] =	vst.idx.msk @!p0 $0xffff, v4  }
0xfa: {  	[tilespmem:v19+s1+$0x0] =	vst.idx.msk @!p0 $0xffff, v6  }
0xfb: {  	[tilespmem:v20+s1+$0x0] =	vst.idx.msk @!p0 $0xffff, v5  }
0xfc: {  	v9 =	vld @!p0 [tilespmem:$0xE400];
	_ =	sdelay $0x3  }
0xfd: {  	s1 =	sshra.s32 @!p0 s30, $0x2  }
0xfe: {  	[tilespmem:s1+$0xE480] =	vst @!p0 v9  }
0xff: {  	v9 =	vld @!p0 [tilespmem:$0xE410];
	_ =	sdelay $0x4  }
0x100: {  	[tilespmem:s1+$0xE490] =	vst @!p0 v9  }
0x101: {  	v9 =	vld @!p0 [tilespmem:$0xE420];
	_ =	sdelay $0x4  }
0x102: {  	[tilespmem:s1+$0xE4A0] =	vst @!p0 v9  }
0x103: {  	v9 =	vld @!p0 [tilespmem:$0xE430];
	_ =	sdelay $0x4  }
0x104: {  	[tilespmem:s1+$0xE4B0] =	vst @!p0 v9  }
0x105: {  	v9 =	vld @!p0 [tilespmem:$0xE440];
	_ =	sdelay $0x4  }
0x106: {  	[tilespmem:s1+$0xE4C0] =	vst @!p0 v9  }
0x107: {  	v9 =	vld @!p0 [tilespmem:$0xE450];
	_ =	sdelay $0x4  }
0x108: {  	[tilespmem:s1+$0xE4D0] =	vst @!p0 v9  }
0x109: {  	v9 =	vld @!p0 [tilespmem:$0xE454]  }
0x10a: {  	s29 =	sor.u32 $0x100, s24  }
0x10b: {  	s30 =	smulhi.u32 $0x51EB851F, s29;
	_ =	sdelay $0x1  }
0x10c: {  	s30 =	sshrl.u32 s30, $0x6  }
0x10d: {  	s31 =	sshra.s32 s28, $0x2;
	s30 =	smul.u32 $0xC8, s30;
	[tilespmem:s1+$0xE4D4] =	vst @!p0 v9  }
0x10e: {  	v9 =	vld [tilespmem:s31+$0x8420]  }
0x10f: {  	s1 =	ssub.s32 s29, s30;
	v11 =	vld [tilespmem:s31+$0x8440]  }
0x110: {  	p0 =	seq.s32 s25, s28;
	s25 =	ssub.s32 $0xC8, s1;
	p1 =	seq.s32 s1, $0x0;
	v55 =	vld [tilespmem:s31+$0x8410]  }
0x111: {  	v10 =	vld [tilespmem:s31+$0x8400];
	s1 =	simm.s32 $0x1;
	v7 =	vpsel p0, $0x0, v7;
	s25 =	simm.s32 @p1 $0x0  }
0x112: {  	v5 =	vpsel p0, $0x0, v5;
	v8 =	vpsel p0, $0x0, v8;
	v6 =	vpsel p0, $0x0, v6;
	s1 =	simm.s32 @!p0 $0x0;
	s25 =	sshll.u32 s25, $0x8  }
0x113: {  	v2 =	vpsel p0, $0x0, v2;
	v3 =	vpsel p0, $0x0, v3;
	v4 =	vpsel p0, $0x0, v4;
	v13 =	vld [tilespmem:s31+$0x8450];
	s1 =	sadd.s32 s1, s26;
	p1 =	sne.s32 s25, $0x0  }
0x114: {  	v1 =	vpsel p0, $0x0, v1;
	v15 =	vld [tilespmem:s31+$0x8460];
	p0 =	slt.s32 @!p1 s1, $0x0;
	v56 =	vshll.u32 v9, $0x10;
	v9 =	vand.u32 $0xFFFF0000, v9  }
0x115: {  	v17 =	vld [tilespmem:s31+$0x8430];
	p1 =	por p0, p1;
	v57 =	vshll.u32 v11, $0x10;
	v58 =	vand.u32 $0xFFFF0000, v55;
	v12 =	vshll.u32 v55, $0x10  }
0x116: {  	v4 =	vadd.f32 v9, v4;
	v9 =	vshll.u32 v10, $0x10;
	v16 =	vlaneseq.u32 @!p1  }
0x117: {  	v10 =	vand.u32 $0xFFFF0000, v10;
	v1 =	vadd.f32 v9, v1;
	v9 =	vmul.u32 @!p1 $0x2, v16  }
0x118: {  	v11 =	vand.u32 $0xFFFF0000, v11;
	v59 =	vshll.u32 v13, $0x10;
	v2 =	vadd.f32 v10, v2;
	v10 =	vld [tilespmem:s31+$0x8470];
	s31 =	sadd.s32 $0x280, s23  }
0x119: {  	v60 =	vshll.u32 v15, $0x10;
	v8 =	vadd.f32 v12, v8;
	[tilespmem:s10], [sflag:$0x2] =	stream.indirect.gather [hbm4b:s3+s8], $0x40, s31, s8, $0xb8;
	v12 =	vor.u32 @!p1 $0x1, v9;
	[tilespmem:$0x11880] =	vst v63  }
0x11a: {  	v13 =	vand.u32 $0xFFFF0000, v13;
	v61 =	vshll.u32 v17, $0x10;
	_ =	swait.ge [sflag:s17], $0x2000;
	v19 =	vor.u32 @!p1 $0x20, v9  }
0x11b: {  	v1 =	vadd.f32 v57, v1;
	v2 =	vadd.f32 v11, v2;
	v11 =	vor.u32 @!p1 $0x21, v9;
	[sflag:s17] =	ssyncset.done $0x0  }
0x11c: {  	v17 =	vand.u32 $0xFFFF0000, v17;
	v7 =	vadd.f32 v58, v7;
	s26 =	simm.s32 @!p1 $0xE400;
	v20 =	vor.u32 @!p1 $0x40, v9;
	[sflag:s17] =	ssyncadd.s32 $0xFFFFE000  }
0x11d: {  	v3 =	vadd.f32 v56, v3;
	v18 =	vadd.f32 v59, v8;
	v8 =	vor.u32 @!p1 $0x41, v9;
	[tilespmem:v9+s26+$0x0] =	vst.idx.msk @!p1 $0xffff, v1  }
0x11e: {  	v62 =	vand.u32 $0xFFFF0000, v15;
	v7 =	vadd.f32 v13, v7;
	v13 =	vor.u32 @!p1 $0x60, v9;
	[tilespmem:v12+s26+$0x0] =	vst.idx.msk @!p1 $0xffff, v2  }
0x11f: {  	v6 =	vadd.f32 v61, v6;
	v3 =	vadd.f32 v60, v3;
	v9 =	vor.u32 @!p1 $0x61, v9;
	[tilespmem:v19+s26+$0x0] =	vst.idx.msk @!p1 $0xffff, v18  }
0x120: {  	v5 =	vadd.f32 v17, v5;
	v4 =	vadd.f32 v62, v4;
	v63 =	vshll.u32 v10, $0x10;
	[tilespmem:v11+s26+$0x0] =	vst.idx.msk @!p1 $0xffff, v7  }
0x121: {  	v10 =	vand.u32 $0xFFFF0000, v10;
	v6 =	vadd.f32 v63, v6;
	[tilespmem:v20+s26+$0x0] =	vst.idx.msk @!p1 $0xffff, v3  }
0x122: {  	v5 =	vadd.f32 v10, v5;
	[tilespmem:v8+s26+$0x0] =	vst.idx.msk @!p1 $0xffff, v4  }
0x123: {  	[tilespmem:v13+s26+$0x0] =	vst.idx.msk @!p1 $0xffff, v6  }
0x124: {  	[tilespmem:v9+s26+$0x0] =	vst.idx.msk @!p1 $0xffff, v5  }
0x125: {  	v8 =	vld @!p1 [tilespmem:$0xE400];
	_ =	sdelay $0x1  }
0x126: {  	s26 =	smul.u32 @!p1 $0x1A0, s1;
	_ =	sdelay $0x1  }
0x127: {  	s28 =	sshra.s32 @!p1 s26, $0x2  }
0x128: {  	[tilespmem:s28+$0xE480] =	vst @!p1 v8  }
0x129: {  	v8 =	vld @!p1 [tilespmem:$0xE410];
	_ =	sdelay $0x4  }
0x12a: {  	[tilespmem:s28+$0xE490] =	vst @!p1 v8  }
0x12b: {  	v8 =	vld @!p1 [tilespmem:$0xE420];
	_ =	sdelay $0x4  }
0x12c: {  	[tilespmem:s28+$0xE4A0] =	vst @!p1 v8  }
0x12d: {  	v8 =	vld @!p1 [tilespmem:$0xE430];
	_ =	sdelay $0x4  }
0x12e: {  	[tilespmem:s28+$0xE4B0] =	vst @!p1 v8  }
0x12f: {  	v8 =	vld @!p1 [tilespmem:$0xE440];
	_ =	sdelay $0x4  }
0x130: {  	[tilespmem:s28+$0xE4C0] =	vst @!p1 v8  }
0x131: {  	v8 =	vld @!p1 [tilespmem:$0xE450];
	_ =	sdelay $0x4  }
0x132: {  	[tilespmem:s28+$0xE4D0] =	vst @!p1 v8  }
0x133: {  	v8 =	vld @!p1 [tilespmem:$0xE454]  }
0x134: {  	p2 =	seq.s32 s25, $0x0;
	s26 =	simm.s32 $0x1  }
0x135: {  	s26 =	simm.s32 @!p2 $0x0  }
0x136: {  	p0 =	sne.s32 s25, $0x200;
	s26 =	sadd.s32 s26, s1  }
0x137: {  	p3 =	slt.s32 @!p0 s26, $0x0  }
0x138: {  	s1 =	simm.s32 $0x0;
	p0 =	por p3, p0;
	[tilespmem:s28+$0xE4D4] =	vst @!p1 v8  }
0x139: {  	v7 =	vpsel p2, $0x0, v7;
	v6 =	vpsel p2, $0x0, v6;
	v8 =	vlaneseq.u32 @!p0;
	v11 =	vld [tilespmem:s1+$0xA420]  }
0x13a: {  	s29 =	simm.s32 $0x400;
	v5 =	vpsel p2, $0x0, v5;
	v9 =	vpsel p2, $0x0, v18;
	s30 =	smul.u32 @!p0 $0x1A0, s26;
	s28 =	simm.s32 $0x200;
	v8 =	vmul.u32 @!p0 $0x2, v8;
	v10 =	vld [tilespmem:s1+$0xA440]  }
.LBB2_7:
0x13b: {  	v2 =	vpsel p2, $0x0, v2;
	v3 =	vpsel p2, $0x0, v3;
	v4 =	vpsel p2, $0x0, v4;
	v12 =	vld [tilespmem:s1+$0xA400];
	s31 =	smov.u32 s29;
	s29 =	sadd.s32 $0x200, s29  }
0x13c: {  	p1 =	sne.s32 s29, $0x8000;
	v13 =	vor.u32 @!p0 $0x1, v8;
	v14 =	vor.u32 @!p0 $0x20, v8;
	v15 =	vor.u32 @!p0 $0x40, v8;
	v16 =	vld [tilespmem:s1+$0xA410]  }
0x13d: {  	v17 =	vor.u32 @!p0 $0x21, v8;
	v18 =	vor.u32 @!p0 $0x41, v8;
	v19 =	vor.u32 @!p0 $0x60, v8;
	v20 =	vld [tilespmem:s1+$0xA450]  }
0x13e: {  	v21 =	vor.u32 @!p0 $0x61, v8;
	v22 =	vshll.u32 v11, $0x10;
	v11 =	vand.u32 $0xFFFF0000, v11;
	v23 =	vld [tilespmem:s1+$0xA460]  }
0x13f: {  	v1 =	vpsel p2, $0x0, v1;
	v3 =	vadd.f32 v22, v3;
	v4 =	vadd.f32 v11, v4;
	v11 =	vld [tilespmem:s1+$0xA430]  }
0x140: {  	v24 =	vshll.u32 v10, $0x10;
	v22 =	vshll.u32 v12, $0x10;
	v12 =	vand.u32 $0xFFFF0000, v12;
	v25 =	vld [tilespmem:s1+$0xA470]  }
0x141: {  	v1 =	vadd.f32 v22, v1;
	v2 =	vadd.f32 v12, v2;
	v12 =	vand.u32 $0xFFFF0000, v16  }
0x142: {  	v10 =	vand.u32 $0xFFFF0000, v10;
	v16 =	vshll.u32 v16, $0x10;
	v22 =	vshll.u32 v20, $0x10  }
0x143: {  	v9 =	vadd.f32 v16, v9;
	v1 =	vadd.f32 v24, v1;
	v16 =	vshll.u32 v23, $0x10  }
0x144: {  	s1 =	simm.s32 @!p0 $0xE400;
	v7 =	vadd.f32 v12, v7;
	v2 =	vadd.f32 v10, v2;
	v10 =	vand.u32 $0xFFFF0000, v20  }
0x145: {  	v3 =	vadd.f32 v16, v3;
	[tilespmem:v8+s1+$0x0] =	vst.idx.msk @!p0 $0xffff, v1;
	v8 =	vshll.u32 v11, $0x10;
	v11 =	vand.u32 $0xFFFF0000, v11  }
0x146: {  	v9 =	vadd.f32 v22, v9;
	v7 =	vadd.f32 v10, v7;
	v10 =	vand.u32 $0xFFFF0000, v23;
	[tilespmem:v13+s1+$0x0] =	vst.idx.msk @!p0 $0xffff, v2  }
0x147: {  	v6 =	vadd.f32 v8, v6;
	v5 =	vadd.f32 v11, v5;
	v8 =	vshll.u32 v25, $0x10  }
0x148: {  	v4 =	vadd.f32 v10, v4;
	v10 =	vand.u32 $0xFFFF0000, v25;
	[tilespmem:v14+s1+$0x0] =	vst.idx.msk @!p0 $0xffff, v9  }
0x149: {  	v6 =	vadd.f32 v8, v6;
	v5 =	vadd.f32 v10, v5;
	[tilespmem:v17+s1+$0x0] =	vst.idx.msk @!p0 $0xffff, v7  }
0x14a: {  	[tilespmem:v15+s1+$0x0] =	vst.idx.msk @!p0 $0xffff, v3  }
0x14b: {  	[tilespmem:v18+s1+$0x0] =	vst.idx.msk @!p0 $0xffff, v4  }
0x14c: {  	[tilespmem:v19+s1+$0x0] =	vst.idx.msk @!p0 $0xffff, v6  }
0x14d: {  	[tilespmem:v21+s1+$0x0] =	vst.idx.msk @!p0 $0xffff, v5  }
0x14e: {  	v8 =	vld @!p0 [tilespmem:$0xE400];
	_ =	sdelay $0x3  }
0x14f: {  	s1 =	sshra.s32 @!p0 s30, $0x2  }
0x150: {  	[tilespmem:s1+$0xE480] =	vst @!p0 v8  }
0x151: {  	v8 =	vld @!p0 [tilespmem:$0xE410];
	_ =	sdelay $0x4  }
0x152: {  	[tilespmem:s1+$0xE490] =	vst @!p0 v8  }
0x153: {  	v8 =	vld @!p0 [tilespmem:$0xE420];
	_ =	sdelay $0x4  }
0x154: {  	[tilespmem:s1+$0xE4A0] =	vst @!p0 v8  }
0x155: {  	v8 =	vld @!p0 [tilespmem:$0xE430];
	_ =	sdelay $0x4  }
0x156: {  	[tilespmem:s1+$0xE4B0] =	vst @!p0 v8  }
0x157: {  	v8 =	vld @!p0 [tilespmem:$0xE440];
	_ =	sdelay $0x4  }
0x158: {  	[tilespmem:s1+$0xE4C0] =	vst @!p0 v8  }
0x159: {  	v8 =	vld @!p0 [tilespmem:$0xE450];
	_ =	sdelay $0x4  }
0x15a: {  	[tilespmem:s1+$0xE4D0] =	vst @!p0 v8  }
0x15b: {  	v8 =	vld @!p0 [tilespmem:$0xE454]  }
0x15c: {  	p2 =	seq.s32 s25, s28;
	s30 =	simm.s32 $0x1  }
0x15d: {  	s30 =	simm.s32 @!p2 $0x0  }
.Ltmp2:
0x15e: {  	p3 =	sne.s32 s25, s31;
	s26 =	sadd.s32 s30, s26;
	(pc) =	sbr.rel @p1 .LBB2_7-.Ltmp2, $4  }
0x15f: {  	p4 =	slt.s32 @!p3 s26, $0x0  }
0x160: {  	[tilespmem:s1+$0xE4D4] =	vst @!p0 v8;
	p0 =	por p4, p3;
	s1 =	sshra.s32 s28, $0x2;
	s28 =	smov.u32 s31  }
0x161: {  	v7 =	vpsel p2, $0x0, v7;
	v5 =	vpsel p2, $0x0, v5;
	v8 =	vlaneseq.u32 @!p0;
	s30 =	smul.u32 @!p0 $0x1A0, s26;
	v11 =	vld [tilespmem:s1+$0xA420]  }
0x162: {  	v9 =	vpsel p2, $0x0, v9;
	v6 =	vpsel p2, $0x0, v6;
	v8 =	vmul.u32 @!p0 $0x2, v8;
	v10 =	vld [tilespmem:s1+$0xA440]  }
0x163: {  	v2 =	vpsel p2, $0x0, v2;
	v12 =	vld [tilespmem:s1+$0xA400]  }
0x164: {  	v3 =	vpsel p2, $0x0, v3;
	v4 =	vpsel p2, $0x0, v4;
	v1 =	vpsel p2, $0x0, v1  }
0x165: {  	v16 =	vld [tilespmem:s1+$0xA410];
	v13 =	vor.u32 @!p0 $0x1, v8;
	v14 =	vor.u32 @!p0 $0x20, v8;
	v15 =	vor.u32 @!p0 $0x40, v8  }
0x166: {  	v17 =	vor.u32 @!p0 $0x21, v8;
	v18 =	vor.u32 @!p0 $0x41, v8;
	v19 =	vor.u32 @!p0 $0x60, v8  }
0x167: {  	v21 =	vld [tilespmem:s1+$0xA450];
	v20 =	vor.u32 @!p0 $0x61, v8;
	v22 =	vshll.u32 v11, $0x10;
	v11 =	vand.u32 $0xFFFF0000, v11  }
0x168: {  	v50 =	vld [tilespmem:s1+$0xA430];
	v3 =	vadd.f32 v22, v3;
	v4 =	vadd.f32 v11, v4;
	v11 =	vshll.u32 v12, $0x10  }
0x169: {  	v23 =	vld [tilespmem:s1+$0xA460];
	v24 =	vshll.u32 v10, $0x10;
	v12 =	vand.u32 $0xFFFF0000, v12;
	v1 =	vadd.f32 v11, v1  }
0x16a: {  	v10 =	vand.u32 $0xFFFF0000, v10;
	v51 =	vshll.u32 v16, $0x10;
	v2 =	vadd.f32 v12, v2  }
0x16b: {  	v52 =	vld [tilespmem:s1+$0xA470];
	v11 =	vand.u32 $0xFFFF0000, v16;
	v9 =	vadd.f32 v51, v9;
	v1 =	vadd.f32 v24, v1  }
0x16c: {  	s1 =	simm.s32 @!p0 $0xE400;
	v53 =	vshll.u32 v21, $0x10;
	v7 =	vadd.f32 v11, v7;
	v2 =	vadd.f32 v10, v2  }
0x16d: {  	v54 =	vand.u32 $0xFFFF0000, v50;
	v11 =	vand.u32 $0xFFFF0000, v21;
	[tilespmem:v8+s1+$0x0] =	vst.idx.msk @!p0 $0xffff, v1;
	v8 =	vadd.f32 v53, v9  }
0x16e: {  	v10 =	vshll.u32 v23, $0x10;
	v7 =	vadd.f32 v11, v7;
	v9 =	vshll.u32 v50, $0x10;
	[tilespmem:v13+s1+$0x0] =	vst.idx.msk @!p0 $0xffff, v2  }
0x16f: {  	v3 =	vadd.f32 v10, v3;
	v10 =	vand.u32 $0xFFFF0000, v23;
	v6 =	vadd.f32 v9, v6;
	[tilespmem:v14+s1+$0x0] =	vst.idx.msk @!p0 $0xffff, v8  }
0x170: {  	v5 =	vadd.f32 v54, v5;
	v4 =	vadd.f32 v10, v4;
	v9 =	vshll.u32 v52, $0x10;
	[tilespmem:v17+s1+$0x0] =	vst.idx.msk @!p0 $0xffff, v7  }
0x171: {  	v10 =	vand.u32 $0xFFFF0000, v52;
	v6 =	vadd.f32 v9, v6;
	[tilespmem:v15+s1+$0x0] =	vst.idx.msk @!p0 $0xffff, v3  }
0x172: {  	v5 =	vadd.f32 v10, v5;
	[tilespmem:v18+s1+$0x0] =	vst.idx.msk @!p0 $0xffff, v4  }
0x173: {  	[tilespmem:v19+s1+$0x0] =	vst.idx.msk @!p0 $0xffff, v6  }
0x174: {  	[tilespmem:v20+s1+$0x0] =	vst.idx.msk @!p0 $0xffff, v5  }
0x175: {  	v9 =	vld @!p0 [tilespmem:$0xE400];
	_ =	sdelay $0x3  }
0x176: {  	s1 =	sshra.s32 @!p0 s30, $0x2  }
0x177: {  	[tilespmem:s1+$0xE480] =	vst @!p0 v9  }
0x178: {  	v9 =	vld @!p0 [tilespmem:$0xE410];
	_ =	sdelay $0x4  }
0x179: {  	[tilespmem:s1+$0xE490] =	vst @!p0 v9  }
0x17a: {  	v9 =	vld @!p0 [tilespmem:$0xE420];
	_ =	sdelay $0x4  }
0x17b: {  	[tilespmem:s1+$0xE4A0] =	vst @!p0 v9  }
0x17c: {  	v9 =	vld @!p0 [tilespmem:$0xE430];
	_ =	sdelay $0x4  }
0x17d: {  	[tilespmem:s1+$0xE4B0] =	vst @!p0 v9  }
0x17e: {  	v9 =	vld @!p0 [tilespmem:$0xE440];
	_ =	sdelay $0x4  }
0x17f: {  	[tilespmem:s1+$0xE4C0] =	vst @!p0 v9  }
0x180: {  	v9 =	vld @!p0 [tilespmem:$0xE450];
	_ =	sdelay $0x4  }
0x181: {  	s24 =	sor.u32 $0x180, s24;
	[tilespmem:s1+$0xE4D0] =	vst @!p0 v9  }
0x182: {  	s29 =	smulhi.u32 $0x51EB851F, s24;
	v9 =	vld @!p0 [tilespmem:$0xE454];
	_ =	sdelay $0x1  }
0x183: {  	s29 =	sshrl.u32 s29, $0x6  }
0x184: {  	s29 =	smul.u32 $0xC8, s29;
	_ =	sdelay $0x1  }
0x185: {  	s31 =	ssub.s32 s24, s29;
	s30 =	sshra.s32 s28, $0x2;
	[tilespmem:s1+$0xE4D4] =	vst @!p0 v9  }
0x186: {  	s24 =	ssub.s32 $0xC8, s31;
	p1 =	seq.s32 s31, $0x0;
	v9 =	vld [tilespmem:s30+$0xA420]  }
0x187: {  	s24 =	simm.s32 @p1 $0x0;
	p0 =	seq.s32 s25, s28;
	s1 =	simm.s32 $0x1;
	v11 =	vld [tilespmem:s30+$0xA440]  }
0x188: {  	s24 =	sshll.u32 s24, $0x8;
	v7 =	vpsel p0, $0x0, v7;
	s1 =	simm.s32 @!p0 $0x0;
	v5 =	vpsel p0, $0x0, v5;
	v55 =	vld [tilespmem:s30+$0xA410]  }
0x189: {  	p1 =	sne.s32 s24, $0x0;
	v10 =	vld [tilespmem:s30+$0xA400];
	v8 =	vpsel p0, $0x0, v8;
	v6 =	vpsel p0, $0x0, v6;
	v2 =	vpsel p0, $0x0, v2;
	s1 =	sadd.s32 s1, s26  }
0x18a: {  	v3 =	vpsel p0, $0x0, v3;
	v4 =	vpsel p0, $0x0, v4;
	v13 =	vld [tilespmem:s30+$0xA450];
	v1 =	vpsel p0, $0x0, v1;
	p0 =	slt.s32 @!p1 s1, $0x0  }
0x18b: {  	v15 =	vld [tilespmem:s30+$0xA460];
	p1 =	por p0, p1  }
0x18c: {  	v16 =	vlaneseq.u32 @!p1;
	v56 =	vshll.u32 v9, $0x10  }
0x18d: {  	v17 =	vld [tilespmem:s30+$0xA430];
	v9 =	vand.u32 $0xFFFF0000, v9;
	v57 =	vshll.u32 v11, $0x10;
	v58 =	vand.u32 $0xFFFF0000, v55  }
0x18e: {  	v12 =	vshll.u32 v55, $0x10;
	v4 =	vadd.f32 v9, v4;
	v9 =	vshll.u32 v10, $0x10  }
0x18f: {  	v11 =	vand.u32 $0xFFFF0000, v11;
	v1 =	vadd.f32 v9, v1;
	v9 =	vmul.u32 @!p1 $0x2, v16  }
0x190: {  	s31 =	sadd.s32 $0x300, s23;
	v59 =	vshll.u32 v13, $0x10;
	v60 =	vshll.u32 v15, $0x10;
	v10 =	vand.u32 $0xFFFF0000, v10  }
0x191: {  	v8 =	vadd.f32 v12, v8;
	v2 =	vadd.f32 v10, v2;
	v10 =	vld [tilespmem:s30+$0xA470];
	[tilespmem:s12], [sflag:$0x3] =	stream.indirect.gather [hbm4b:s3+s8], $0x40, s31, s8, $0xb8;
	v12 =	vor.u32 @!p1 $0x1, v9  }
0x192: {  	v13 =	vand.u32 $0xFFFF0000, v13;
	v61 =	vshll.u32 v17, $0x10;
	_ =	swait.ge [sflag:s18], $0x2000;
	v19 =	vor.u32 @!p1 $0x20, v9  }
0x193: {  	v1 =	vadd.f32 v57, v1;
	v2 =	vadd.f32 v11, v2;
	[sflag:s18] =	ssyncset.done $0x0;
	v11 =	vor.u32 @!p1 $0x21, v9  }
0x194: {  	s25 =	simm.s32 @!p1 $0xE400;
	v17 =	vand.u32 $0xFFFF0000, v17;
	v7 =	vadd.f32 v58, v7;
	v20 =	vor.u32 @!p1 $0x40, v9;
	[sflag:s18] =	ssyncadd.s32 $0xFFFFE000  }
0x195: {  	v3 =	vadd.f32 v56, v3;
	v18 =	vadd.f32 v59, v8;
	v8 =	vor.u32 @!p1 $0x41, v9;
	[tilespmem:v9+s25+$0x0] =	vst.idx.msk @!p1 $0xffff, v1  }
0x196: {  	v62 =	vand.u32 $0xFFFF0000, v15;
	v7 =	vadd.f32 v13, v7;
	v13 =	vor.u32 @!p1 $0x60, v9;
	[tilespmem:v12+s25+$0x0] =	vst.idx.msk @!p1 $0xffff, v2  }
0x197: {  	v6 =	vadd.f32 v61, v6;
	v3 =	vadd.f32 v60, v3;
	v9 =	vor.u32 @!p1 $0x61, v9;
	[tilespmem:v19+s25+$0x0] =	vst.idx.msk @!p1 $0xffff, v18  }
0x198: {  	v5 =	vadd.f32 v17, v5;
	v4 =	vadd.f32 v62, v4;
	v63 =	vshll.u32 v10, $0x10;
	[tilespmem:v11+s25+$0x0] =	vst.idx.msk @!p1 $0xffff, v7  }
0x199: {  	v10 =	vand.u32 $0xFFFF0000, v10;
	v6 =	vadd.f32 v63, v6;
	[tilespmem:v20+s25+$0x0] =	vst.idx.msk @!p1 $0xffff, v3  }
0x19a: {  	v5 =	vadd.f32 v10, v5;
	[tilespmem:v8+s25+$0x0] =	vst.idx.msk @!p1 $0xffff, v4  }
0x19b: {  	[tilespmem:v13+s25+$0x0] =	vst.idx.msk @!p1 $0xffff, v6  }
0x19c: {  	[tilespmem:v9+s25+$0x0] =	vst.idx.msk @!p1 $0xffff, v5  }
0x19d: {  	v8 =	vld @!p1 [tilespmem:$0xE400];
	_ =	sdelay $0x1  }
0x19e: {  	s25 =	smul.u32 @!p1 $0x1A0, s1;
	_ =	sdelay $0x1  }
0x19f: {  	s26 =	sshra.s32 @!p1 s25, $0x2  }
0x1a0: {  	[tilespmem:s26+$0xE480] =	vst @!p1 v8  }
0x1a1: {  	v8 =	vld @!p1 [tilespmem:$0xE410];
	_ =	sdelay $0x4  }
0x1a2: {  	[tilespmem:s26+$0xE490] =	vst @!p1 v8  }
0x1a3: {  	v8 =	vld @!p1 [tilespmem:$0xE420];
	_ =	sdelay $0x4  }
0x1a4: {  	[tilespmem:s26+$0xE4A0] =	vst @!p1 v8  }
0x1a5: {  	v8 =	vld @!p1 [tilespmem:$0xE430];
	_ =	sdelay $0x4  }
0x1a6: {  	[tilespmem:s26+$0xE4B0] =	vst @!p1 v8  }
0x1a7: {  	v8 =	vld @!p1 [tilespmem:$0xE440];
	_ =	sdelay $0x4  }
0x1a8: {  	[tilespmem:s26+$0xE4C0] =	vst @!p1 v8  }
0x1a9: {  	v8 =	vld @!p1 [tilespmem:$0xE450];
	_ =	sdelay $0x4  }
0x1aa: {  	[tilespmem:s26+$0xE4D0] =	vst @!p1 v8  }
0x1ab: {  	v8 =	vld @!p1 [tilespmem:$0xE454]  }
0x1ac: {  	p2 =	seq.s32 s24, $0x0;
	s25 =	simm.s32 $0x1  }
0x1ad: {  	s25 =	simm.s32 @!p2 $0x0  }
0x1ae: {  	p0 =	sne.s32 s24, $0x200;
	s25 =	sadd.s32 s25, s1  }
0x1af: {  	p3 =	slt.s32 @!p0 s25, $0x0  }
0x1b0: {  	s1 =	simm.s32 $0x0;
	p0 =	por p3, p0;
	[tilespmem:s26+$0xE4D4] =	vst @!p1 v8  }
0x1b1: {  	v7 =	vpsel p2, $0x0, v7;
	v6 =	vpsel p2, $0x0, v6;
	v8 =	vlaneseq.u32 @!p0;
	v11 =	vld [tilespmem:s1+$0xC420]  }
0x1b2: {  	s28 =	simm.s32 $0x400;
	v5 =	vpsel p2, $0x0, v5;
	v9 =	vpsel p2, $0x0, v18;
	s29 =	smul.u32 @!p0 $0x1A0, s25;
	s26 =	simm.s32 $0x200;
	v8 =	vmul.u32 @!p0 $0x2, v8;
	v10 =	vld [tilespmem:s1+$0xC440]  }
.LBB2_9:
0x1b3: {  	v2 =	vpsel p2, $0x0, v2;
	v3 =	vpsel p2, $0x0, v3;
	v4 =	vpsel p2, $0x0, v4;
	v12 =	vld [tilespmem:s1+$0xC400];
	s30 =	smov.u32 s28;
	s28 =	sadd.s32 $0x200, s28  }
0x1b4: {  	p1 =	sne.s32 s28, $0x8000;
	v13 =	vor.u32 @!p0 $0x1, v8;
	v14 =	vor.u32 @!p0 $0x20, v8;
	v15 =	vor.u32 @!p0 $0x40, v8;
	v16 =	vld [tilespmem:s1+$0xC410]  }
0x1b5: {  	v17 =	vor.u32 @!p0 $0x21, v8;
	v18 =	vor.u32 @!p0 $0x41, v8;
	v19 =	vor.u32 @!p0 $0x60, v8;
	v20 =	vld [tilespmem:s1+$0xC450]  }
0x1b6: {  	v21 =	vor.u32 @!p0 $0x61, v8;
	v22 =	vshll.u32 v11, $0x10;
	v11 =	vand.u32 $0xFFFF0000, v11;
	v23 =	vld [tilespmem:s1+$0xC460]  }
0x1b7: {  	v1 =	vpsel p2, $0x0, v1;
	v3 =	vadd.f32 v22, v3;
	v4 =	vadd.f32 v11, v4;
	v11 =	vld [tilespmem:s1+$0xC430]  }
0x1b8: {  	v24 =	vshll.u32 v10, $0x10;
	v22 =	vshll.u32 v12, $0x10;
	v12 =	vand.u32 $0xFFFF0000, v12;
	v25 =	vld [tilespmem:s1+$0xC470]  }
0x1b9: {  	v1 =	vadd.f32 v22, v1;
	v2 =	vadd.f32 v12, v2;
	v12 =	vand.u32 $0xFFFF0000, v16  }
0x1ba: {  	v10 =	vand.u32 $0xFFFF0000, v10;
	v16 =	vshll.u32 v16, $0x10;
	v22 =	vshll.u32 v20, $0x10  }
0x1bb: {  	v9 =	vadd.f32 v16, v9;
	v1 =	vadd.f32 v24, v1;
	v16 =	vshll.u32 v23, $0x10  }
0x1bc: {  	s1 =	simm.s32 @!p0 $0xE400;
	v7 =	vadd.f32 v12, v7;
	v2 =	vadd.f32 v10, v2;
	v10 =	vand.u32 $0xFFFF0000, v20  }
0x1bd: {  	v3 =	vadd.f32 v16, v3;
	[tilespmem:v8+s1+$0x0] =	vst.idx.msk @!p0 $0xffff, v1;
	v8 =	vshll.u32 v11, $0x10;
	v11 =	vand.u32 $0xFFFF0000, v11  }
0x1be: {  	v9 =	vadd.f32 v22, v9;
	v7 =	vadd.f32 v10, v7;
	v10 =	vand.u32 $0xFFFF0000, v23;
	[tilespmem:v13+s1+$0x0] =	vst.idx.msk @!p0 $0xffff, v2  }
0x1bf: {  	v6 =	vadd.f32 v8, v6;
	v5 =	vadd.f32 v11, v5;
	v8 =	vshll.u32 v25, $0x10  }
0x1c0: {  	v4 =	vadd.f32 v10, v4;
	v10 =	vand.u32 $0xFFFF0000, v25;
	[tilespmem:v14+s1+$0x0] =	vst.idx.msk @!p0 $0xffff, v9  }
0x1c1: {  	v6 =	vadd.f32 v8, v6;
	v5 =	vadd.f32 v10, v5;
	[tilespmem:v17+s1+$0x0] =	vst.idx.msk @!p0 $0xffff, v7  }
0x1c2: {  	[tilespmem:v15+s1+$0x0] =	vst.idx.msk @!p0 $0xffff, v3  }
0x1c3: {  	[tilespmem:v18+s1+$0x0] =	vst.idx.msk @!p0 $0xffff, v4  }
0x1c4: {  	[tilespmem:v19+s1+$0x0] =	vst.idx.msk @!p0 $0xffff, v6  }
0x1c5: {  	[tilespmem:v21+s1+$0x0] =	vst.idx.msk @!p0 $0xffff, v5  }
0x1c6: {  	v8 =	vld @!p0 [tilespmem:$0xE400];
	_ =	sdelay $0x3  }
0x1c7: {  	s1 =	sshra.s32 @!p0 s29, $0x2  }
0x1c8: {  	[tilespmem:s1+$0xE480] =	vst @!p0 v8  }
0x1c9: {  	v8 =	vld @!p0 [tilespmem:$0xE410];
	_ =	sdelay $0x4  }
0x1ca: {  	[tilespmem:s1+$0xE490] =	vst @!p0 v8  }
0x1cb: {  	v8 =	vld @!p0 [tilespmem:$0xE420];
	_ =	sdelay $0x4  }
0x1cc: {  	[tilespmem:s1+$0xE4A0] =	vst @!p0 v8  }
0x1cd: {  	v8 =	vld @!p0 [tilespmem:$0xE430];
	_ =	sdelay $0x4  }
0x1ce: {  	[tilespmem:s1+$0xE4B0] =	vst @!p0 v8  }
0x1cf: {  	v8 =	vld @!p0 [tilespmem:$0xE440];
	_ =	sdelay $0x4  }
0x1d0: {  	[tilespmem:s1+$0xE4C0] =	vst @!p0 v8  }
0x1d1: {  	v8 =	vld @!p0 [tilespmem:$0xE450];
	_ =	sdelay $0x4  }
0x1d2: {  	[tilespmem:s1+$0xE4D0] =	vst @!p0 v8  }
0x1d3: {  	v8 =	vld @!p0 [tilespmem:$0xE454]  }
0x1d4: {  	p2 =	seq.s32 s24, s26;
	s29 =	simm.s32 $0x1  }
0x1d5: {  	s29 =	simm.s32 @!p2 $0x0  }
.Ltmp3:
0x1d6: {  	p3 =	sne.s32 s24, s30;
	s25 =	sadd.s32 s29, s25;
	(pc) =	sbr.rel @p1 .LBB2_9-.Ltmp3, $4  }
0x1d7: {  	p4 =	slt.s32 @!p3 s25, $0x0  }
0x1d8: {  	[tilespmem:s1+$0xE4D4] =	vst @!p0 v8;
	p0 =	por p4, p3;
	s1 =	sshra.s32 s26, $0x2;
	s26 =	smov.u32 s30  }
0x1d9: {  	v7 =	vpsel p2, $0x0, v7;
	v5 =	vpsel p2, $0x0, v5;
	v8 =	vlaneseq.u32 @!p0;
	s29 =	smul.u32 @!p0 $0x1A0, s25;
	v11 =	vld [tilespmem:s1+$0xC420]  }
0x1da: {  	v9 =	vpsel p2, $0x0, v9;
	v6 =	vpsel p2, $0x0, v6;
	v8 =	vmul.u32 @!p0 $0x2, v8;
	v10 =	vld [tilespmem:s1+$0xC440]  }
0x1db: {  	v2 =	vpsel p2, $0x0, v2;
	v12 =	vld [tilespmem:s1+$0xC400]  }
0x1dc: {  	v3 =	vpsel p2, $0x0, v3;
	v4 =	vpsel p2, $0x0, v4;
	v1 =	vpsel p2, $0x0, v1  }
0x1dd: {  	v16 =	vld [tilespmem:s1+$0xC410];
	v13 =	vor.u32 @!p0 $0x1, v8;
	v14 =	vor.u32 @!p0 $0x20, v8;
	v15 =	vor.u32 @!p0 $0x40, v8  }
0x1de: {  	v17 =	vor.u32 @!p0 $0x21, v8;
	v18 =	vor.u32 @!p0 $0x41, v8;
	v19 =	vor.u32 @!p0 $0x60, v8  }
0x1df: {  	v21 =	vld [tilespmem:s1+$0xC450];
	v20 =	vor.u32 @!p0 $0x61, v8;
	v22 =	vshll.u32 v11, $0x10;
	v11 =	vand.u32 $0xFFFF0000, v11  }
0x1e0: {  	v54 =	vld [tilespmem:s1+$0xC430];
	v3 =	vadd.f32 v22, v3;
	v4 =	vadd.f32 v11, v4;
	v11 =	vshll.u32 v12, $0x10  }
0x1e1: {  	v23 =	vld [tilespmem:s1+$0xC460];
	v24 =	vshll.u32 v10, $0x10;
	v12 =	vand.u32 $0xFFFF0000, v12;
	v1 =	vadd.f32 v11, v1  }
0x1e2: {  	v10 =	vand.u32 $0xFFFF0000, v10;
	v55 =	vshll.u32 v16, $0x10;
	v2 =	vadd.f32 v12, v2  }
0x1e3: {  	v56 =	vld [tilespmem:s1+$0xC470];
	v11 =	vand.u32 $0xFFFF0000, v16;
	v9 =	vadd.f32 v55, v9;
	v1 =	vadd.f32 v24, v1  }
0x1e4: {  	s1 =	simm.s32 @!p0 $0xE400;
	v57 =	vshll.u32 v21, $0x10;
	v7 =	vadd.f32 v11, v7;
	v2 =	vadd.f32 v10, v2  }
0x1e5: {  	v58 =	vand.u32 $0xFFFF0000, v54;
	v11 =	vand.u32 $0xFFFF0000, v21;
	[tilespmem:v8+s1+$0x0] =	vst.idx.msk @!p0 $0xffff, v1;
	v8 =	vadd.f32 v57, v9  }
0x1e6: {  	v10 =	vshll.u32 v23, $0x10;
	v7 =	vadd.f32 v11, v7;
	v9 =	vshll.u32 v54, $0x10;
	[tilespmem:v13+s1+$0x0] =	vst.idx.msk @!p0 $0xffff, v2  }
0x1e7: {  	v3 =	vadd.f32 v10, v3;
	v10 =	vand.u32 $0xFFFF0000, v23;
	v6 =	vadd.f32 v9, v6;
	[tilespmem:v14+s1+$0x0] =	vst.idx.msk @!p0 $0xffff, v8  }
0x1e8: {  	v5 =	vadd.f32 v58, v5;
	v4 =	vadd.f32 v10, v4;
	v9 =	vshll.u32 v56, $0x10;
	[tilespmem:v17+s1+$0x0] =	vst.idx.msk @!p0 $0xffff, v7  }
0x1e9: {  	v10 =	vand.u32 $0xFFFF0000, v56;
	v6 =	vadd.f32 v9, v6;
	[tilespmem:v15+s1+$0x0] =	vst.idx.msk @!p0 $0xffff, v3  }
0x1ea: {  	v5 =	vadd.f32 v10, v5;
	[tilespmem:v18+s1+$0x0] =	vst.idx.msk @!p0 $0xffff, v4  }
0x1eb: {  	[tilespmem:v19+s1+$0x0] =	vst.idx.msk @!p0 $0xffff, v6  }
0x1ec: {  	[tilespmem:v20+s1+$0x0] =	vst.idx.msk @!p0 $0xffff, v5  }
0x1ed: {  	v9 =	vld @!p0 [tilespmem:$0xE400];
	_ =	sdelay $0x3  }
0x1ee: {  	s1 =	sshra.s32 @!p0 s29, $0x2  }
0x1ef: {  	[tilespmem:s1+$0xE480] =	vst @!p0 v9  }
0x1f0: {  	v9 =	vld @!p0 [tilespmem:$0xE410];
	_ =	sdelay $0x4  }
0x1f1: {  	[tilespmem:s1+$0xE490] =	vst @!p0 v9  }
0x1f2: {  	v9 =	vld @!p0 [tilespmem:$0xE420];
	_ =	sdelay $0x4  }
0x1f3: {  	[tilespmem:s1+$0xE4A0] =	vst @!p0 v9  }
0x1f4: {  	v9 =	vld @!p0 [tilespmem:$0xE430];
	_ =	sdelay $0x4  }
0x1f5: {  	[tilespmem:s1+$0xE4B0] =	vst @!p0 v9  }
0x1f6: {  	v9 =	vld @!p0 [tilespmem:$0xE440];
	_ =	sdelay $0x4  }
0x1f7: {  	[tilespmem:s1+$0xE4C0] =	vst @!p0 v9  }
0x1f8: {  	v9 =	vld @!p0 [tilespmem:$0xE450];
	_ =	sdelay $0x4  }
0x1f9: {  	[tilespmem:s1+$0xE4D0] =	vst @!p0 v9  }
0x1fa: {  	v9 =	vld @!p0 [tilespmem:$0xE454];
	_ =	sdelay $0x4  }
0x1fb: {  	s30 =	sshra.s32 s26, $0x2;
	[tilespmem:s1+$0xE4D4] =	vst @!p0 v9  }
0x1fc: {  	p0 =	seq.s32 s24, s26;
	v9 =	vld [tilespmem:s30+$0xC420]  }
0x1fd: {  	v11 =	vpsel p0, $0x0, v5;
	v5 =	vld [tilespmem:s30+$0xC440]  }
0x1fe: {  	v10 =	vld [tilespmem:s30+$0xC400]  }
0x1ff: {  	v7 =	vpsel p0, $0x0, v7  }
0x200: {  	v8 =	vpsel p0, $0x0, v8;
	v59 =	vpsel p0, $0x0, v6;
	v2 =	vpsel p0, $0x0, v2;
	v6 =	vld [tilespmem:s30+$0xC410]  }
0x201: {  	v3 =	vpsel p0, $0x0, v3;
	v4 =	vpsel p0, $0x0, v4;
	v13 =	vld [tilespmem:s30+$0xC450];
	v1 =	vpsel p0, $0x0, v1  }
0x202: {  	v15 =	vld [tilespmem:s30+$0xC460];
	v60 =	vshll.u32 v9, $0x10;
	v9 =	vand.u32 $0xFFFF0000, v9;
	v61 =	vshll.u32 v5, $0x10  }
0x203: {  	v5 =	vand.u32 $0xFFFF0000, v5;
	v14 =	vadd.f32 v60, v3;
	v3 =	vshll.u32 v10, $0x10  }
0x204: {  	v4 =	vadd.f32 v9, v4;
	v9 =	vld [tilespmem:s30+$0xC430];
	v10 =	vand.u32 $0xFFFF0000, v10;
	v1 =	vadd.f32 v3, v1  }
0x205: {  	v2 =	vadd.f32 v10, v2;
	v3 =	vand.u32 $0xFFFF0000, v6;
	v6 =	vshll.u32 v6, $0x10  }
0x206: {  	s22 =	sadd.s32 $0x1, s22;
	s1 =	simm.s32 $0x1;
	v62 =	vshll.u32 v13, $0x10;
	v10 =	vld [tilespmem:s30+$0xC470];
	v6 =	vadd.f32 v6, v8;
	v7 =	vadd.f32 v3, v7  }
0x207: {  	s1 =	simm.s32 @!p0 $0x0;
	p0 =	sne.s32 s22, $0x32;
	v8 =	vshll.u32 v15, $0x10;
	v1 =	vadd.f32 v61, v1;
	v3 =	vadd.f32 v5, v2  }
.Ltmp4:
0x208: {  	v5 =	vand.u32 $0xFFFF0000, v13;
	v2 =	vadd.f32 v8, v14;
	v6 =	vadd.f32 v62, v6;
	(pc) =	sbr.rel @p0 .LBB2_2-.Ltmp4, $4  }
0x209: {  	v5 =	vadd.f32 v5, v7;
	v63 =	vshll.u32 v9, $0x10;
	v8 =	vand.u32 $0xFFFF0000, v9  }
0x20a: {  	v7 =	vand.u32 $0xFFFF0000, v15;
	v9 =	vadd.f32 v63, v59;
	v8 =	vadd.f32 v8, v11  }
0x20b: {  	s31 =	sadd.s32 $0x380, s23;
	s1 =	sadd.s32 s1, s25;
	v4 =	vadd.f32 v7, v4;
	v11 =	vshll.u32 v10, $0x10;
	v7 =	vand.u32 $0xFFFF0000, v10  }
0x20c: {  	[tilespmem:s14], [sflag:$0x4] =	stream.indirect.gather [hbm4b:s3+s8], $0x40, s31, s8, $0xb8;
	v9 =	vadd.f32 v11, v9;
	v8 =	vadd.f32 v7, v8;
	[tilespmem:$0x11880] =	vst v63  }
0x20d: {  	v7 =	vor.u32 $0x1, v0  }
0x20e: {  	v10 =	vor.u32 $0x20, v0  }
0x20f: {  	v11 =	vor.u32 $0x21, v0  }
0x210: {  	v12 =	vor.u32 $0x40, v0  }
0x211: {  	[tilespmem:v0+s19+$0x0] =	vst.idx.msk $0xffff, v1;
	v1 =	vor.u32 $0x41, v0  }
0x212: {  	[tilespmem:v7+s19+$0x0] =	vst.idx.msk $0xffff, v3;
	v3 =	vor.u32 $0x60, v0  }
0x213: {  	v63 =	vor.u32 $0x61, v0;
	[tilespmem:v10+s19+$0x0] =	vst.idx.msk $0xffff, v6  }
0x214: {  	[tilespmem:v11+s19+$0x0] =	vst.idx.msk $0xffff, v5  }
0x215: {  	[tilespmem:v12+s19+$0x0] =	vst.idx.msk $0xffff, v2  }
0x216: {  	[tilespmem:v1+s19+$0x0] =	vst.idx.msk $0xffff, v4  }
0x217: {  	[tilespmem:v3+s19+$0x0] =	vst.idx.msk $0xffff, v9  }
0x218: {  	[tilespmem:v63+s19+$0x0] =	vst.idx.msk $0xffff, v8  }
0x219: {  	v1 =	vld [tilespmem:$0xE400]  }
0x21a: {  	v2 =	vld [tilespmem:$0xE410]  }
0x21b: {  	v3 =	vld [tilespmem:$0xE420]  }
0x21c: {  	v4 =	vld [tilespmem:$0xE430]  }
0x21d: {  	v5 =	vld [tilespmem:$0xE440]  }
0x21e: {  	[tilespmem:$0x11818] =	vst v1;
	v1 =	vld [tilespmem:$0xE450]  }
0x21f: {  	[tilespmem:$0x11828] =	vst v2;
	v2 =	vld [tilespmem:$0xE454]  }
0x220: {  	[tilespmem:$0x11838] =	vst v3  }
0x221: {  	[tilespmem:$0x11848] =	vst v4  }
0x222: {  	[tilespmem:$0x11858] =	vst v5  }
0x223: {  	[tilespmem:$0x11868] =	vst v1  }
0x224: {  	[tilespmem:$0x1186C] =	vst v2  }
0x225: {  	_ =	swait.ge [sflag:s15], $0x2000  }
0x226: {  	[sflag:s15] =	ssyncset.done $0x0  }
0x227: {  	[sflag:s15] =	ssyncadd.s32 $0xFFFFE000  }
0x228: {  	_ =	swait.ge [sflag:s16], $0x2000  }
0x229: {  	[sflag:s16] =	ssyncset.done $0x0  }
0x22a: {  	[sflag:s16] =	ssyncadd.s32 $0xFFFFE000  }
0x22b: {  	_ =	swait.ge [sflag:s17], $0x2000  }
0x22c: {  	[sflag:s17] =	ssyncset.done $0x0  }
0x22d: {  	[sflag:s17] =	ssyncadd.s32 $0xFFFFE000  }
0x22e: {  	s21 =	sadd.s32 $0x1, s21;
	_ =	swait.ge [sflag:s18], $0x2000  }
0x22f: {  	p0 =	sne.s32 s21, s6;
	[sflag:s18] =	ssyncset.done $0x0  }
.Ltmp5:
0x230: {  	[sflag:s18] =	ssyncadd.s32 $0xFFFFE000;
	(pc) =	sbr.rel @p0 .LBB2_1-.Ltmp5, $4  }
0x231: {  	[hbm4b:s5+s2] =	stream.linear.scatter [tilespmem:s20], [sflag:$0x5], $0x3400, $0x38;
	[tilespmem:$0x11880] =	vst v63  }
0x232: {  	_ =	swait.ge [sflag:s7], $0x3400  }
0x233: {  	[sflag:s7] =	ssyncset.done $0x0  }
0x234: {  	[sflag:s7] =	ssyncadd.s32 $0xFFFFCC00  }
0x235: {  	_ =	sfence.sel $0x180000  }
0x236: {  	[bflag:$0x0] =	sbarrier.arrive $0xFFFF  }
0x237: {  	_ =	strace $0x9000004D  }
0x238: {  	[bflag:$0x2] =	sbarrier.arrive $0xFFFF  }
0x239: {  	p0 =	sne.s32 s0, $0x0;
	s0 =	rddreg [dreg:$0x1]  }
0x23a: {  	s0 =	sadd.s32 @!p0 $0x100000, s0  }
0x23b: {  	[sflag:s0] =	ssyncadd.tile.s32 @!p0 $0x1;
	_ =	shalt  }
.Lfunc_end2:
_tile_overlayer_lowered:
.L_overlay_start_2:
0x23c: {  	(tag) =	ssettag $0x2  }
0x23d: {  	s0 =	rddreg [dreg:$0x0];
	s2 =	stileid.u32  }
0x23e: {  	s1 =	rddreg [dreg:$0x1];
	p0 =	sne.s32 s2, $0x0  }
0x23f: {  	s3 =	rddreg [dreg:$0x2];
	[bflag:$0x3] =	sbarrier.arrive $0xFFFF;
	s2 =	simm.s32 @!p0 $0x1C05  }
0x240: {  	[timem:s3], [sflag:s2] =	dma.local @!p0 [hbm:s0], s1  }
0x241: {  	s0 =	simm.s32 @!p0 $0x5  }
0x242: {  	_ =	swait.ge @!p0 [sflag:s0], s1  }
0x243: {  	s1 =	ssub.s32 @!p0 $0x0, s1;
	[sflag:s0] =	ssyncset.done @!p0 $0x0  }
0x244: {  	[sflag:s0] =	ssyncadd.s32 @!p0 s1  }
0x245: {  	[bflag:$0x3] =	sbarrier.arrive $0xFFFF  }
0x246: {  	_ =	shalt  }

// kernel: sparse-core-data-format-call.1.cloned.1.call-start
scs
called_computation.1_lowered:
.L_overlay_start_0:
0x0: {  	s1 =	sld [smem:$0x3FD9]  }
0x1: {  	s2 =	sld [smem:$0x3FFE];
	_ =	sdelay $0x1  }
0x2: {  	s3 =	srdreg.scid  }
0x3: {  	s0 =	sand.u32 $0x1, s3  }
0x4: {  	s17 =	sshll.u32 s0, $0xA;
	s1 =	sadd.s32 s2, s1  }
0x5: {  	s1 =	sadd.s32 s1, s17  }
0x6: {  	[smem:$0x3FC2] =	sst s1  }
0x7: {  	_ = 	snop  }
0x8: {  	(tm) =	ssettm $0x1  }
0x9: {  	s18 =	sld [smem:$0x3FFB];
	_ =	sdelay $0x3  }
0xa: {  	_ =	strace s18  }
0xb: {  	s1 =	sld [smem:$0x3FFC];
	_ =	sdelay $0x3  }
0xc: {  	_ =	strace s1  }
0xd: {  	s1 =	sld [smem:$0x3FFD];
	_ =	sdelay $0x3  }
0xe: {  	_ =	strace s1  }
0xf: {  	_ =	strace $0x8FFFFFFF  }
0x10: {  	s19 =	sld [smem:$0x3FDB];
	_ =	sdelay $0x1  }
0x11: {  	s20 =	simm.s32 $_scs_section_size  }
0x12: {  	s4 =	simm.s32 $_size__tile_overlayer_lowered;
	s5 =	simm.s32 $_tile_overlayer_lowered  }
0x13: {  	s23 =	simm.s32 $0x1BFF;
	s22 =	sshll.u32 s5, $0x1;
	s1 =	sadd.s32 s20, s19  }
0x14: {  	s6 =	simm.s32 $0x0;
	s21 =	sshll.u32 s4, $0x1;
	s4 =	sadd.s32 s22, s1  }
0x15: {  	[timem:s6], [sflag:s23] =	dma.local [hbm:s4], s21  }
0x16: {  	_ =	swait.ge [sflag:s23], s21  }
0x17: {  	s2 =	ssub.s32 $0x0, s21;
	[sflag:s23] =	ssyncset.done $0x0  }
0x18: {  	[sflag:s23] =	ssyncadd.s32 s2;
	_ =	sdelay $0x1  }
0x19: {  	s24 =	simm.s32 $0x1B8B  }
0x1a: {  	_ =	swait.ge [sflag:s24], $0x1  }
0x1b: {  	[sflag:s24] =	ssyncset.done $0x0  }
0x1c: {  	s26 =	simm.s32 $0x1B8E;
	s25 =	sld [smem:$0x3FFE];
	[sflag:s24] =	ssyncadd.s32 $0xFFFFFFFF  }
0x1d: {  	s27 =	simm.s32 $execute0_lowered;
	[smem:$0x3FD2] =	sst s26  }
0x1e: {  	s4 =	sshll.u32 s27, $0x1;
	_ =	strace $0x80000046;
	[dreg:$0x1] =	wrdreg $0xFFFFFFFF  }
0x1f: {  	s28 =	simm.s32 $_size_execute0_lowered;
	s1 =	sadd.s32 s1, s4;
	[dreg:$0x0] =	wrdreg $0x0  }
0x20: {  	s4 =	sshll.u32 s28, $0x1;
	[dreg:$0x2] =	wrdreg s1  }
0x21: {  	[dreg:$0x3] =	wrdreg s4  }
0x22: {  	[dreg:$0x4] =	wrdreg $0xC0  }
0x23: {  	_ =	task [dreg:s6], $0x5FFFF  }
0x24: {  	[dreg:$0x1] =	wrdreg $0xFFFFFFFF  }
0x25: {  	[dreg:$0x0] =	wrdreg $0x60  }
0x26: {  	[dreg:$0x2] =	wrdreg s25  }
0x27: {  	[dreg:$0x3] =	wrdreg $0x9  }
0x28: {  	_ =	task.clear_ibuf [dreg:s6], $0x4FFFF;
	_ =	strace $0x90000046  }
0x29: {  	s29 =	simm.s32 $0x9;
	_ =	strace $0x80000048  }
0x2a: {  	_ =	swait.ge [sflag:s29], $0x1  }
0x2b: {  	[sflag:s29] =	ssyncadd.s32 $0xFFFFFFFF  }
0x2c: {  	_ =	strace $0x90000048  }
0x2d: {  	_ =	sfence  }
0x2e: {  	s30 =	sld [smem:$0x0];
	_ =	sdelay $0x2  }
0x2f: {  	s31 =	sshll.u32 s3, $0xD;
	s3 =	sshrl.u32 s3, $0x2  }
0x30: {  	s2 =	sand.u32 $0x4000, s31;
	s1 =	sadd.s32 s3, s30  }
0x31: {  	s0 =	sor.u32 s2, s0;
	s1 =	sshll.u32 s1, $0x11  }
0x32: {  	s0 =	sor.u32 s1, s0  }
0x33: {  	s0 =	sadd.s32 $0x8F2B, s0  }
0x34: {  	[sflag:s0] =	ssyncadd.remote.s32 $0x1  }
0x35: {  	_ =	sfence.sel $0xFFFF  }
0x36: {  	[dreg:$0x0] =	wrdreg $0xFFFFFFFF;
	(pc) =	sbr.abs _section_cstart, $3  }
0x37: {  	[dreg:$0x1] =	wrdreg $0xFFFFFFFF  }
0x38: {  	_ =	task.clear_ibuf [dreg:s6], $0x2FFFF;
	_ =	strace $0x9FFFFFFF  }
0x39: {  	(tm) =	ssettm $0x7FFFFFFF  }
tec
execute0_lowered:
.L_overlay_start_1:
0x0: {  	(tag) =	ssettag $0x1  }
0x1: {  	s0 =	srdreg.scid  }
0x2: {  	s5 =	rddreg [dreg:$0x0];
	s1 =	sshll.u32 s0, $0x4  }
0x3: {  	s4 =	simm.s32 $0x1;
	s0 =	stileid.u32;
	s1 =	sand.u32 $0x10, s1  }
0x4: {  	s8 =	simm.s32 $0x2;
	s12 =	simm.s32 $0x0;
	s2 =	sor.u32 s0, s1  }
0x5: {  	s11 =	simm.s32 $0x0;
	s9 =	simm.s32 $0x0;
	s2 =	sshll.u32 s2, $0x7  }
0x6: {  	s10 =	simm.s32 $0x0;
	s3 =	sadd.s32 $0x1600, s5;
	s6 =	ssub.s32 $0x61A80, s2  }
.Ltmp0:
0x7: {  	s1 =	rddreg [dreg:$0x1];
	s7 =	sand.u32 $0xF80, s6;
	(pc) =	sbr.rel .LBB1_1-.Ltmp0, $4  }
0x8: {  	_ =	strace $0x80000047;
	p0 =	sne.s32 s7, $0x0;
	s7 =	simm.s32 $0x1  }
0x9: {  	[sflag:s4] =	ssyncpa.u1 $0x0;
	s6 =	sshrl.u32 s6, $0xC;
	s7 =	simm.s32 @!p0 $0x0  }
0xa: {  	s5 =	sadd.s32 $0x27C400, s5;
	[sflag:s8] =	ssyncpa.u1 $0x0;
	s6 =	sadd.s32 s7, s6  }
0xb: {  	s8 =	smov.u32 s2;
	p0 =	por $0x0, $0x0;
	s7 =	sadd.s32 $0x1, s6  }
.LBB1_4:
0xc: {  	s12 =	sshll.u32 s12, $0x7;
	s15 =	sshll.u32 s11, $0x3  }
0xd: {  	s16 =	sand.u32 $0xFFFFFC00, s12;
	s15 =	sand.u32 $0xFFFFFC00, s15  }
0xe: {  	s25 =	sshll.u32 s11, $0x1;
	v7 =	vperm.xlane.i2c.b16 v7;
	s12 =	sand.u32 $0x300, s12;
	s15 =	sadd.s32 s15, s16  }
0xf: {  	v12 =	vcombine.low v10, v9;
	[tilespmem:s14+$0x1021 ss:$0x81] =	vst.msk $0xffff, v8;
	v0 =	vcombine.high v1, v0;
	s12 =	sor.u32 s12, s15;
	s15 =	sand.u32 $0x80, s25  }
0x10: {  	s26 =	sadd.s32 s19, s13;
	s17 =	sshrl.u32 s18, $0x1;
	v3 =	vperm.xlane.i2c.b16 v3;
	v59 =	vcombine.high v10, v9;
	[tilespmem:s14+$0x0 ss:$0x81] =	vst.msk $0xffff, v11;
	s12 =	sor.u32 s15, s12  }
0x11: {  	v2 =	vperm.xlane.i2c.b16 v2;
	v5 =	vperm.xlane.i2c.b16 v5;
	s16 =	sadd.s32 s17, s26;
	[tilespmem:s14+$0x1 ss:$0x81] =	vst.msk $0xffff, v0;
	s12 =	sshrl.u32 s12, $0x7  }
0x12: {  	v61 =	vperm.xlane.i2c.b16 v6;
	v60 =	vcombine.low v7, v3;
	[tilespmem:s16+$0x1830 ss:$0x81] =	vst.msk $0xffff, v12;
	s27 =	smulhi.u32 $0x14F8B59, s12  }
0x13: {  	v62 =	vcombine.low v2, v5;
	[tilespmem:s16+$0x1831 ss:$0x81] =	vst.msk $0xffff, v59  }
0x14: {  	v63 =	vcombine.low v61, v4;
	[tilespmem:s16+$0x810 ss:$0x81] =	vst.msk $0xffff, v60;
	s28 =	sshrl.u32 s27, $0xB  }
0x15: {  	v3 =	vcombine.high v7, v3;
	[tilespmem:s16+$0x1020 ss:$0x81] =	vst.msk $0xffff, v62;
	s14 =	smul.u32 $0x61A80, s28  }
0x16: {  	s29 =	sshrl.u32 s11, $0x3;
	v2 =	vcombine.high v2, v5;
	[tilespmem:s16+$0x0 ss:$0x81] =	vst.msk $0xffff, v63  }
0x17: {  	s30 =	sand.u32 $0x7, s29;
	v0 =	vcombine.high v61, v4;
	[tilespmem:s16+$0x811 ss:$0x81] =	vst.msk $0xffff, v3;
	s12 =	ssub.s32 s12, s14  }
0x18: {  	[tilespmem:s16+$0x1021 ss:$0x81] =	vst.msk $0xffff, v2;
	s14 =	sadd.s32 s5, s30;
	s12 =	sshll.u32 s12, $0x3  }
0x19: {  	s31 =	sand.u32 $0x7, s11;
	[tilespmem:s16+$0x1 ss:$0x81] =	vst.msk $0xffff, v0;
	s12 =	sadd.s32 s12, s14  }
0x1a: {  	[hbm4b:s12+s31] =	stream.linear.scatter [tilespmem:s13], [sflag:$0x2], $0x2000, $0x20;
	[tilespmem:$0x8080] =	vst v63  }
.LBB1_5:
0x1b: {  	s13 =	sadd.s32 $0x1000, s8  }
0x1c: {  	s11 =	sadd.s32 $0x80, s9;
	s15 =	smov.u32 s9;
	p2 =	sgt.s32 s13, $0x61A7F  }
0x1d: {  	s15 =	smov.u32 @p2 s11  }
0x1e: {  	s13 =	smov.u32 @p2 s2;
	p2 =	sgt.s32 s15, $0x63  }
0x1f: {  	s15 =	simm.s32 @p2 $0x0;
	p2 =	sne.s32 s10, s7  }
.Ltmp1:
0x20: {  	p1 =	slt.u32 s10, $0x2;
	(pc) =	sbr.rel @!p2 .LBB1_6-.Ltmp1, $4  }
0x21: {  	s14 =	simm.s32 @!p1 $0x2  }
0x22: {  	s12 =	smov.u32 s8;
	p0 =	por !p0, !p0;
	_ =	swait.ge @!p1 [sflag:s14], $0x2000  }
0x23: {  	s11 =	smov.u32 s9;
	[sflag:s14] =	ssyncset.done @!p1 $0x0;
	s8 =	smov.u32 s13  }
0x24: {  	s10 =	sadd.s32 $0x1, s10;
	[sflag:s14] =	ssyncadd.s32 @!p1 $0xFFFFE000;
	s9 =	smov.u32 s15  }
.LBB1_1:
0x25: {  	p1 =	sge.u32 s10, s6  }
0x26: {  	s31 =	sadd.s32 $0xFFFFFFFF, s10;
	s13 =	sshrl.u32 @!p1 s9, $0x3  }
0x27: {  	s14 =	sshll.u32 @!p1 s8, $0x3;
	s15 =	sshll.u32 @!p1 s9, $0x7;
	p2 =	sgt.s32 @!p1 s9, $0xFFFFFFE8  }
0x28: {  	s16 =	sshra.s32 @!p1 s9, $0x1F;
	s17 =	sshra.s32 @!p1 s8, $0x1F;
	s13 =	smul.u32 @!p1 $0x30D400, s13  }
0x29: {  	s14 =	sand.u32 @!p1 $0xFFFFFC00, s14;
	p2 =	por !p2, p1;
	s16 =	sand.u32 @!p1 s16, s9  }
0x2a: {  	s13 =	sadd.s32 @!p1 s13, s14;
	s14 =	sand.u32 @!p1 $0x300, s15;
	s15 =	sshll.u32 @!p1 s8, $0x1  }
0x2b: {  	s13 =	sor.u32 @!p1 s14, s13;
	s14 =	sand.u32 @!p1 $0xFE, s15;
	s15 =	smov.u32 s9  }
0x2c: {  	s17 =	sand.u32 @!p1 s17, s8;
	s13 =	sor.u32 @!p1 s14, s13;
	s15 =	simm.s32 @p2 $0xFFFFFFE8  }
0x2d: {  	p2 =	sgt.s32 @!p1 s8, $0x61A00;
	s14 =	sshrl.u32 @!p1 s13, $0x7;
	s15 =	ssub.s32 @!p1 s15, s16  }
0x2e: {  	p2 =	por !p2, p1;
	s16 =	smov.u32 s8;
	s14 =	smulhi.u32 @!p1 $0x14F8B59, s14  }
0x2f: {  	s18 =	sadd.s32 @!p1 $0x18, s15;
	s16 =	simm.s32 @p2 $0x61A00;
	s15 =	ssub.s32 @!p1 $0x68, s15  }
0x30: {  	p2 =	sgt.s32 @!p1 s18, $0x7F;
	s16 =	ssub.s32 @!p1 s16, s17;
	s14 =	sshrl.u32 @!p1 s14, $0x4  }
0x31: {  	p2 =	por !p2, p1;
	s17 =	sadd.s32 @!p1 $0xFFF9E600, s16;
	s19 =	smul.u32 @!p1 $0x2763, s14  }
0x32: {  	s16 =	ssub.s32 @!p1 $0x61A80, s16;
	s15 =	simm.s32 @!p2 $0x0;
	p2 =	sgt.s32 @!p1 s17, $0x7F  }
0x33: {  	p2 =	por !p2, p1;
	s18 =	sshrl.u32 @!p1 s19, $0x14;
	s19 =	smul.u32 @!p1 $0x61A80, s14  }
0x34: {  	s16 =	simm.s32 @!p2 $0x0;
	s17 =	smul.u32 @!p1 $0x68, s18;
	s18 =	sand.u32 @!p1 $0x1, s9  }
0x35: {  	s15 =	smul.u32 @!p1 s15, s16;
	s16 =	sxor.u32 @!p1 $0xFFFFFFFF, s10;
	s13 =	sor.u32 @!p1 s18, s13  }
0x36: {  	s16 =	sshll.u32 @!p1 s16, $0xD;
	s14 =	ssub.s32 @!p1 s14, s17;
	s13 =	ssub.s32 @!p1 s13, s19  }
0x37: {  	s15 =	sshrl.u32 @!p1 s15, $0x1;
	s16 =	sand.u32 @!p1 $0x2000, s16;
	s14 =	sand.u32 @!p1 $0xFFFF, s14  }
0x38: {  	s17 =	sshrl.u32 @!p1 s13, $0x4;
	s13 =	sshll.u32 @!p1 s13, $0x11;
	s14 =	smul.u32 @!p1 $0x61A8, s14  }
0x39: {  	s15 =	sand.u32 @!p1 $0x3FFFFFFF, s15;
	s17 =	sadd.s32 @!p1 s3, s17;
	s13 =	sand.u32 @!p1 $0x1C0000, s13  }
0x3a: {  	s13 =	sor.u32 @!p1 $0x200, s13;
	s14 =	sadd.s32 @!p1 s14, s17;
	s17 =	simm.s32 @!p1 $0x186A00  }
0x3b: {  	[tilespmem:s16], [sflag:$0x1] =	stream.strided.gather @!p1 [hbm4b:s14+s13], s15, s17, s13, $0x38;
	[tilespmem:$0x8080] =	vst v63  }
0x3c: {  	p1 =	sge.u32 s31, s6  }
.Ltmp2:
0x3d: {  	_ = 	snop;
	(pc) =	sbr.rel @p1 .LBB1_5-.Ltmp2, $1  }
0x3e: {  	_ =	sdelay $0x3  }
0x3f: {  	p1 =	sgt.s32 s11, $0xFFFFFFE8  }
0x40: {  	s13 =	smov.u32 s11;
	s14 =	sshra.s32 s11, $0x1F;
	s15 =	smov.u32 s12  }
0x41: {  	s16 =	sshra.s32 s12, $0x1F;
	s13 =	simm.s32 @!p1 $0xFFFFFFE8;
	p1 =	sgt.s32 s12, $0x61A00  }
0x42: {  	s14 =	sand.u32 s14, s11;
	s25 =	sand.u32 s16, s12;
	s15 =	simm.s32 @!p1 $0x61A00  }
0x43: {  	s13 =	ssub.s32 s13, s14;
	s14 =	ssub.s32 s15, s25  }
0x44: {  	s26 =	sadd.s32 $0x18, s13;
	s13 =	ssub.s32 $0x68, s13;
	s15 =	sadd.s32 $0xFFF9E600, s14  }
0x45: {  	p1 =	sgt.s32 s26, $0x7F;
	s14 =	ssub.s32 $0x61A80, s14;
	p2 =	sgt.s32 s15, $0x7F  }
0x46: {  	s13 =	simm.s32 @p1 $0x0;
	s14 =	simm.s32 @p2 $0x0  }
0x47: {  	s13 =	smul.u32 s13, s14;
	_ =	sdelay $0x1  }
0x48: {  	s13 =	sshrl.u32 s13, $0x1  }
0x49: {  	s14 =	simm.s32 $0x1;
	s13 =	sand.u32 $0x3FFFFFFF, s13  }
0x4a: {  	s14 =	simm.s32 @!p0 $0x0;
	_ =	swait.ge [sflag:s4], s13  }
0x4b: {  	s14 =	sshll.u32 s14, $0xD;
	s13 =	ssub.s32 $0x0, s13;
	[sflag:s4] =	ssyncset.done $0x0  }
0x4c: {  	s14 =	sor.u32 $0x40, s14;
	[sflag:s4] =	ssyncadd.s32 s13  }
0x4d: {  	v0 =	vld [tilespmem:s14+$0x20]  }
0x4e: {  	v1 =	vld [tilespmem:s14+$0x30]  }
0x4f: {  	v2 =	vld [tilespmem:s14+$0xFFFFFFD0]  }
0x50: {  	v3 =	vld [tilespmem:s14+$0xFFFFFFE0]  }
0x51: {  	v4 =	vld [tilespmem:s14+$0xFFFFFFF0]  }
0x52: {  	s27 =	sand.u32 $0x1, s10;
	v5 =	vld [tilespmem:s14+$0x0]  }
0x53: {  	s13 =	smul.u32 $0x8100, s27;
	v6 =	vld [tilespmem:s14+$0x10]  }
0x54: {  	s28 =	simm.s32 $0x0;
	s17 =	sadd.s32 $0x80, s14;
	v1 =	vperm.xlane.i2c.b16 v1  }
0x55: {  	s29 =	sand.u32 $0x7C, s28;
	v9 =	vld [tilespmem:s17+$0x30];
	s13 =	sshrl.u32 s13, $0x2;
	v7 =	vperm.xlane.i2c.b16 v0;
	v0 =	vperm.xlane.i2c.b16 v2  }
0x56: {  	s30 =	sand.u32 $0x80, s28;
	s31 =	sshrl.u32 s29, $0x1;
	v8 =	vld [tilespmem:s14+$0xFFFFFFC0];
	s13 =	sor.u32 $0x4000, s13;
	v2 =	vperm.xlane.i2c.b16 v3;
	v4 =	vperm.xlane.i2c.b16 v4  }
0x57: {  	v10 =	vld [tilespmem:s17+$0x20];
	s14 =	sshrl.u32 s30, $0x1;
	s15 =	sadd.s32 s31, s13;
	v5 =	vperm.xlane.i2c.b16 v5;
	v3 =	vcombine.low v7, v1  }
0x58: {  	v11 =	vld [tilespmem:s17+$0xFFFFFFD0];
	s14 =	sadd.s32 s14, s15;
	v6 =	vperm.xlane.i2c.b16 v6;
	v12 =	vcombine.low v2, v4  }
0x59: {  	v1 =	vcombine.high v7, v1;
	v7 =	vld [tilespmem:s17+$0xFFFFFFE0];
	[tilespmem:s14+$0x1830 ss:$0x81] =	vst.msk $0xffff, v3  }
0x5a: {  	v9 =	vperm.xlane.i2c.b16 v9;
	v63 =	vcombine.low v5, v6;
	v3 =	vld [tilespmem:s17+$0xFFFFFFF0];
	[tilespmem:s14+$0x810 ss:$0x81] =	vst.msk $0xffff, v12  }
0x5b: {  	s15 =	simm.s32 $0x4;
	v4 =	vcombine.high v2, v4;
	v2 =	vld [tilespmem:s17+$0x0];
	[tilespmem:s14+$0x1831 ss:$0x81] =	vst.msk $0xffff, v1;
	v1 =	vperm.xlane.i2c.b16 v8  }
0x5c: {  	s16 =	simm.s32 $0x2;
	s19 =	sand.u32 $0x7C, s15;
	v10 =	vperm.xlane.i2c.b16 v10;
	[tilespmem:s14+$0x1020 ss:$0x81] =	vst.msk $0xffff, v63;
	v8 =	vcombine.high v5, v6;
	v5 =	vld [tilespmem:s17+$0x10]  }
0x5d: {  	s18 =	sand.u32 $0x80, s15;
	s19 =	sshrl.u32 s19, $0x1;
	[tilespmem:s14+$0x811 ss:$0x81] =	vst.msk $0xffff, v4;
	v6 =	vld [tilespmem:s17+$0xFFFFFFC0];
	v4 =	vperm.xlane.i2c.b16 v11;
	s17 =	sadd.s32 $0x80, s17;
	v11 =	vcombine.low v1, v0  }
.LBB1_3:
0x5e: {  	v12 =	vld [tilespmem:s17+$0x20];
	s19 =	sadd.s32 s19, s13;
	s18 =	sshrl.u32 s18, $0x1;
	v13 =	vperm.xlane.i2c.b16 v7;
	v7 =	vcombine.low v10, v9;
	[tilespmem:s14+$0x1021 ss:$0x81] =	vst.msk $0xffff, v8  }
0x5f: {  	v8 =	vperm.xlane.i2c.b16 v3;
	v3 =	vcombine.high v10, v9;
	s16 =	sadd.s32 $0x2, s16;
	v14 =	vld [tilespmem:s17+$0x30];
	s18 =	sadd.s32 s18, s19;
	[tilespmem:s14+$0x0 ss:$0x81] =	vst.msk $0xffff, v11  }
0x60: {  	v9 =	vperm.xlane.i2c.b16 v2;
	v2 =	vcombine.high v1, v0;
	v0 =	vmov v4;
	p1 =	slt.u32 s16, $0x7E;
	v11 =	vld [tilespmem:s17+$0xFFFFFFD0];
	[tilespmem:s18+$0x1830 ss:$0x81] =	vst.msk $0xffff, v7  }
.Ltmp3:
0x61: {  	v5 =	vperm.xlane.i2c.b16 v5;
	v4 =	vcombine.low v13, v8;
	v7 =	vld [tilespmem:s17+$0xFFFFFFE0];
	[tilespmem:s18+$0x1831 ss:$0x81] =	vst.msk $0xffff, v3;
	(pc) =	sbr.rel @p1 .LBB1_3-.Ltmp3, $4  }
0x62: {  	v1 =	vperm.xlane.i2c.b16 v6;
	v6 =	vcombine.high v13, v8;
	v3 =	vld [tilespmem:s17+$0xFFFFFFF0];
	[tilespmem:s14+$0x1 ss:$0x81] =	vst.msk $0xffff, v2;
	s14 =	smov.u32 s18  }
0x63: {  	s15 =	sadd.s32 $0x4, s15;
	v13 =	vcombine.low v9, v5;
	v8 =	vcombine.high v9, v5;
	v2 =	vld [tilespmem:s17+$0x0];
	[tilespmem:s14+$0x810 ss:$0x81] =	vst.msk $0xffff, v4  }
0x64: {  	s19 =	sand.u32 $0x7C, s15;
	v10 =	vperm.xlane.i2c.b16 v12;
	v5 =	vld [tilespmem:s17+$0x10];
	v9 =	vperm.xlane.i2c.b16 v14;
	[tilespmem:s14+$0x811 ss:$0x81] =	vst.msk $0xffff, v6  }
0x65: {  	s19 =	sshrl.u32 s19, $0x1;
	s18 =	sand.u32 $0x80, s15;
	v6 =	vld [tilespmem:s17+$0xFFFFFFC0];
	v4 =	vperm.xlane.i2c.b16 v11;
	s17 =	sadd.s32 $0x80, s17;
	v11 =	vcombine.low v1, v0;
	[tilespmem:s14+$0x1020 ss:$0x81] =	vst.msk $0xffff, v13  }
.Ltmp4:
0x66: {  	_ = 	snop;
	(pc) =	sbr.rel .LBB1_4-.Ltmp4, $1  }
0x67: {  	_ =	sdelay $0x3  }
.LBB1_6:
0x68: {  	_ =	sfence.sel $0x180000  }
0x69: {  	s2 =	simm.s32 $0x1;
	[bflag:$0x0] =	sbarrier.arrive $0xFFFF  }
0x6a: {  	s31 =	simm.s32 $0x2;
	[sflag:s2] =	ssyncpa.u1 $0x1  }
0x6b: {  	[sflag:s31] =	ssyncpa.u1 $0x1  }
0x6c: {  	p0 =	sne.s32 s0, $0x0;
	_ =	strace $0x90000047  }
0x6d: {  	s0 =	sadd.s32 @!p0 $0x100000, s1;
	[bflag:$0x2] =	sbarrier.arrive $0xFFFF  }
0x6e: {  	[sflag:s0] =	ssyncadd.tile.s32 @!p0 $0x1;
	_ =	shalt  }
.Lfunc_end1:
_tile_overlayer_lowered:
.L_overlay_start_2:
0x6f: {  	(tag) =	ssettag $0x2  }
0x70: {  	s0 =	rddreg [dreg:$0x0];
	s2 =	stileid.u32  }
0x71: {  	s1 =	rddreg [dreg:$0x1];
	p0 =	sne.s32 s2, $0x0  }
0x72: {  	s3 =	rddreg [dreg:$0x2];
	[bflag:$0x3] =	sbarrier.arrive $0xFFFF;
	s2 =	simm.s32 @!p0 $0x1C01  }
0x73: {  	[timem:s3], [sflag:s2] =	dma.local @!p0 [hbm:s0], s1  }
0x74: {  	s0 =	simm.s32 @!p0 $0x1  }
0x75: {  	_ =	swait.ge @!p0 [sflag:s0], s1  }
0x76: {  	s1 =	ssub.s32 @!p0 $0x0, s1;
	[sflag:s0] =	ssyncset.done @!p0 $0x0  }
0x77: {  	[sflag:s0] =	ssyncadd.s32 @!p0 s1  }
0x78: {  	[bflag:$0x3] =	sbarrier.arrive $0xFFFF  }
0x79: {  	_ =	shalt  }

// kernel: sparse-core-data-format-call.cloned.1.call-start
scs
called_computation_lowered:
.L_overlay_start_0:
0x0: {  	s1 =	sld [smem:$0x3FD9]  }
0x1: {  	s2 =	sld [smem:$0x3FFE];
	_ =	sdelay $0x1  }
0x2: {  	s3 =	srdreg.scid  }
0x3: {  	s0 =	sand.u32 $0x1, s3  }
0x4: {  	s17 =	sshll.u32 s0, $0xA;
	s1 =	sadd.s32 s2, s1  }
0x5: {  	s1 =	sadd.s32 s1, s17  }
0x6: {  	[smem:$0x3FC2] =	sst s1  }
0x7: {  	_ = 	snop  }
0x8: {  	(tm) =	ssettm $0x1  }
0x9: {  	s18 =	sld [smem:$0x3FFB];
	_ =	sdelay $0x3  }
0xa: {  	_ =	strace s18  }
0xb: {  	s1 =	sld [smem:$0x3FFC];
	_ =	sdelay $0x3  }
0xc: {  	_ =	strace s1  }
0xd: {  	s1 =	sld [smem:$0x3FFD];
	_ =	sdelay $0x3  }
0xe: {  	_ =	strace s1  }
0xf: {  	_ =	strace $0x8FFFFFFF  }
0x10: {  	s19 =	sld [smem:$0x3FDB];
	_ =	sdelay $0x1  }
0x11: {  	s20 =	simm.s32 $_scs_section_size  }
0x12: {  	s4 =	simm.s32 $_size__tile_overlayer_lowered;
	s5 =	simm.s32 $_tile_overlayer_lowered  }
0x13: {  	s23 =	simm.s32 $0x1BFF;
	s22 =	sshll.u32 s5, $0x1;
	s1 =	sadd.s32 s20, s19  }
0x14: {  	s6 =	simm.s32 $0x0;
	s21 =	sshll.u32 s4, $0x1;
	s4 =	sadd.s32 s22, s1  }
0x15: {  	[timem:s6], [sflag:s23] =	dma.local [hbm:s4], s21  }
0x16: {  	_ =	swait.ge [sflag:s23], s21  }
0x17: {  	s2 =	ssub.s32 $0x0, s21;
	[sflag:s23] =	ssyncset.done $0x0  }
0x18: {  	[sflag:s23] =	ssyncadd.s32 s2;
	_ =	sdelay $0x1  }
0x19: {  	s24 =	simm.s32 $0x1B8B  }
0x1a: {  	_ =	swait.ge [sflag:s24], $0x1  }
0x1b: {  	[sflag:s24] =	ssyncset.done $0x0  }
0x1c: {  	s26 =	simm.s32 $0x1B8E;
	s25 =	sld [smem:$0x3FFE];
	[sflag:s24] =	ssyncadd.s32 $0xFFFFFFFF  }
0x1d: {  	s27 =	simm.s32 $execute0_lowered;
	[smem:$0x3FD2] =	sst s26  }
0x1e: {  	s4 =	sshll.u32 s27, $0x1;
	_ =	strace $0x80000049;
	[dreg:$0x1] =	wrdreg $0xFFFFFFFF  }
0x1f: {  	s28 =	simm.s32 $_size_execute0_lowered;
	s1 =	sadd.s32 s1, s4;
	[dreg:$0x0] =	wrdreg $0x0  }
0x20: {  	s4 =	sshll.u32 s28, $0x1;
	[dreg:$0x2] =	wrdreg s1  }
0x21: {  	[dreg:$0x3] =	wrdreg s4  }
0x22: {  	[dreg:$0x4] =	wrdreg $0xC0  }
0x23: {  	_ =	task [dreg:s6], $0x5FFFF  }
0x24: {  	[dreg:$0x1] =	wrdreg $0xFFFFFFFF  }
0x25: {  	[dreg:$0x0] =	wrdreg $0x60  }
0x26: {  	[dreg:$0x2] =	wrdreg s25  }
0x27: {  	[dreg:$0x3] =	wrdreg $0x9  }
0x28: {  	_ =	task.clear_ibuf [dreg:s6], $0x4FFFF;
	_ =	strace $0x90000049  }
0x29: {  	s29 =	simm.s32 $0x9;
	_ =	strace $0x8000004B  }
0x2a: {  	_ =	swait.ge [sflag:s29], $0x1  }
0x2b: {  	[sflag:s29] =	ssyncadd.s32 $0xFFFFFFFF  }
0x2c: {  	_ =	strace $0x9000004B  }
0x2d: {  	_ =	sfence  }
0x2e: {  	s30 =	sld [smem:$0x0];
	_ =	sdelay $0x2  }
0x2f: {  	s31 =	sshll.u32 s3, $0xD;
	s3 =	sshrl.u32 s3, $0x2  }
0x30: {  	s2 =	sand.u32 $0x4000, s31;
	s1 =	sadd.s32 s3, s30  }
0x31: {  	s0 =	sor.u32 s2, s0;
	s1 =	sshll.u32 s1, $0x11  }
0x32: {  	s0 =	sor.u32 s1, s0  }
0x33: {  	s0 =	sadd.s32 $0x8F2B, s0  }
0x34: {  	[sflag:s0] =	ssyncadd.remote.s32 $0x1  }
0x35: {  	_ =	sfence.sel $0xFFFF  }
0x36: {  	[dreg:$0x0] =	wrdreg $0xFFFFFFFF;
	(pc) =	sbr.abs _section_cstart, $3  }
0x37: {  	[dreg:$0x1] =	wrdreg $0xFFFFFFFF  }
0x38: {  	_ =	task.clear_ibuf [dreg:s6], $0x2FFFF;
	_ =	strace $0x9FFFFFFF  }
0x39: {  	(tm) =	ssettm $0x7FFFFFFF  }
tec
execute0_lowered:
.L_overlay_start_1:
0x0: {  	(tag) =	ssettag $0x1  }
0x1: {  	s0 =	srdreg.scid  }
0x2: {  	s5 =	rddreg [dreg:$0x0];
	s1 =	stileid.u32;
	s4 =	simm.s32 $0x1  }
0x3: {  	s6 =	simm.s32 $0x2;
	s8 =	simm.s32 $0x0;
	s2 =	sshll.u32 s0, $0x4  }
0x4: {  	s9 =	simm.s32 $0x0;
	s13 =	simm.s32 $0x0;
	s2 =	sand.u32 $0x10, s2  }
.Ltmp0:
0x5: {  	s10 =	simm.s32 $0x0;
	s3 =	sor.u32 s1, s2;
	(pc) =	sbr.rel .LBB1_1-.Ltmp0, $4  }
0x6: {  	s0 =	rddreg [dreg:$0x1];
	_ =	strace $0x8000004A;
	s3 =	sshll.u32 s3, $0x4  }
0x7: {  	s12 =	simm.s32 $0x0;
	[sflag:s4] =	ssyncpa.u1 $0x0;
	s7 =	ssub.s32 $0x61A0, s3  }
0x8: {  	s2 =	sadd.s32 $0x30EA00, s5;
	[sflag:s6] =	ssyncpa.u1 $0x0;
	s6 =	sshrl.u32 s7, $0x9  }
0x9: {  	s5 =	sadd.s32 $0x1600, s5;
	s11 =	smov.u32 s3;
	s7 =	sadd.s32 $0x2, s6  }
.LBB1_7:
0xa: {  	s15 =	sshll.u32 s12, $0xF  }
0xb: {  	s15 =	sand.u32 $0x8000, s15  }
0xc: {  	s16 =	sshll.u32 s10, $0x7;
	s15 =	sshrl.u32 s15, $0x1  }
0xd: {  	s16 =	sadd.s32 s5, s16;
	s15 =	sor.u32 $0x8000, s15  }
0xe: {  	[hbm4b:s16+s8] =	stream.linear.scatter [tilespmem:s15], [sflag:$0x2], s14, $0x38;
	[tilespmem:$0x10000] =	vst v63  }
.LBB1_8:
0xf: {  	p0 =	slt.u32 s12, $0x2  }
0x10: {  	p1 =	sgt.s32 @!p0 s13, $0x6198  }
0x11: {  	s14 =	smov.u32 s13;
	s15 =	sshra.s32 @!p0 s13, $0x1F;
	p1 =	por !p1, p0  }
0x12: {  	s13 =	sand.u32 @!p0 s15, s13;
	s14 =	simm.s32 @p1 $0x6198  }
0x13: {  	s13 =	ssub.s32 @!p0 s14, s13  }
0x14: {  	s13 =	sadd.s32 @!p0 $0xFFFF9E68, s13  }
0x15: {  	s14 =	sshll.u32 @!p0 s13, $0xC  }
0x16: {  	p1 =	sgt.s32 @!p0 s13, $0xF;
	s13 =	ssub.s32 @!p0 $0x10000, s14  }
0x17: {  	s15 =	sadd.s32 $0x200, s11;
	p1 =	por !p1, p0;
	s13 =	sshrl.u32 @!p0 s13, $0x2  }
0x18: {  	s13 =	simm.s32 @!p1 $0x0;
	p1 =	sgt.s32 s15, $0x61A7  }
0x19: {  	s15 =	smov.u32 @p1 s3;
	p1 =	sne.s32 s12, s7  }
.Ltmp1:
0x1a: {  	_ = 	snop;
	(pc) =	sbr.rel @!p1 .LBB1_9-.Ltmp1, $4  }
0x1b: {  	s14 =	simm.s32 @!p0 $0x2  }
0x1c: {  	s9 =	sadd.s32 $0x8000, s9;
	_ =	swait.ge @!p0 [sflag:s14], s13;
	s16 =	ssub.s32 @!p0 $0x0, s13  }
0x1d: {  	s13 =	smov.u32 s10;
	s12 =	sadd.s32 $0x1, s12;
	[sflag:s14] =	ssyncset.done @!p0 $0x0  }
0x1e: {  	s10 =	smov.u32 s11;
	s11 =	smov.u32 s15;
	[sflag:s14] =	ssyncadd.s32 @!p0 s16  }
.LBB1_1:
0x1f: {  	p0 =	sgt.u32 s12, s6  }
0x20: {  	p1 =	sgt.s32 @!p0 s11, $0x6198  }
0x21: {  	s14 =	smov.u32 s11;
	s15 =	sshra.s32 @!p0 s11, $0x1F;
	p1 =	por !p1, p0  }
0x22: {  	s15 =	sand.u32 @!p0 s15, s11;
	s14 =	simm.s32 @p1 $0x6198  }
0x23: {  	s14 =	ssub.s32 @!p0 s14, s15  }
0x24: {  	s14 =	sadd.s32 @!p0 $0xFFFF9E68, s14  }
0x25: {  	s16 =	sshll.u32 @!p0 s11, $0x7;
	s17 =	simm.s32 @!p0 $0x0;
	s15 =	sshll.u32 @!p0 s14, $0xC  }
0x26: {  	p1 =	sgt.s32 @!p0 s14, $0xF;
	s14 =	ssub.s32 @!p0 $0x10000, s15;
	s15 =	sxor.u32 @!p0 $0xFFFFFFFF, s12  }
0x27: {  	p1 =	por !p1, p0;
	s14 =	sshrl.u32 @!p0 s14, $0x2;
	s15 =	sshll.u32 @!p0 s15, $0xE  }
0x28: {  	s16 =	sadd.s32 @!p0 s2, s16;
	s14 =	simm.s32 @!p1 $0x0;
	s15 =	sand.u32 @!p0 $0x4000, s15  }
0x29: {  	[tilespmem:s15], [sflag:$0x1] =	stream.linear.gather @!p0 [hbm4b:s16+s17], s14, $0x38;
	[tilespmem:$0x10000] =	vst v63  }
0x2a: {  	p0 =	seq.s32 s12, $0x0  }
0x2b: {  	p1 =	sge.u32 @!p0 s12, s7  }
0x2c: {  	p0 =	por p0, p1  }
.Ltmp2:
0x2d: {  	_ = 	snop;
	(pc) =	sbr.rel @p0 .LBB1_8-.Ltmp2, $1  }
0x2e: {  	_ =	sdelay $0x3  }
0x2f: {  	p0 =	sgt.s32 s10, $0x6198;
	s14 =	smov.u32 s10;
	s15 =	sshra.s32 s10, $0x1F  }
0x30: {  	s14 =	simm.s32 @!p0 $0x6198;
	s15 =	sand.u32 s15, s10  }
0x31: {  	s14 =	ssub.s32 s14, s15  }
0x32: {  	s16 =	sadd.s32 $0x10, s10;
	s14 =	sadd.s32 $0xFFFF9E68, s14  }
0x33: {  	p1 =	slt.s32 s16, $0x61A8;
	s30 =	sshll.u32 s14, $0xC  }
0x34: {  	s16 =	simm.s32 @!p1 $0x61A8;
	s15 =	ssub.s32 $0x10000, s30  }
0x35: {  	p0 =	sgt.s32 s14, $0xF;
	s14 =	sshrl.u32 s15, $0x2;
	s15 =	ssub.s32 s16, s10  }
0x36: {  	s14 =	simm.s32 @p0 $0x0;
	p0 =	slt.s32 s15, $0x1  }
.Ltmp3:
0x37: {  	_ = 	snop;
	(pc) =	sbr.rel @p0 .LBB1_7-.Ltmp3, $4  }
0x38: {  	_ = 	snop  }
0x39: {  	_ =	swait.ge [sflag:s4], s14  }
0x3a: {  	s31 =	ssub.s32 $0x0, s14;
	[sflag:s4] =	ssyncset.done $0x0  }
0x3b: {  	[sflag:s4] =	ssyncadd.s32 s31  }
0x3c: {  	s16 =	sshrl.u32 s9, $0x1  }
0x3d: {  	s17 =	sand.u32 $0x4000, s16  }
0x3e: {  	s18 =	simm.s32 $0x0;
	s16 =	sor.u32 $0x200, s17;
	s17 =	sor.u32 $0x8080, s17  }
.LBB1_4:
0x3f: {  	v0 =	vld [tilespmem:s16+$0xFFFFFE70]  }
0x40: {  	v1 =	vld [tilespmem:s16+$0x70]  }
0x41: {  	v2 =	vld [tilespmem:s16+$0x0]  }
0x42: {  	v3 =	vld [tilespmem:s16+$0xFFFFFE10]  }
0x43: {  	v4 =	vld [tilespmem:s16+$0x10]  }
0x44: {  	v5 =	vld [tilespmem:s16+$0xFFFFFE20]  }
0x45: {  	v7 =	vld [tilespmem:s16+$0x20]  }
0x46: {  	v11 =	vld [tilespmem:s16+$0x30];
	v6 =	vunpack.i.l.s16.s32 v0;
	v8 =	vunpack.i.u.s16.s32 v0;
	v9 =	vunpack.i.u.s16.s32 v1  }
0x47: {  	v10 =	vunpack.i.l.s16.s32 v1;
	v0 =	vunpack.i.u.s16.s32 v2;
	v1 =	vunpack.i.l.s16.s32 v2;
	v2 =	vld [tilespmem:s16+$0xFFFFFE30]  }
0x48: {  	v8 =	vpack.i.b32.b16 v9, v8;
	v9 =	vunpack.i.u.s16.s32 v3;
	v3 =	vunpack.i.l.s16.s32 v3  }
0x49: {  	v12 =	vld [tilespmem:s16+$0xFFFFFE40];
	v6 =	vpack.i.b32.b16 v10, v6;
	[tilespmem:s17+$0x70] =	vst v8;
	v8 =	vunpack.i.u.s16.s32 v4;
	v4 =	vunpack.i.l.s16.s32 v4  }
0x4a: {  	v13 =	vld [tilespmem:s16+$0x40];
	v10 =	vunpack.i.u.s16.s32 v5;
	v5 =	vunpack.i.l.s16.s32 v5;
	[tilespmem:s17+$0xFFFFFFF0] =	vst v6;
	v3 =	vpack.i.b32.b16 v4, v3  }
0x4b: {  	v6 =	vunpack.i.l.s16.s32 v7;
	v4 =	vld [tilespmem:s16+$0xFFFFFE50];
	[tilespmem:s17+$0xFFFFFF90] =	vst v3;
	v3 =	vpack.i.b32.b16 v8, v9;
	v8 =	vunpack.i.u.s16.s32 v7  }
0x4c: {  	v7 =	vunpack.i.l.s16.s32 v11;
	[tilespmem:s17+$0x10] =	vst v3;
	v3 =	vpack.i.b32.b16 v6, v5;
	v9 =	vunpack.i.u.s16.s32 v2;
	v6 =	vld [tilespmem:s16+$0x50]  }
0x4d: {  	v5 =	vunpack.i.l.s16.s32 v2;
	v2 =	vld [tilespmem:s16+$0xFFFFFE60];
	[tilespmem:s17+$0xFFFFFFA0] =	vst v3;
	v3 =	vpack.i.b32.b16 v8, v10;
	v10 =	vunpack.i.u.s16.s32 v11  }
0x4e: {  	s21 =	simm.s32 $0x0;
	v11 =	vpack.i.b32.b16 v7, v5;
	v7 =	vunpack.i.u.s16.s32 v12;
	v8 =	vunpack.i.l.s16.s32 v12;
	[tilespmem:s17+$0x20] =	vst v3;
	v3 =	vld [tilespmem:s16+$0x60]  }
0x4f: {  	s22 =	sadd.s32 $0x80, s16;
	s20 =	smov.u32 s17;
	s19 =	smov.u32 s17;
	v5 =	vld [tilespmem:s16+$0xFFFFFE00];
	[tilespmem:s17+$0xFFFFFFB0] =	vst v11;
	v10 =	vpack.i.b32.b16 v10, v9;
	v9 =	vunpack.i.u.s16.s32 v13;
	v11 =	vunpack.i.l.s16.s32 v13  }
.LBB1_5:
0x50: {  	v12 =	vld [tilespmem:s22+$0xFFFFFE70];
	[tilespmem:s20+$0x30] =	vst v10;
	v8 =	vpack.i.b32.b16 v11, v8;
	v10 =	vunpack.i.u.s16.s32 v4;
	v4 =	vunpack.i.l.s16.s32 v4  }
0x51: {  	s21 =	sadd.s32 $0x2, s21;
	v7 =	vpack.i.b32.b16 v9, v7;
	v11 =	vld [tilespmem:s22+$0x70];
	[tilespmem:s20+$0xFFFFFFC0] =	vst v8;
	v8 =	vunpack.i.u.s16.s32 v6;
	v6 =	vunpack.i.l.s16.s32 v6  }
0x52: {  	p0 =	slt.u32 s21, $0x6;
	v9 =	vld [tilespmem:s22+$0x0];
	[tilespmem:s20+$0x40] =	vst v7;
	v4 =	vpack.i.b32.b16 v6, v4;
	v6 =	vunpack.i.u.s16.s32 v2;
	v2 =	vunpack.i.l.s16.s32 v2  }
0x53: {  	v7 =	vld [tilespmem:s22+$0xFFFFFE10];
	[tilespmem:s20+$0xFFFFFFD0] =	vst v4;
	v4 =	vpack.i.b32.b16 v8, v10;
	v8 =	vunpack.i.u.s16.s32 v3;
	v3 =	vunpack.i.l.s16.s32 v3  }
0x54: {  	v10 =	vld [tilespmem:s22+$0x10];
	v13 =	vunpack.i.u.s16.s32 v5;
	v5 =	vunpack.i.l.s16.s32 v5;
	[tilespmem:s20+$0x50] =	vst v4;
	v2 =	vpack.i.b32.b16 v3, v2  }
0x55: {  	v3 =	vld [tilespmem:s22+$0xFFFFFE20];
	v4 =	vunpack.i.l.s16.s32 v12;
	v1 =	vpack.i.b32.b16 v1, v5;
	v5 =	vpack.i.b32.b16 v0, v13;
	[tilespmem:s20+$0xFFFFFFE0] =	vst v2  }
0x56: {  	v12 =	vunpack.i.u.s16.s32 v12;
	v2 =	vld [tilespmem:s22+$0x20];
	v13 =	vunpack.i.u.s16.s32 v11;
	v11 =	vunpack.i.l.s16.s32 v11;
	[tilespmem:s20+$0xFFFFFF80] =	vst v1  }
0x57: {  	s20 =	sadd.s32 $0x100, s20;
	v0 =	vunpack.i.u.s16.s32 v9;
	v1 =	vunpack.i.l.s16.s32 v9;
	v9 =	vld [tilespmem:s22+$0xFFFFFE30];
	v12 =	vpack.i.b32.b16 v13, v12;
	[tilespmem:s19+$0x0] =	vst v5  }
0x58: {  	v6 =	vpack.i.b32.b16 v8, v6;
	v5 =	vunpack.i.u.s16.s32 v7;
	v7 =	vunpack.i.l.s16.s32 v7;
	v13 =	vld [tilespmem:s22+$0x30];
	[tilespmem:s20+$0x70] =	vst v12  }
0x59: {  	v4 =	vpack.i.b32.b16 v11, v4;
	v8 =	vunpack.i.u.s16.s32 v10;
	v10 =	vunpack.i.l.s16.s32 v10;
	v12 =	vld [tilespmem:s22+$0xFFFFFE40];
	[tilespmem:s19+$0x60] =	vst v6;
	s19 =	smov.u32 s20  }
0x5a: {  	v6 =	vpack.i.b32.b16 v10, v7;
	v7 =	vunpack.i.u.s16.s32 v3;
	v3 =	vunpack.i.l.s16.s32 v3;
	v11 =	vld [tilespmem:s22+$0x40];
	[tilespmem:s20+$0xFFFFFFF0] =	vst v4  }
.Ltmp4:
0x5b: {  	v5 =	vpack.i.b32.b16 v8, v5;
	[tilespmem:s20+$0xFFFFFF90] =	vst v6;
	v8 =	vunpack.i.u.s16.s32 v2;
	v2 =	vunpack.i.l.s16.s32 v2;
	v4 =	vld [tilespmem:s22+$0xFFFFFE50];
	(pc) =	sbr.rel @p0 .LBB1_5-.Ltmp4, $4  }
0x5c: {  	[tilespmem:s20+$0x10] =	vst v5;
	v2 =	vpack.i.b32.b16 v2, v3;
	v10 =	vunpack.i.u.s16.s32 v9;
	v3 =	vunpack.i.l.s16.s32 v9;
	v6 =	vld [tilespmem:s22+$0x50]  }
0x5d: {  	v5 =	vpack.i.b32.b16 v8, v7;
	[tilespmem:s20+$0xFFFFFFA0] =	vst v2;
	v9 =	vunpack.i.u.s16.s32 v13;
	v7 =	vunpack.i.l.s16.s32 v13;
	v2 =	vld [tilespmem:s22+$0xFFFFFE60]  }
0x5e: {  	[tilespmem:s20+$0x20] =	vst v5;
	v13 =	vpack.i.b32.b16 v7, v3;
	v7 =	vunpack.i.u.s16.s32 v12;
	v8 =	vunpack.i.l.s16.s32 v12;
	v3 =	vld [tilespmem:s22+$0x60]  }
0x5f: {  	v10 =	vpack.i.b32.b16 v9, v10;
	v5 =	vld [tilespmem:s22+$0xFFFFFE00];
	[tilespmem:s20+$0xFFFFFFB0] =	vst v13;
	v9 =	vunpack.i.u.s16.s32 v11;
	v11 =	vunpack.i.l.s16.s32 v11;
	s22 =	sadd.s32 $0x80, s22  }
0x60: {  	[tilespmem:s20+$0x30] =	vst v10;
	v8 =	vpack.i.b32.b16 v11, v8  }
0x61: {  	v51 =	vunpack.i.l.s16.s32 v4;
	v7 =	vpack.i.b32.b16 v9, v7;
	[tilespmem:s20+$0xFFFFFFC0] =	vst v8;
	v52 =	vunpack.i.l.s16.s32 v6  }
0x62: {  	v53 =	vunpack.i.u.s16.s32 v4;
	s18 =	sadd.s32 $0x1, s18;
	v54 =	vunpack.i.u.s16.s32 v6;
	[tilespmem:s20+$0x40] =	vst v7;
	v55 =	vpack.i.b32.b16 v52, v51  }
0x63: {  	p0 =	sne.s32 s18, s15;
	v56 =	vunpack.i.l.s16.s32 v2;
	v4 =	vpack.i.b32.b16 v54, v53;
	[tilespmem:s20+$0xFFFFFFD0] =	vst v55;
	v57 =	vunpack.i.l.s16.s32 v3  }
.Ltmp5:
0x64: {  	[tilespmem:s20+$0x50] =	vst v4;
	v58 =	vunpack.i.l.s16.s32 v5;
	v59 =	vpack.i.b32.b16 v57, v56;
	(pc) =	sbr.rel @p0 .LBB1_4-.Ltmp5, $4  }
.Ltmp6:
0x65: {  	v61 =	vunpack.i.u.s16.s32 v2;
	v62 =	vunpack.i.u.s16.s32 v3;
	v1 =	vpack.i.b32.b16 v1, v58;
	[tilespmem:s20+$0xFFFFFFE0] =	vst v59;
	(pc) =	sbr.rel @!p0 .LBB1_7-.Ltmp6, $4  }
0x66: {  	v60 =	vunpack.i.u.s16.s32 v5;
	v63 =	vpack.i.b32.b16 v62, v61;
	[tilespmem:s20+$0xFFFFFF80] =	vst v1  }
0x67: {  	v0 =	vpack.i.b32.b16 v0, v60;
	[tilespmem:s19+$0x60] =	vst v63  }
0x68: {  	s16 =	sadd.s32 $0x400, s16;
	s17 =	sadd.s32 $0x400, s17;
	[tilespmem:s19+$0x0] =	vst v0  }
0x69: {  	_ = 	snop  }
.LBB1_9:
0x6a: {  	_ =	sfence.sel $0x180000  }
0x6b: {  	s2 =	simm.s32 $0x1;
	[bflag:$0x0] =	sbarrier.arrive $0xFFFF  }
0x6c: {  	s31 =	simm.s32 $0x2;
	[sflag:s2] =	ssyncpa.u1 $0x1  }
0x6d: {  	[sflag:s31] =	ssyncpa.u1 $0x1  }
0x6e: {  	p0 =	sne.s32 s1, $0x0;
	_ =	strace $0x9000004A  }
0x6f: {  	s0 =	sadd.s32 @!p0 $0x100000, s0;
	[bflag:$0x2] =	sbarrier.arrive $0xFFFF  }
0x70: {  	[sflag:s0] =	ssyncadd.tile.s32 @!p0 $0x1;
	_ =	shalt  }
.Lfunc_end1:
_tile_overlayer_lowered:
.L_overlay_start_2:
0x71: {  	(tag) =	ssettag $0x2  }
0x72: {  	s0 =	rddreg [dreg:$0x0];
	s2 =	stileid.u32  }
0x73: {  	s1 =	rddreg [dreg:$0x1];
	p0 =	sne.s32 s2, $0x0  }
0x74: {  	s3 =	rddreg [dreg:$0x2];
	[bflag:$0x3] =	sbarrier.arrive $0xFFFF;
	s2 =	simm.s32 @!p0 $0x1C01  }
0x75: {  	[timem:s3], [sflag:s2] =	dma.local @!p0 [hbm:s0], s1  }
0x76: {  	s0 =	simm.s32 @!p0 $0x1  }
0x77: {  	_ =	swait.ge @!p0 [sflag:s0], s1  }
0x78: {  	s1 =	ssub.s32 @!p0 $0x0, s1;
	[sflag:s0] =	ssyncset.done @!p0 $0x0  }
0x79: {  	[sflag:s0] =	ssyncadd.s32 @!p0 s1  }
0x7a: {  	[bflag:$0x3] =	sbarrier.arrive $0xFFFF  }
0x7b: {  	_ =	shalt  }

</sc_bundles>
